<compile_context>
chip_gen: v7x
topology: tpu7x:2x2x1
jax: 0.10.2.dev20260603
libtpu: 0.0.44.dev20260713+nightly
codegen_flags: <defaults>
</compile_context>

<pallas_src>
import functools

import jax
import jax.numpy as jnp
from jax import lax
from jax.experimental import pallas as pl
from jax.experimental.pallas import tpu as pltpu
from jax.experimental.pallas import tpu_sc as plsc

VOCAB = 1000000
DIM = 64
BATCH = 16384
NEG = 20

NC = 2
NS = 16
NW = NC * NS

PB = BATCH // NW
CB = 32
NCHUNK = PB // CB
NROWS_NEG = CB * NEG
IDX_W = 128
NEG_GATHERS = NROWS_NEG // IDX_W
NEG_IDX_ROWS = PB * NEG // IDX_W


def _body(center_idx_h, pos_idx_h, neg_idx_h, center_table_h, context_table_h,
          pos_out_h, neg_out_h,
          cidx_v, pidx_v, nidx_v,
          crows0_v, prows0_v, nrows0_v, crows1_v, prows1_v, nrows1_v,
          out_pos_v, out_neg_v, sem0, sem1):
    wid = lax.axis_index("s") * NC + lax.axis_index("c")
    base = wid * PB

    pltpu.sync_copy(center_idx_h.at[pl.ds(base, PB)], cidx_v)
    pltpu.sync_copy(pos_idx_h.at[pl.ds(base, PB)], pidx_v)
    pltpu.sync_copy(neg_idx_h.at[pl.ds(wid * NEG_IDX_ROWS, NEG_IDX_ROWS), :],
                    nidx_v)

    bufs = ((crows0_v, prows0_v, nrows0_v, sem0),
            (crows1_v, prows1_v, nrows1_v, sem1))

    def descs(c, buf):
        crows_v, prows_v, nrows_v, sem = buf
        cps = [
            pltpu.make_async_copy(
                center_table_h.at[cidx_v.at[pl.ds(c * CB, CB)]], crows_v, sem),
            pltpu.make_async_copy(
                context_table_h.at[pidx_v.at[pl.ds(c * CB, CB)]], prows_v, sem),
        ]
        for j in range(NEG_GATHERS):
            cps.append(pltpu.make_async_copy(
                context_table_h.at[nidx_v.at[c * NEG_GATHERS + j]],
                nrows_v.at[pl.ds(j * IDX_W, IDX_W), :], sem))
        return cps

    def issue(c, buf):
        for cp in descs(c, buf):
            cp.start()

    def compute(c, buf):
        for cp in descs(c, buf):
            cp.wait()
        crows_v, prows_v, nrows_v, _ = buf
        lane = lax.iota(jnp.int32, 16)
        for g in range(CB // 16):
            rows = lane + g * 16
            rows_neg = rows * NEG

            def d_body(d, accs):
                col = jnp.full((16,), 0, jnp.int32) + d
                c_d = plsc.load_gather(crows_v, [rows, col])
                p_d = plsc.load_gather(prows_v, [rows, col])
                new = [accs[0] + c_d * p_d]
                for k in range(NEG):
                    n_d = plsc.load_gather(nrows_v, [rows_neg + k, col])
                    new.append(accs[1 + k] + c_d * n_d)
                return tuple(new)

            zero = jnp.zeros((16,), jnp.float32)
            accs = lax.fori_loop(0, DIM, d_body, (zero,) * (NEG + 1))
            base_e = c * CB + g * 16
            out_pos_v[pl.ds(base_e, 16)] = accs[0]
            flat = (base_e + lane) * NEG
            for k in range(NEG):
                plsc.store_scatter(out_neg_v, [flat + k], accs[1 + k])

    issue(0, bufs[0])

    def pair_body(i, _):
        c0 = 2 * i
        issue(c0 + 1, bufs[1])
        compute(c0, bufs[0])

        @pl.when(i < NCHUNK // 2 - 1)
        def _():
            issue(c0 + 2, bufs[0])

        compute(c0 + 1, bufs[1])
        return 0

    lax.fori_loop(0, NCHUNK // 2, pair_body, 0)

    pltpu.sync_copy(out_pos_v, pos_out_h.at[pl.ds(base, PB)])
    pltpu.sync_copy(out_neg_v, neg_out_h.at[pl.ds(base * NEG, PB * NEG)])


@jax.jit
def _run(center_words, pos_words, neg_words, center_table, context_table):
    neg2d = neg_words.reshape(BATCH * NEG // IDX_W, IDX_W)
    mesh = plsc.VectorSubcoreMesh(core_axis_name="c", subcore_axis_name="s")
    f = pl.kernel(
        _body,
        out_type=(
            jax.ShapeDtypeStruct((BATCH,), jnp.float32),
            jax.ShapeDtypeStruct((BATCH * NEG,), jnp.float32),
        ),
        mesh=mesh,
        compiler_params=pltpu.CompilerParams(
            use_tc_tiling_on_sc=False, needs_layout_passes=False),
        scratch_types=[
            pltpu.VMEM((PB,), jnp.int32),
            pltpu.VMEM((PB,), jnp.int32),
            pltpu.VMEM((NEG_IDX_ROWS, IDX_W), jnp.int32),
            pltpu.VMEM((CB, DIM), jnp.float32),
            pltpu.VMEM((CB, DIM), jnp.float32),
            pltpu.VMEM((NROWS_NEG, DIM), jnp.float32),
            pltpu.VMEM((CB, DIM), jnp.float32),
            pltpu.VMEM((CB, DIM), jnp.float32),
            pltpu.VMEM((NROWS_NEG, DIM), jnp.float32),
            pltpu.VMEM((PB,), jnp.float32),
            pltpu.VMEM((PB * NEG,), jnp.float32),
            pltpu.SemaphoreType.DMA,
            pltpu.SemaphoreType.DMA,
        ],
    )
    pos_probs, neg_flat = f(center_words, pos_words, neg2d, center_table,
                            context_table)
    return pos_probs, neg_flat.reshape(BATCH, NEG)


def kernel(center_words, pos_words, neg_words, center_table, context_table):
    center_words = center_words.astype(jnp.int32)
    pos_words = pos_words.astype(jnp.int32)
    neg_words = neg_words.astype(jnp.int32)
    return _run(center_words, pos_words, neg_words, center_table,
                context_table)

# --- scband reference (transcript-rebuilt; emitter-appended) ---
"""Pipeline reference for scband-skip-gram-model-negative-sampling-63101659513369 (READ-ONLY COPY).

The authoritative reference and input builder live on the scoring server;
editing this copy changes nothing except your own understanding.
"""

import jax, jax.numpy as jnp
import numpy as np

VOCAB = 1000000
DIM = 64
BATCH = 16384
NEG = 20

def setup_inputs(seed: int = 0) -> dict:
    key = jax.random.key(seed)
    k1, k2, k3, k4, k5 = jax.random.split(key, 5)
    center_words = jax.random.randint(k1, (BATCH,), 0, VOCAB, dtype=jnp.int64) if jax.config.jax_enable_x64 else jax.random.randint(k1, (BATCH,), 0, VOCAB).astype(jnp.int32)
    pos_words = jax.random.randint(k2, (BATCH,), 0, VOCAB).astype(center_words.dtype)
    neg_words = jax.random.randint(k3, (BATCH, NEG), 0, VOCAB).astype(center_words.dtype)
    center_table = jax.random.normal(k4, (VOCAB, DIM), dtype=jnp.float32) * 0.02
    context_table = jax.random.normal(k5, (VOCAB, DIM), dtype=jnp.float32) * 0.02
    return {
        "center_words": center_words,
        "pos_words": pos_words,
        "neg_words": neg_words,
        "center_table": center_table,
        "context_table": context_table,
    }

def reference(center_words, pos_words, neg_words, center_table, context_table):
    # center_emb = self.center_emb(center_words)
    center_emb = jnp.take(center_table, center_words, axis=0)          # [B, D]
    # pos_emb = self.context_emb(pos_words)
    pos_emb = jnp.take(context_table, pos_words, axis=0)               # [B, D]
    # neg_emb = self.context_emb(neg_words)
    neg_emb = jnp.take(context_table, neg_words, axis=0)               # [B, K, D]
    # pos_probs = sum(center_emb * pos_emb, dim=1)
    pos_probs = jnp.sum(center_emb * pos_emb, axis=1)                  # [B]
    # neg_probs = bmm(neg_emb, center_emb.unsqueeze(2)).squeeze()
    neg_probs = jnp.einsum('bkd,bd->bk', neg_emb, center_emb)          # [B, K]
    return (pos_probs, neg_probs)

if __name__ == "__main__":
    import jax
    _d = setup_inputs()
    print(jax.jit(kernel)(*tuple(_d.values())))

</pallas_src>

<mosaic_0001>
#map = affine_map<(d0, d1) -> (0)>
#map1 = affine_map<(d0, d1) -> (0, 0)>
module attributes {stable_mosaic.version = 14 : i64} {
  func.func @_body(%arg0: i32, %arg1: i32, %arg2: memref<16384xi32, #tpu.memory_space<hbm>>, %arg3: memref<16384xi32, #tpu.memory_space<hbm>>, %arg4: memref<2560x128xi32, #tpu.memory_space<hbm>>, %arg5: memref<1000000x64xf32, #tpu.memory_space<hbm>>, %arg6: memref<1000000x64xf32, #tpu.memory_space<hbm>>, %arg7: memref<16384xf32, #tpu.memory_space<hbm>>, %arg8: memref<327680xf32, #tpu.memory_space<hbm>>, %arg9: memref<512xi32, #tpu.memory_space<vmem>>, %arg10: memref<512xi32, #tpu.memory_space<vmem>>, %arg11: memref<80x128xi32, #tpu.memory_space<vmem>>, %arg12: memref<32x64xf32, #tpu.memory_space<vmem>>, %arg13: memref<32x64xf32, #tpu.memory_space<vmem>>, %arg14: memref<640x64xf32, #tpu.memory_space<vmem>>, %arg15: memref<32x64xf32, #tpu.memory_space<vmem>>, %arg16: memref<32x64xf32, #tpu.memory_space<vmem>>, %arg17: memref<640x64xf32, #tpu.memory_space<vmem>>, %arg18: memref<512xf32, #tpu.memory_space<vmem>>, %arg19: memref<10240xf32, #tpu.memory_space<vmem>>, %arg20: memref<!tpu.dma_semaphore, #tpu.memory_space<semaphore_mem>>, %arg21: memref<!tpu.dma_semaphore, #tpu.memory_space<semaphore_mem>>) attributes {dimension_semantics = [#tpu.dimension_semantics<core_parallel>, #tpu.dimension_semantics<subcore_parallel>], iteration_bounds = array<i64: 2, 16>, scalar_prefetch = 0 : i64, scratch_operands = 13 : i64, tpu.core_type = #tpu.core_type<sc_vector_subcore>, window_params = [{transform_indices = #map}, {transform_indices = #map}, {transform_indices = #map1}, {transform_indices = #map1}, {transform_indices = #map1}, {transform_indices = #map}, {transform_indices = #map}]} {
    %mul3A = arith.constant 2 : i32
    %mul3A_0 = arith.muli %arg1, %mul3A : i32
    %add3A = arith.addi %mul3A_0, %arg0 : i32
    %mul3A_1 = arith.constant 512 : i32
    %mul3A_2 = arith.muli %add3A, %mul3A_1 : i32
    "tpu.region"() ({
      %run_scoped3A = tpu.sem_alloc : memref<!tpu.dma_semaphore, #tpu.memory_space<semaphore_mem>>
      %dma_start3A_72 = tpu.memref_slice %arg2[%mul3A_2] : memref<16384xi32, #tpu.memory_space<hbm>> -> memref<512xi32, #tpu.memory_space<hbm>>
      %dma_start3A_73 = tpu.memref_slice %arg2[%mul3A_2] : memref<16384xi32, #tpu.memory_space<hbm>> -> memref<512xi32, #tpu.memory_space<hbm>>
      tpu.enqueue_dma source(%dma_start3A_73 : memref<512xi32, #tpu.memory_space<hbm>>) target(%arg9 : memref<512xi32, #tpu.memory_space<vmem>>) target_semaphore(%run_scoped3A : memref<!tpu.dma_semaphore, #tpu.memory_space<semaphore_mem>>)
      %dma_wait3A = tpu.memref_slice %arg2[%mul3A_2] : memref<16384xi32, #tpu.memory_space<hbm>> -> memref<512xi32, #tpu.memory_space<hbm>>
      %dma_wait3A_74 = tpu.memref_slice %arg2[%mul3A_2] : memref<16384xi32, #tpu.memory_space<hbm>> -> memref<512xi32, #tpu.memory_space<hbm>>
      tpu.wait_dma2 semaphore(%run_scoped3A : memref<!tpu.dma_semaphore, #tpu.memory_space<semaphore_mem>>) src(%dma_wait3A_74 : memref<512xi32, #tpu.memory_space<hbm>>) dst(%arg9 : memref<512xi32, #tpu.memory_space<vmem>>)
      tpu.yield
    }) : () -> ()
    "tpu.region"() ({
      %run_scoped3A = tpu.sem_alloc : memref<!tpu.dma_semaphore, #tpu.memory_space<semaphore_mem>>
      %dma_start3A_72 = tpu.memref_slice %arg3[%mul3A_2] : memref<16384xi32, #tpu.memory_space<hbm>> -> memref<512xi32, #tpu.memory_space<hbm>>
      %dma_start3A_73 = tpu.memref_slice %arg3[%mul3A_2] : memref<16384xi32, #tpu.memory_space<hbm>> -> memref<512xi32, #tpu.memory_space<hbm>>
      tpu.enqueue_dma source(%dma_start3A_73 : memref<512xi32, #tpu.memory_space<hbm>>) target(%arg10 : memref<512xi32, #tpu.memory_space<vmem>>) target_semaphore(%run_scoped3A : memref<!tpu.dma_semaphore, #tpu.memory_space<semaphore_mem>>)
      %dma_wait3A = tpu.memref_slice %arg3[%mul3A_2] : memref<16384xi32, #tpu.memory_space<hbm>> -> memref<512xi32, #tpu.memory_space<hbm>>
      %dma_wait3A_74 = tpu.memref_slice %arg3[%mul3A_2] : memref<16384xi32, #tpu.memory_space<hbm>> -> memref<512xi32, #tpu.memory_space<hbm>>
      tpu.wait_dma2 semaphore(%run_scoped3A : memref<!tpu.dma_semaphore, #tpu.memory_space<semaphore_mem>>) src(%dma_wait3A_74 : memref<512xi32, #tpu.memory_space<hbm>>) dst(%arg10 : memref<512xi32, #tpu.memory_space<vmem>>)
      tpu.yield
    }) : () -> ()
    %mul3A_3 = arith.constant 80 : i32
    %mul3A_4 = arith.muli %add3A, %mul3A_3 : i32
    "tpu.region"() ({
      %run_scoped3A = tpu.sem_alloc : memref<!tpu.dma_semaphore, #tpu.memory_space<semaphore_mem>>
      %dma_start3A_72 = arith.constant 0 : i32
      %dma_start3A_73 = tpu.memref_slice %arg4[%mul3A_4, %dma_start3A_72] : memref<2560x128xi32, #tpu.memory_space<hbm>> -> memref<80x128xi32, #tpu.memory_space<hbm>>
      %dma_start3A_74 = arith.constant 0 : i32
      %dma_start3A_75 = tpu.memref_slice %arg4[%mul3A_4, %dma_start3A_74] : memref<2560x128xi32, #tpu.memory_space<hbm>> -> memref<80x128xi32, #tpu.memory_space<hbm>>
      tpu.enqueue_dma source(%dma_start3A_75 : memref<80x128xi32, #tpu.memory_space<hbm>>) target(%arg11 : memref<80x128xi32, #tpu.memory_space<vmem>>) target_semaphore(%run_scoped3A : memref<!tpu.dma_semaphore, #tpu.memory_space<semaphore_mem>>)
      %dma_wait3A = arith.constant 0 : i32
      %dma_wait3A_76 = tpu.memref_slice %arg4[%mul3A_4, %dma_wait3A] : memref<2560x128xi32, #tpu.memory_space<hbm>> -> memref<80x128xi32, #tpu.memory_space<hbm>>
      %dma_wait3A_77 = arith.constant 0 : i32
      %dma_wait3A_78 = tpu.memref_slice %arg4[%mul3A_4, %dma_wait3A_77] : memref<2560x128xi32, #tpu.memory_space<hbm>> -> memref<80x128xi32, #tpu.memory_space<hbm>>
      tpu.wait_dma2 semaphore(%run_scoped3A : memref<!tpu.dma_semaphore, #tpu.memory_space<semaphore_mem>>) src(%dma_wait3A_78 : memref<80x128xi32, #tpu.memory_space<hbm>>) dst(%arg11 : memref<80x128xi32, #tpu.memory_space<vmem>>)
      tpu.yield
    }) : () -> ()
    %dma_start3A = arith.constant 0 : i32
    %dma_start3A_5 = tpu.memref_slice %arg9[%dma_start3A] : memref<512xi32, #tpu.memory_space<vmem>> -> memref<32xi32, #tpu.memory_space<vmem>>
    %dma_start3A_6 = arith.constant 0 : i32
    %dma_start3A_7 = arith.constant 0 : i32
    %dma_start3A_8 = tpu.memref_slice %arg5[%dma_start3A_6, %dma_start3A_7] : memref<1000000x64xf32, #tpu.memory_space<hbm>> -> memref<1000000x64xf32, #tpu.memory_space<hbm>>
    tpu.enqueue_indirect_dma source(%dma_start3A_8 : memref<1000000x64xf32, #tpu.memory_space<hbm>>) target(%arg12 : memref<32x64xf32, #tpu.memory_space<vmem>>) offsets(%dma_start3A_5 : memref<32xi32, #tpu.memory_space<vmem>>) semaphore(%arg20 : memref<!tpu.dma_semaphore, #tpu.memory_space<semaphore_mem>>)
    %dma_start3A_9 = arith.constant 0 : i32
    %dma_start3A_10 = tpu.memref_slice %arg10[%dma_start3A_9] : memref<512xi32, #tpu.memory_space<vmem>> -> memref<32xi32, #tpu.memory_space<vmem>>
    %dma_start3A_11 = arith.constant 0 : i32
    %dma_start3A_12 = arith.constant 0 : i32
    %dma_start3A_13 = tpu.memref_slice %arg6[%dma_start3A_11, %dma_start3A_12] : memref<1000000x64xf32, #tpu.memory_space<hbm>> -> memref<1000000x64xf32, #tpu.memory_space<hbm>>
    tpu.enqueue_indirect_dma source(%dma_start3A_13 : memref<1000000x64xf32, #tpu.memory_space<hbm>>) target(%arg13 : memref<32x64xf32, #tpu.memory_space<vmem>>) offsets(%dma_start3A_10 : memref<32xi32, #tpu.memory_space<vmem>>) semaphore(%arg20 : memref<!tpu.dma_semaphore, #tpu.memory_space<semaphore_mem>>)
    %dma_start3A_14 = arith.constant 0 : i32
    %dma_start3A_15 = arith.constant 0 : i32
    %dma_start3A_16 = arith.constant 0 : i32
    %dma_start3A_17 = tpu.memref_slice %arg14[%dma_start3A_15, %dma_start3A_16] : memref<640x64xf32, #tpu.memory_space<vmem>> -> memref<128x64xf32, #tpu.memory_space<vmem>>
    %dma_start3A_18 = arith.constant 0 : i32
    %dma_start3A_19 = tpu.memref_slice %arg11[%dma_start3A_14, %dma_start3A_18] : memref<80x128xi32, #tpu.memory_space<vmem>> -> memref<1x128xi32, #tpu.memory_space<vmem>>
    %dma_start3A_20 = tpu.memref_squeeze %dma_start3A_19 : memref<1x128xi32, #tpu.memory_space<vmem>> -> memref<128xi32, #tpu.memory_space<vmem>>
    %dma_start3A_21 = arith.constant 0 : i32
    %dma_start3A_22 = arith.constant 0 : i32
    %dma_start3A_23 = tpu.memref_slice %arg6[%dma_start3A_21, %dma_start3A_22] : memref<1000000x64xf32, #tpu.memory_space<hbm>> -> memref<1000000x64xf32, #tpu.memory_space<hbm>>
    tpu.enqueue_indirect_dma source(%dma_start3A_23 : memref<1000000x64xf32, #tpu.memory_space<hbm>>) target(%dma_start3A_17 : memref<128x64xf32, #tpu.memory_space<vmem>>) offsets(%dma_start3A_20 : memref<128xi32, #tpu.memory_space<vmem>>) semaphore(%arg20 : memref<!tpu.dma_semaphore, #tpu.memory_space<semaphore_mem>>)
    %dma_start3A_24 = arith.constant 1 : i32
    %dma_start3A_25 = arith.constant 128 : i32
    %dma_start3A_26 = arith.constant 0 : i32
    %dma_start3A_27 = tpu.memref_slice %arg14[%dma_start3A_25, %dma_start3A_26] : memref<640x64xf32, #tpu.memory_space<vmem>> -> memref<128x64xf32, #tpu.memory_space<vmem>>
    %dma_start3A_28 = arith.constant 0 : i32
    %dma_start3A_29 = tpu.memref_slice %arg11[%dma_start3A_24, %dma_start3A_28] : memref<80x128xi32, #tpu.memory_space<vmem>> -> memref<1x128xi32, #tpu.memory_space<vmem>>
    %dma_start3A_30 = tpu.memref_squeeze %dma_start3A_29 : memref<1x128xi32, #tpu.memory_space<vmem>> -> memref<128xi32, #tpu.memory_space<vmem>>
    %dma_start3A_31 = arith.constant 0 : i32
    %dma_start3A_32 = arith.constant 0 : i32
    %dma_start3A_33 = tpu.memref_slice %arg6[%dma_start3A_31, %dma_start3A_32] : memref<1000000x64xf32, #tpu.memory_space<hbm>> -> memref<1000000x64xf32, #tpu.memory_space<hbm>>
    tpu.enqueue_indirect_dma source(%dma_start3A_33 : memref<1000000x64xf32, #tpu.memory_space<hbm>>) target(%dma_start3A_27 : memref<128x64xf32, #tpu.memory_space<vmem>>) offsets(%dma_start3A_30 : memref<128xi32, #tpu.memory_space<vmem>>) semaphore(%arg20 : memref<!tpu.dma_semaphore, #tpu.memory_space<semaphore_mem>>)
    %dma_start3A_34 = arith.constant 2 : i32
    %dma_start3A_35 = arith.constant 256 : i32
    %dma_start3A_36 = arith.constant 0 : i32
    %dma_start3A_37 = tpu.memref_slice %arg14[%dma_start3A_35, %dma_start3A_36] : memref<640x64xf32, #tpu.memory_space<vmem>> -> memref<128x64xf32, #tpu.memory_space<vmem>>
    %dma_start3A_38 = arith.constant 0 : i32
    %dma_start3A_39 = tpu.memref_slice %arg11[%dma_start3A_34, %dma_start3A_38] : memref<80x128xi32, #tpu.memory_space<vmem>> -> memref<1x128xi32, #tpu.memory_space<vmem>>
    %dma_start3A_40 = tpu.memref_squeeze %dma_start3A_39 : memref<1x128xi32, #tpu.memory_space<vmem>> -> memref<128xi32, #tpu.memory_space<vmem>>
    %dma_start3A_41 = arith.constant 0 : i32
    %dma_start3A_42 = arith.constant 0 : i32
    %dma_start3A_43 = tpu.memref_slice %arg6[%dma_start3A_41, %dma_start3A_42] : memref<1000000x64xf32, #tpu.memory_space<hbm>> -> memref<1000000x64xf32, #tpu.memory_space<hbm>>
    tpu.enqueue_indirect_dma source(%dma_start3A_43 : memref<1000000x64xf32, #tpu.memory_space<hbm>>) target(%dma_start3A_37 : memref<128x64xf32, #tpu.memory_space<vmem>>) offsets(%dma_start3A_40 : memref<128xi32, #tpu.memory_space<vmem>>) semaphore(%arg20 : memref<!tpu.dma_semaphore, #tpu.memory_space<semaphore_mem>>)
    %dma_start3A_44 = arith.constant 3 : i32
    %dma_start3A_45 = arith.constant 384 : i32
    %dma_start3A_46 = arith.constant 0 : i32
    %dma_start3A_47 = tpu.memref_slice %arg14[%dma_start3A_45, %dma_start3A_46] : memref<640x64xf32, #tpu.memory_space<vmem>> -> memref<128x64xf32, #tpu.memory_space<vmem>>
    %dma_start3A_48 = arith.constant 0 : i32
    %dma_start3A_49 = tpu.memref_slice %arg11[%dma_start3A_44, %dma_start3A_48] : memref<80x128xi32, #tpu.memory_space<vmem>> -> memref<1x128xi32, #tpu.memory_space<vmem>>
    %dma_start3A_50 = tpu.memref_squeeze %dma_start3A_49 : memref<1x128xi32, #tpu.memory_space<vmem>> -> memref<128xi32, #tpu.memory_space<vmem>>
    %dma_start3A_51 = arith.constant 0 : i32
    %dma_start3A_52 = arith.constant 0 : i32
    %dma_start3A_53 = tpu.memref_slice %arg6[%dma_start3A_51, %dma_start3A_52] : memref<1000000x64xf32, #tpu.memory_space<hbm>> -> memref<1000000x64xf32, #tpu.memory_space<hbm>>
    tpu.enqueue_indirect_dma source(%dma_start3A_53 : memref<1000000x64xf32, #tpu.memory_space<hbm>>) target(%dma_start3A_47 : memref<128x64xf32, #tpu.memory_space<vmem>>) offsets(%dma_start3A_50 : memref<128xi32, #tpu.memory_space<vmem>>) semaphore(%arg20 : memref<!tpu.dma_semaphore, #tpu.memory_space<semaphore_mem>>)
    %dma_start3A_54 = arith.constant 4 : i32
    %dma_start3A_55 = arith.constant 512 : i32
    %dma_start3A_56 = arith.constant 0 : i32
    %dma_start3A_57 = tpu.memref_slice %arg14[%dma_start3A_55, %dma_start3A_56] : memref<640x64xf32, #tpu.memory_space<vmem>> -> memref<128x64xf32, #tpu.memory_space<vmem>>
    %dma_start3A_58 = arith.constant 0 : i32
    %dma_start3A_59 = tpu.memref_slice %arg11[%dma_start3A_54, %dma_start3A_58] : memref<80x128xi32, #tpu.memory_space<vmem>> -> memref<1x128xi32, #tpu.memory_space<vmem>>
    %dma_start3A_60 = tpu.memref_squeeze %dma_start3A_59 : memref<1x128xi32, #tpu.memory_space<vmem>> -> memref<128xi32, #tpu.memory_space<vmem>>
    %dma_start3A_61 = arith.constant 0 : i32
    %dma_start3A_62 = arith.constant 0 : i32
    %dma_start3A_63 = tpu.memref_slice %arg6[%dma_start3A_61, %dma_start3A_62] : memref<1000000x64xf32, #tpu.memory_space<hbm>> -> memref<1000000x64xf32, #tpu.memory_space<hbm>>
    tpu.enqueue_indirect_dma source(%dma_start3A_63 : memref<1000000x64xf32, #tpu.memory_space<hbm>>) target(%dma_start3A_57 : memref<128x64xf32, #tpu.memory_space<vmem>>) offsets(%dma_start3A_60 : memref<128xi32, #tpu.memory_space<vmem>>) semaphore(%arg20 : memref<!tpu.dma_semaphore, #tpu.memory_space<semaphore_mem>>)
    %scan3A = arith.constant 0 : i32
    %scan3A_64 = arith.constant 0 : i32
    %scan3A_65 = arith.constant 8 : i32
    %scan3A_66 = arith.addi %scan3A_64, %scan3A_65 : i32
    %scan3A_67 = arith.constant 1 : i32
    %scan3A_68 = scf.for %scan3A_72 = %scan3A_64 to %scan3A_66 step %scan3A_67 iter_args(%scan3A_73 = %scan3A) -> (i32)  : i32 {
      %mul3A_74 = arith.constant 2 : i32
      %mul3A_75 = arith.muli %mul3A_74, %scan3A_72 : i32
      %add3A_76 = arith.constant 1 : i32
      %add3A_77 = arith.addi %mul3A_75, %add3A_76 : i32
      %mul3A_78 = arith.constant 32 : i32
      %mul3A_79 = arith.muli %add3A_77, %mul3A_78 : i32
      %mul3A_80 = arith.constant 32 : i32
      %mul3A_81 = arith.muli %add3A_77, %mul3A_80 : i32
      %mul3A_82 = arith.constant 5 : i32
      %mul3A_83 = arith.muli %add3A_77, %mul3A_82 : i32
      %add3A_84 = arith.constant 0 : i32
      %add3A_85 = arith.addi %mul3A_83, %add3A_84 : i32
      %mul3A_86 = arith.constant 5 : i32
      %mul3A_87 = arith.muli %add3A_77, %mul3A_86 : i32
      %add3A_88 = arith.constant 1 : i32
      %add3A_89 = arith.addi %mul3A_87, %add3A_88 : i32
      %mul3A_90 = arith.constant 5 : i32
      %mul3A_91 = arith.muli %add3A_77, %mul3A_90 : i32
      %add3A_92 = arith.constant 2 : i32
      %add3A_93 = arith.addi %mul3A_91, %add3A_92 : i32
      %mul3A_94 = arith.constant 5 : i32
      %mul3A_95 = arith.muli %add3A_77, %mul3A_94 : i32
      %add3A_96 = arith.constant 3 : i32
      %add3A_97 = arith.addi %mul3A_95, %add3A_96 : i32
      %mul3A_98 = arith.constant 5 : i32
      %mul3A_99 = arith.muli %add3A_77, %mul3A_98 : i32
      %add3A_100 = arith.constant 4 : i32
      %add3A_101 = arith.addi %mul3A_99, %add3A_100 : i32
      %dma_start3A_102 = tpu.memref_slice %arg9[%mul3A_79] : memref<512xi32, #tpu.memory_space<vmem>> -> memref<32xi32, #tpu.memory_space<vmem>>
      %dma_start3A_103 = arith.constant 0 : i32
      %dma_start3A_104 = arith.constant 0 : i32
      %dma_start3A_105 = tpu.memref_slice %arg5[%dma_start3A_103, %dma_start3A_104] : memref<1000000x64xf32, #tpu.memory_space<hbm>> -> memref<1000000x64xf32, #tpu.memory_space<hbm>>
      tpu.enqueue_indirect_dma source(%dma_start3A_105 : memref<1000000x64xf32, #tpu.memory_space<hbm>>) target(%arg15 : memref<32x64xf32, #tpu.memory_space<vmem>>) offsets(%dma_start3A_102 : memref<32xi32, #tpu.memory_space<vmem>>) semaphore(%arg21 : memref<!tpu.dma_semaphore, #tpu.memory_space<semaphore_mem>>)
      %dma_start3A_106 = tpu.memref_slice %arg10[%mul3A_81] : memref<512xi32, #tpu.memory_space<vmem>> -> memref<32xi32, #tpu.memory_space<vmem>>
      %dma_start3A_107 = arith.constant 0 : i32
      %dma_start3A_108 = arith.constant 0 : i32
      %dma_start3A_109 = tpu.memref_slice %arg6[%dma_start3A_107, %dma_start3A_108] : memref<1000000x64xf32, #tpu.memory_space<hbm>> -> memref<1000000x64xf32, #tpu.memory_space<hbm>>
      tpu.enqueue_indirect_dma source(%dma_start3A_109 : memref<1000000x64xf32, #tpu.memory_space<hbm>>) target(%arg16 : memref<32x64xf32, #tpu.memory_space<vmem>>) offsets(%dma_start3A_106 : memref<32xi32, #tpu.memory_space<vmem>>) semaphore(%arg21 : memref<!tpu.dma_semaphore, #tpu.memory_space<semaphore_mem>>)
      %dma_start3A_110 = arith.constant 0 : i32
      %dma_start3A_111 = arith.constant 0 : i32
      %dma_start3A_112 = tpu.memref_slice %arg17[%dma_start3A_110, %dma_start3A_111] : memref<640x64xf32, #tpu.memory_space<vmem>> -> memref<128x64xf32, #tpu.memory_space<vmem>>
      %dma_start3A_113 = arith.constant 0 : i32
      %dma_start3A_114 = tpu.memref_slice %arg11[%add3A_85, %dma_start3A_113] : memref<80x128xi32, #tpu.memory_space<vmem>> -> memref<1x128xi32, #tpu.memory_space<vmem>>
      %dma_start3A_115 = tpu.memref_squeeze %dma_start3A_114 : memref<1x128xi32, #tpu.memory_space<vmem>> -> memref<128xi32, #tpu.memory_space<vmem>>
      %dma_start3A_116 = arith.constant 0 : i32
      %dma_start3A_117 = arith.constant 0 : i32
      %dma_start3A_118 = tpu.memref_slice %arg6[%dma_start3A_116, %dma_start3A_117] : memref<1000000x64xf32, #tpu.memory_space<hbm>> -> memref<1000000x64xf32, #tpu.memory_space<hbm>>
      tpu.enqueue_indirect_dma source(%dma_start3A_118 : memref<1000000x64xf32, #tpu.memory_space<hbm>>) target(%dma_start3A_112 : memref<128x64xf32, #tpu.memory_space<vmem>>) offsets(%dma_start3A_115 : memref<128xi32, #tpu.memory_space<vmem>>) semaphore(%arg21 : memref<!tpu.dma_semaphore, #tpu.memory_space<semaphore_mem>>)
      %dma_start3A_119 = arith.constant 128 : i32
      %dma_start3A_120 = arith.constant 0 : i32
      %dma_start3A_121 = tpu.memref_slice %arg17[%dma_start3A_119, %dma_start3A_120] : memref<640x64xf32, #tpu.memory_space<vmem>> -> memref<128x64xf32, #tpu.memory_space<vmem>>
      %dma_start3A_122 = arith.constant 0 : i32
      %dma_start3A_123 = tpu.memref_slice %arg11[%add3A_89, %dma_start3A_122] : memref<80x128xi32, #tpu.memory_space<vmem>> -> memref<1x128xi32, #tpu.memory_space<vmem>>
      %dma_start3A_124 = tpu.memref_squeeze %dma_start3A_123 : memref<1x128xi32, #tpu.memory_space<vmem>> -> memref<128xi32, #tpu.memory_space<vmem>>
      %dma_start3A_125 = arith.constant 0 : i32
      %dma_start3A_126 = arith.constant 0 : i32
      %dma_start3A_127 = tpu.memref_slice %arg6[%dma_start3A_125, %dma_start3A_126] : memref<1000000x64xf32, #tpu.memory_space<hbm>> -> memref<1000000x64xf32, #tpu.memory_space<hbm>>
      tpu.enqueue_indirect_dma source(%dma_start3A_127 : memref<1000000x64xf32, #tpu.memory_space<hbm>>) target(%dma_start3A_121 : memref<128x64xf32, #tpu.memory_space<vmem>>) offsets(%dma_start3A_124 : memref<128xi32, #tpu.memory_space<vmem>>) semaphore(%arg21 : memref<!tpu.dma_semaphore, #tpu.memory_space<semaphore_mem>>)
      %dma_start3A_128 = arith.constant 256 : i32
      %dma_start3A_129 = arith.constant 0 : i32
      %dma_start3A_130 = tpu.memref_slice %arg17[%dma_start3A_128, %dma_start3A_129] : memref<640x64xf32, #tpu.memory_space<vmem>> -> memref<128x64xf32, #tpu.memory_space<vmem>>
      %dma_start3A_131 = arith.constant 0 : i32
      %dma_start3A_132 = tpu.memref_slice %arg11[%add3A_93, %dma_start3A_131] : memref<80x128xi32, #tpu.memory_space<vmem>> -> memref<1x128xi32, #tpu.memory_space<vmem>>
      %dma_start3A_133 = tpu.memref_squeeze %dma_start3A_132 : memref<1x128xi32, #tpu.memory_space<vmem>> -> memref<128xi32, #tpu.memory_space<vmem>>
      %dma_start3A_134 = arith.constant 0 : i32
      %dma_start3A_135 = arith.constant 0 : i32
      %dma_start3A_136 = tpu.memref_slice %arg6[%dma_start3A_134, %dma_start3A_135] : memref<1000000x64xf32, #tpu.memory_space<hbm>> -> memref<1000000x64xf32, #tpu.memory_space<hbm>>
      tpu.enqueue_indirect_dma source(%dma_start3A_136 : memref<1000000x64xf32, #tpu.memory_space<hbm>>) target(%dma_start3A_130 : memref<128x64xf32, #tpu.memory_space<vmem>>) offsets(%dma_start3A_133 : memref<128xi32, #tpu.memory_space<vmem>>) semaphore(%arg21 : memref<!tpu.dma_semaphore, #tpu.memory_space<semaphore_mem>>)
      %dma_start3A_137 = arith.constant 384 : i32
      %dma_start3A_138 = arith.constant 0 : i32
      %dma_start3A_139 = tpu.memref_slice %arg17[%dma_start3A_137, %dma_start3A_138] : memref<640x64xf32, #tpu.memory_space<vmem>> -> memref<128x64xf32, #tpu.memory_space<vmem>>
      %dma_start3A_140 = arith.constant 0 : i32
      %dma_start3A_141 = tpu.memref_slice %arg11[%add3A_97, %dma_start3A_140] : memref<80x128xi32, #tpu.memory_space<vmem>> -> memref<1x128xi32, #tpu.memory_space<vmem>>
      %dma_start3A_142 = tpu.memref_squeeze %dma_start3A_141 : memref<1x128xi32, #tpu.memory_space<vmem>> -> memref<128xi32, #tpu.memory_space<vmem>>
      %dma_start3A_143 = arith.constant 0 : i32
      %dma_start3A_144 = arith.constant 0 : i32
      %dma_start3A_145 = tpu.memref_slice %arg6[%dma_start3A_143, %dma_start3A_144] : memref<1000000x64xf32, #tpu.memory_space<hbm>> -> memref<1000000x64xf32, #tpu.memory_space<hbm>>
      tpu.enqueue_indirect_dma source(%dma_start3A_145 : memref<1000000x64xf32, #tpu.memory_space<hbm>>) target(%dma_start3A_139 : memref<128x64xf32, #tpu.memory_space<vmem>>) offsets(%dma_start3A_142 : memref<128xi32, #tpu.memory_space<vmem>>) semaphore(%arg21 : memref<!tpu.dma_semaphore, #tpu.memory_space<semaphore_mem>>)
      %dma_start3A_146 = arith.constant 512 : i32
      %dma_start3A_147 = arith.constant 0 : i32
      %dma_start3A_148 = tpu.memref_slice %arg17[%dma_start3A_146, %dma_start3A_147] : memref<640x64xf32, #tpu.memory_space<vmem>> -> memref<128x64xf32, #tpu.memory_space<vmem>>
      %dma_start3A_149 = arith.constant 0 : i32
      %dma_start3A_150 = tpu.memref_slice %arg11[%add3A_101, %dma_start3A_149] : memref<80x128xi32, #tpu.memory_space<vmem>> -> memref<1x128xi32, #tpu.memory_space<vmem>>
      %dma_start3A_151 = tpu.memref_squeeze %dma_start3A_150 : memref<1x128xi32, #tpu.memory_space<vmem>> -> memref<128xi32, #tpu.memory_space<vmem>>
      %dma_start3A_152 = arith.constant 0 : i32
      %dma_start3A_153 = arith.constant 0 : i32
      %dma_start3A_154 = tpu.memref_slice %arg6[%dma_start3A_152, %dma_start3A_153] : memref<1000000x64xf32, #tpu.memory_space<hbm>> -> memref<1000000x64xf32, #tpu.memory_space<hbm>>
      tpu.enqueue_indirect_dma source(%dma_start3A_154 : memref<1000000x64xf32, #tpu.memory_space<hbm>>) target(%dma_start3A_148 : memref<128x64xf32, #tpu.memory_space<vmem>>) offsets(%dma_start3A_151 : memref<128xi32, #tpu.memory_space<vmem>>) semaphore(%arg21 : memref<!tpu.dma_semaphore, #tpu.memory_space<semaphore_mem>>)
      %mul3A_155 = arith.constant 32 : i32
      %mul3A_156 = arith.muli %mul3A_75, %mul3A_155 : i32
      %mul3A_157 = arith.constant 32 : i32
      %mul3A_158 = arith.muli %mul3A_75, %mul3A_157 : i32
      %mul3A_159 = arith.constant 5 : i32
      %mul3A_160 = arith.muli %mul3A_75, %mul3A_159 : i32
      %add3A_161 = arith.constant 0 : i32
      %add3A_162 = arith.addi %mul3A_160, %add3A_161 : i32
      %mul3A_163 = arith.constant 5 : i32
      %mul3A_164 = arith.muli %mul3A_75, %mul3A_163 : i32
      %add3A_165 = arith.constant 1 : i32
      %add3A_166 = arith.addi %mul3A_164, %add3A_165 : i32
      %mul3A_167 = arith.constant 5 : i32
      %mul3A_168 = arith.muli %mul3A_75, %mul3A_167 : i32
      %add3A_169 = arith.constant 2 : i32
      %add3A_170 = arith.addi %mul3A_168, %add3A_169 : i32
      %mul3A_171 = arith.constant 5 : i32
      %mul3A_172 = arith.muli %mul3A_75, %mul3A_171 : i32
      %add3A_173 = arith.constant 3 : i32
      %add3A_174 = arith.addi %mul3A_172, %add3A_173 : i32
      %mul3A_175 = arith.constant 5 : i32
      %mul3A_176 = arith.muli %mul3A_75, %mul3A_175 : i32
      %add3A_177 = arith.constant 4 : i32
      %add3A_178 = arith.addi %mul3A_176, %add3A_177 : i32
      %dma_wait3A = tpu.memref_slice %arg9[%mul3A_156] : memref<512xi32, #tpu.memory_space<vmem>> -> memref<32xi32, #tpu.memory_space<vmem>>
      %dma_wait3A_179 = arith.constant 0 : i32
      %dma_wait3A_180 = arith.constant 0 : i32
      %dma_wait3A_181 = tpu.memref_slice %arg5[%dma_wait3A_179, %dma_wait3A_180] : memref<1000000x64xf32, #tpu.memory_space<hbm>> -> memref<1000000x64xf32, #tpu.memory_space<hbm>>
      tpu.wait_indirect_dma semaphore(%arg20 : memref<!tpu.dma_semaphore, #tpu.memory_space<semaphore_mem>>) src(%dma_wait3A_181 : memref<1000000x64xf32, #tpu.memory_space<hbm>>) dst(%arg12 : memref<32x64xf32, #tpu.memory_space<vmem>>)
      %dma_wait3A_182 = tpu.memref_slice %arg10[%mul3A_158] : memref<512xi32, #tpu.memory_space<vmem>> -> memref<32xi32, #tpu.memory_space<vmem>>
      %dma_wait3A_183 = arith.constant 0 : i32
      %dma_wait3A_184 = arith.constant 0 : i32
      %dma_wait3A_185 = tpu.memref_slice %arg6[%dma_wait3A_183, %dma_wait3A_184] : memref<1000000x64xf32, #tpu.memory_space<hbm>> -> memref<1000000x64xf32, #tpu.memory_space<hbm>>
      tpu.wait_indirect_dma semaphore(%arg20 : memref<!tpu.dma_semaphore, #tpu.memory_space<semaphore_mem>>) src(%dma_wait3A_185 : memref<1000000x64xf32, #tpu.memory_space<hbm>>) dst(%arg13 : memref<32x64xf32, #tpu.memory_space<vmem>>)
      %dma_wait3A_186 = arith.constant 0 : i32
      %dma_wait3A_187 = arith.constant 0 : i32
      %dma_wait3A_188 = tpu.memref_slice %arg14[%dma_wait3A_186, %dma_wait3A_187] : memref<640x64xf32, #tpu.memory_space<vmem>> -> memref<128x64xf32, #tpu.memory_space<vmem>>
      %dma_wait3A_189 = arith.constant 0 : i32
      %dma_wait3A_190 = tpu.memref_slice %arg11[%add3A_162, %dma_wait3A_189] : memref<80x128xi32, #tpu.memory_space<vmem>> -> memref<1x128xi32, #tpu.memory_space<vmem>>
      %dma_wait3A_191 = tpu.memref_squeeze %dma_wait3A_190 : memref<1x128xi32, #tpu.memory_space<vmem>> -> memref<128xi32, #tpu.memory_space<vmem>>
      %dma_wait3A_192 = arith.constant 0 : i32
      %dma_wait3A_193 = arith.constant 0 : i32
      %dma_wait3A_194 = tpu.memref_slice %arg6[%dma_wait3A_192, %dma_wait3A_193] : memref<1000000x64xf32, #tpu.memory_space<hbm>> -> memref<1000000x64xf32, #tpu.memory_space<hbm>>
      tpu.wait_indirect_dma semaphore(%arg20 : memref<!tpu.dma_semaphore, #tpu.memory_space<semaphore_mem>>) src(%dma_wait3A_194 : memref<1000000x64xf32, #tpu.memory_space<hbm>>) dst(%dma_wait3A_188 : memref<128x64xf32, #tpu.memory_space<vmem>>)
      %dma_wait3A_195 = arith.constant 128 : i32
      %dma_wait3A_196 = arith.constant 0 : i32
      %dma_wait3A_197 = tpu.memref_slice %arg14[%dma_wait3A_195, %dma_wait3A_196] : memref<640x64xf32, #tpu.memory_space<vmem>> -> memref<128x64xf32, #tpu.memory_space<vmem>>
      %dma_wait3A_198 = arith.constant 0 : i32
      %dma_wait3A_199 = tpu.memref_slice %arg11[%add3A_166, %dma_wait3A_198] : memref<80x128xi32, #tpu.memory_space<vmem>> -> memref<1x128xi32, #tpu.memory_space<vmem>>
      %dma_wait3A_200 = tpu.memref_squeeze %dma_wait3A_199 : memref<1x128xi32, #tpu.memory_space<vmem>> -> memref<128xi32, #tpu.memory_space<vmem>>
      %dma_wait3A_201 = arith.constant 0 : i32
      %dma_wait3A_202 = arith.constant 0 : i32
      %dma_wait3A_203 = tpu.memref_slice %arg6[%dma_wait3A_201, %dma_wait3A_202] : memref<1000000x64xf32, #tpu.memory_space<hbm>> -> memref<1000000x64xf32, #tpu.memory_space<hbm>>
      tpu.wait_indirect_dma semaphore(%arg20 : memref<!tpu.dma_semaphore, #tpu.memory_space<semaphore_mem>>) src(%dma_wait3A_203 : memref<1000000x64xf32, #tpu.memory_space<hbm>>) dst(%dma_wait3A_197 : memref<128x64xf32, #tpu.memory_space<vmem>>)
      %dma_wait3A_204 = arith.constant 256 : i32
      %dma_wait3A_205 = arith.constant 0 : i32
      %dma_wait3A_206 = tpu.memref_slice %arg14[%dma_wait3A_204, %dma_wait3A_205] : memref<640x64xf32, #tpu.memory_space<vmem>> -> memref<128x64xf32, #tpu.memory_space<vmem>>
      %dma_wait3A_207 = arith.constant 0 : i32
      %dma_wait3A_208 = tpu.memref_slice %arg11[%add3A_170, %dma_wait3A_207] : memref<80x128xi32, #tpu.memory_space<vmem>> -> memref<1x128xi32, #tpu.memory_space<vmem>>
      %dma_wait3A_209 = tpu.memref_squeeze %dma_wait3A_208 : memref<1x128xi32, #tpu.memory_space<vmem>> -> memref<128xi32, #tpu.memory_space<vmem>>
      %dma_wait3A_210 = arith.constant 0 : i32
      %dma_wait3A_211 = arith.constant 0 : i32
      %dma_wait3A_212 = tpu.memref_slice %arg6[%dma_wait3A_210, %dma_wait3A_211] : memref<1000000x64xf32, #tpu.memory_space<hbm>> -> memref<1000000x64xf32, #tpu.memory_space<hbm>>
      tpu.wait_indirect_dma semaphore(%arg20 : memref<!tpu.dma_semaphore, #tpu.memory_space<semaphore_mem>>) src(%dma_wait3A_212 : memref<1000000x64xf32, #tpu.memory_space<hbm>>) dst(%dma_wait3A_206 : memref<128x64xf32, #tpu.memory_space<vmem>>)
      %dma_wait3A_213 = arith.constant 384 : i32
      %dma_wait3A_214 = arith.constant 0 : i32
      %dma_wait3A_215 = tpu.memref_slice %arg14[%dma_wait3A_213, %dma_wait3A_214] : memref<640x64xf32, #tpu.memory_space<vmem>> -> memref<128x64xf32, #tpu.memory_space<vmem>>
      %dma_wait3A_216 = arith.constant 0 : i32
      %dma_wait3A_217 = tpu.memref_slice %arg11[%add3A_174, %dma_wait3A_216] : memref<80x128xi32, #tpu.memory_space<vmem>> -> memref<1x128xi32, #tpu.memory_space<vmem>>
      %dma_wait3A_218 = tpu.memref_squeeze %dma_wait3A_217 : memref<1x128xi32, #tpu.memory_space<vmem>> -> memref<128xi32, #tpu.memory_space<vmem>>
      %dma_wait3A_219 = arith.constant 0 : i32
      %dma_wait3A_220 = arith.constant 0 : i32
      %dma_wait3A_221 = tpu.memref_slice %arg6[%dma_wait3A_219, %dma_wait3A_220] : memref<1000000x64xf32, #tpu.memory_space<hbm>> -> memref<1000000x64xf32, #tpu.memory_space<hbm>>
      tpu.wait_indirect_dma semaphore(%arg20 : memref<!tpu.dma_semaphore, #tpu.memory_space<semaphore_mem>>) src(%dma_wait3A_221 : memref<1000000x64xf32, #tpu.memory_space<hbm>>) dst(%dma_wait3A_215 : memref<128x64xf32, #tpu.memory_space<vmem>>)
      %dma_wait3A_222 = arith.constant 512 : i32
      %dma_wait3A_223 = arith.constant 0 : i32
      %dma_wait3A_224 = tpu.memref_slice %arg14[%dma_wait3A_222, %dma_wait3A_223] : memref<640x64xf32, #tpu.memory_space<vmem>> -> memref<128x64xf32, #tpu.memory_space<vmem>>
      %dma_wait3A_225 = arith.constant 0 : i32
      %dma_wait3A_226 = tpu.memref_slice %arg11[%add3A_178, %dma_wait3A_225] : memref<80x128xi32, #tpu.memory_space<vmem>> -> memref<1x128xi32, #tpu.memory_space<vmem>>
      %dma_wait3A_227 = tpu.memref_squeeze %dma_wait3A_226 : memref<1x128xi32, #tpu.memory_space<vmem>> -> memref<128xi32, #tpu.memory_space<vmem>>
      %dma_wait3A_228 = arith.constant 0 : i32
      %dma_wait3A_229 = arith.constant 0 : i32
      %dma_wait3A_230 = tpu.memref_slice %arg6[%dma_wait3A_228, %dma_wait3A_229] : memref<1000000x64xf32, #tpu.memory_space<hbm>> -> memref<1000000x64xf32, #tpu.memory_space<hbm>>
      tpu.wait_indirect_dma semaphore(%arg20 : memref<!tpu.dma_semaphore, #tpu.memory_space<semaphore_mem>>) src(%dma_wait3A_230 : memref<1000000x64xf32, #tpu.memory_space<hbm>>) dst(%dma_wait3A_224 : memref<128x64xf32, #tpu.memory_space<vmem>>)
      %iota3A = tpu.iota {dimensions = array<i32: 0>} : vector<16xi32>
      %add3A_231 = arith.constant 0 : i32
      %add3A_232 = vector.broadcast %add3A_231 : i32 to vector<16xi32>
      %add3A_233 = arith.addi %iota3A, %add3A_232 : vector<16xi32>
      %mul3A_234 = arith.constant 20 : i32
      %mul3A_235 = vector.broadcast %mul3A_234 : i32 to vector<16xi32>
      %mul3A_236 = arith.muli %add3A_233, %mul3A_235 : vector<16xi32>
      %broadcast_in_dim3A = arith.constant 0.000000e+00 : f32
      %broadcast_in_dim3A_237 = vector.broadcast %broadcast_in_dim3A : f32 to vector<16xf32>
      %scan3A_238 = arith.constant 0 : i32
      %scan3A_239 = arith.constant 64 : i32
      %scan3A_240 = arith.addi %scan3A_238, %scan3A_239 : i32
      %scan3A_241 = arith.constant 1 : i32
      %scan3A_242:21 = scf.for %scan3A_652 = %scan3A_238 to %scan3A_240 step %scan3A_241 iter_args(%scan3A_653 = %broadcast_in_dim3A_237, %scan3A_654 = %broadcast_in_dim3A_237, %scan3A_655 = %broadcast_in_dim3A_237, %scan3A_656 = %broadcast_in_dim3A_237, %scan3A_657 = %broadcast_in_dim3A_237, %scan3A_658 = %broadcast_in_dim3A_237, %scan3A_659 = %broadcast_in_dim3A_237, %scan3A_660 = %broadcast_in_dim3A_237, %scan3A_661 = %broadcast_in_dim3A_237, %scan3A_662 = %broadcast_in_dim3A_237, %scan3A_663 = %broadcast_in_dim3A_237, %scan3A_664 = %broadcast_in_dim3A_237, %scan3A_665 = %broadcast_in_dim3A_237, %scan3A_666 = %broadcast_in_dim3A_237, %scan3A_667 = %broadcast_in_dim3A_237, %scan3A_668 = %broadcast_in_dim3A_237, %scan3A_669 = %broadcast_in_dim3A_237, %scan3A_670 = %broadcast_in_dim3A_237, %scan3A_671 = %broadcast_in_dim3A_237, %scan3A_672 = %broadcast_in_dim3A_237, %scan3A_673 = %broadcast_in_dim3A_237) -> (vector<16xf32>, vector<16xf32>, vector<16xf32>, vector<16xf32>, vector<16xf32>, vector<16xf32>, vector<16xf32>, vector<16xf32>, vector<16xf32>, vector<16xf32>, vector<16xf32>, vector<16xf32>, vector<16xf32>, vector<16xf32>, vector<16xf32>, vector<16xf32>, vector<16xf32>, vector<16xf32>, vector<16xf32>, vector<16xf32>, vector<16xf32>)  : i32 {
        %broadcast_in_dim3A_674 = arith.constant 0 : i32
        %broadcast_in_dim3A_675 = vector.broadcast %broadcast_in_dim3A_674 : i32 to vector<16xi32>
        %add3A_676 = vector.broadcast %scan3A_652 : i32 to vector<16xi32>
        %add3A_677 = arith.addi %broadcast_in_dim3A_675, %add3A_676 : vector<16xi32>
        %gather3A = tpu.vector_load_idx %arg12[%add3A_233, %add3A_677] : memref<32x64xf32, #tpu.memory_space<vmem>>[vector<16xi32>, vector<16xi32>], vector<16xf32>,
        %gather3A_678 = tpu.vector_load_idx %arg13[%add3A_233, %add3A_677] : memref<32x64xf32, #tpu.memory_space<vmem>>[vector<16xi32>, vector<16xi32>], vector<16xf32>,
        %mul3A_679 = arith.mulf %gather3A, %gather3A_678 : vector<16xf32>
        %add3A_680 = arith.addf %scan3A_653, %mul3A_679 : vector<16xf32>
        %add3A_681 = arith.constant 0 : i32
        %add3A_682 = vector.broadcast %add3A_681 : i32 to vector<16xi32>
        %add3A_683 = arith.addi %mul3A_236, %add3A_682 : vector<16xi32>
        %gather3A_684 = tpu.vector_load_idx %arg14[%add3A_683, %add3A_677] : memref<640x64xf32, #tpu.memory_space<vmem>>[vector<16xi32>, vector<16xi32>], vector<16xf32>,
        %mul3A_685 = arith.mulf %gather3A, %gather3A_684 : vector<16xf32>
        %add3A_686 = arith.addf %scan3A_654, %mul3A_685 : vector<16xf32>
        %add3A_687 = arith.constant 1 : i32
        %add3A_688 = vector.broadcast %add3A_687 : i32 to vector<16xi32>
        %add3A_689 = arith.addi %mul3A_236, %add3A_688 : vector<16xi32>
        %gather3A_690 = tpu.vector_load_idx %arg14[%add3A_689, %add3A_677] : memref<640x64xf32, #tpu.memory_space<vmem>>[vector<16xi32>, vector<16xi32>], vector<16xf32>,
        %mul3A_691 = arith.mulf %gather3A, %gather3A_690 : vector<16xf32>
        %add3A_692 = arith.addf %scan3A_655, %mul3A_691 : vector<16xf32>
        %add3A_693 = arith.constant 2 : i32
        %add3A_694 = vector.broadcast %add3A_693 : i32 to vector<16xi32>
        %add3A_695 = arith.addi %mul3A_236, %add3A_694 : vector<16xi32>
        %gather3A_696 = tpu.vector_load_idx %arg14[%add3A_695, %add3A_677] : memref<640x64xf32, #tpu.memory_space<vmem>>[vector<16xi32>, vector<16xi32>], vector<16xf32>,
        %mul3A_697 = arith.mulf %gather3A, %gather3A_696 : vector<16xf32>
        %add3A_698 = arith.addf %scan3A_656, %mul3A_697 : vector<16xf32>
        %add3A_699 = arith.constant 3 : i32
        %add3A_700 = vector.broadcast %add3A_699 : i32 to vector<16xi32>
        %add3A_701 = arith.addi %mul3A_236, %add3A_700 : vector<16xi32>
        %gather3A_702 = tpu.vector_load_idx %arg14[%add3A_701, %add3A_677] : memref<640x64xf32, #tpu.memory_space<vmem>>[vector<16xi32>, vector<16xi32>], vector<16xf32>,
        %mul3A_703 = arith.mulf %gather3A, %gather3A_702 : vector<16xf32>
        %add3A_704 = arith.addf %scan3A_657, %mul3A_703 : vector<16xf32>
        %add3A_705 = arith.constant 4 : i32
        %add3A_706 = vector.broadcast %add3A_705 : i32 to vector<16xi32>
        %add3A_707 = arith.addi %mul3A_236, %add3A_706 : vector<16xi32>
        %gather3A_708 = tpu.vector_load_idx %arg14[%add3A_707, %add3A_677] : memref<640x64xf32, #tpu.memory_space<vmem>>[vector<16xi32>, vector<16xi32>], vector<16xf32>,
        %mul3A_709 = arith.mulf %gather3A, %gather3A_708 : vector<16xf32>
        %add3A_710 = arith.addf %scan3A_658, %mul3A_709 : vector<16xf32>
        %add3A_711 = arith.constant 5 : i32
        %add3A_712 = vector.broadcast %add3A_711 : i32 to vector<16xi32>
        %add3A_713 = arith.addi %mul3A_236, %add3A_712 : vector<16xi32>
        %gather3A_714 = tpu.vector_load_idx %arg14[%add3A_713, %add3A_677] : memref<640x64xf32, #tpu.memory_space<vmem>>[vector<16xi32>, vector<16xi32>], vector<16xf32>,
        %mul3A_715 = arith.mulf %gather3A, %gather3A_714 : vector<16xf32>
        %add3A_716 = arith.addf %scan3A_659, %mul3A_715 : vector<16xf32>
        %add3A_717 = arith.constant 6 : i32
        %add3A_718 = vector.broadcast %add3A_717 : i32 to vector<16xi32>
        %add3A_719 = arith.addi %mul3A_236, %add3A_718 : vector<16xi32>
        %gather3A_720 = tpu.vector_load_idx %arg14[%add3A_719, %add3A_677] : memref<640x64xf32, #tpu.memory_space<vmem>>[vector<16xi32>, vector<16xi32>], vector<16xf32>,
        %mul3A_721 = arith.mulf %gather3A, %gather3A_720 : vector<16xf32>
        %add3A_722 = arith.addf %scan3A_660, %mul3A_721 : vector<16xf32>
        %add3A_723 = arith.constant 7 : i32
        %add3A_724 = vector.broadcast %add3A_723 : i32 to vector<16xi32>
        %add3A_725 = arith.addi %mul3A_236, %add3A_724 : vector<16xi32>
        %gather3A_726 = tpu.vector_load_idx %arg14[%add3A_725, %add3A_677] : memref<640x64xf32, #tpu.memory_space<vmem>>[vector<16xi32>, vector<16xi32>], vector<16xf32>,
        %mul3A_727 = arith.mulf %gather3A, %gather3A_726 : vector<16xf32>
        %add3A_728 = arith.addf %scan3A_661, %mul3A_727 : vector<16xf32>
        %add3A_729 = arith.constant 8 : i32
        %add3A_730 = vector.broadcast %add3A_729 : i32 to vector<16xi32>
        %add3A_731 = arith.addi %mul3A_236, %add3A_730 : vector<16xi32>
        %gather3A_732 = tpu.vector_load_idx %arg14[%add3A_731, %add3A_677] : memref<640x64xf32, #tpu.memory_space<vmem>>[vector<16xi32>, vector<16xi32>], vector<16xf32>,
        %mul3A_733 = arith.mulf %gather3A, %gather3A_732 : vector<16xf32>
        %add3A_734 = arith.addf %scan3A_662, %mul3A_733 : vector<16xf32>
        %add3A_735 = arith.constant 9 : i32
        %add3A_736 = vector.broadcast %add3A_735 : i32 to vector<16xi32>
        %add3A_737 = arith.addi %mul3A_236, %add3A_736 : vector<16xi32>
        %gather3A_738 = tpu.vector_load_idx %arg14[%add3A_737, %add3A_677] : memref<640x64xf32, #tpu.memory_space<vmem>>[vector<16xi32>, vector<16xi32>], vector<16xf32>,
        %mul3A_739 = arith.mulf %gather3A, %gather3A_738 : vector<16xf32>
        %add3A_740 = arith.addf %scan3A_663, %mul3A_739 : vector<16xf32>
        %add3A_741 = arith.constant 10 : i32
        %add3A_742 = vector.broadcast %add3A_741 : i32 to vector<16xi32>
        %add3A_743 = arith.addi %mul3A_236, %add3A_742 : vector<16xi32>
        %gather3A_744 = tpu.vector_load_idx %arg14[%add3A_743, %add3A_677] : memref<640x64xf32, #tpu.memory_space<vmem>>[vector<16xi32>, vector<16xi32>], vector<16xf32>,
        %mul3A_745 = arith.mulf %gather3A, %gather3A_744 : vector<16xf32>
        %add3A_746 = arith.addf %scan3A_664, %mul3A_745 : vector<16xf32>
        %add3A_747 = arith.constant 11 : i32
        %add3A_748 = vector.broadcast %add3A_747 : i32 to vector<16xi32>
        %add3A_749 = arith.addi %mul3A_236, %add3A_748 : vector<16xi32>
        %gather3A_750 = tpu.vector_load_idx %arg14[%add3A_749, %add3A_677] : memref<640x64xf32, #tpu.memory_space<vmem>>[vector<16xi32>, vector<16xi32>], vector<16xf32>,
        %mul3A_751 = arith.mulf %gather3A, %gather3A_750 : vector<16xf32>
        %add3A_752 = arith.addf %scan3A_665, %mul3A_751 : vector<16xf32>
        %add3A_753 = arith.constant 12 : i32
        %add3A_754 = vector.broadcast %add3A_753 : i32 to vector<16xi32>
        %add3A_755 = arith.addi %mul3A_236, %add3A_754 : vector<16xi32>
        %gather3A_756 = tpu.vector_load_idx %arg14[%add3A_755, %add3A_677] : memref<640x64xf32, #tpu.memory_space<vmem>>[vector<16xi32>, vector<16xi32>], vector<16xf32>,
        %mul3A_757 = arith.mulf %gather3A, %gather3A_756 : vector<16xf32>
        %add3A_758 = arith.addf %scan3A_666, %mul3A_757 : vector<16xf32>
        %add3A_759 = arith.constant 13 : i32
        %add3A_760 = vector.broadcast %add3A_759 : i32 to vector<16xi32>
        %add3A_761 = arith.addi %mul3A_236, %add3A_760 : vector<16xi32>
        %gather3A_762 = tpu.vector_load_idx %arg14[%add3A_761, %add3A_677] : memref<640x64xf32, #tpu.memory_space<vmem>>[vector<16xi32>, vector<16xi32>], vector<16xf32>,
        %mul3A_763 = arith.mulf %gather3A, %gather3A_762 : vector<16xf32>
        %add3A_764 = arith.addf %scan3A_667, %mul3A_763 : vector<16xf32>
        %add3A_765 = arith.constant 14 : i32
        %add3A_766 = vector.broadcast %add3A_765 : i32 to vector<16xi32>
        %add3A_767 = arith.addi %mul3A_236, %add3A_766 : vector<16xi32>
        %gather3A_768 = tpu.vector_load_idx %arg14[%add3A_767, %add3A_677] : memref<640x64xf32, #tpu.memory_space<vmem>>[vector<16xi32>, vector<16xi32>], vector<16xf32>,
        %mul3A_769 = arith.mulf %gather3A, %gather3A_768 : vector<16xf32>
        %add3A_770 = arith.addf %scan3A_668, %mul3A_769 : vector<16xf32>
        %add3A_771 = arith.constant 15 : i32
        %add3A_772 = vector.broadcast %add3A_771 : i32 to vector<16xi32>
        %add3A_773 = arith.addi %mul3A_236, %add3A_772 : vector<16xi32>
        %gather3A_774 = tpu.vector_load_idx %arg14[%add3A_773, %add3A_677] : memref<640x64xf32, #tpu.memory_space<vmem>>[vector<16xi32>, vector<16xi32>], vector<16xf32>,
        %mul3A_775 = arith.mulf %gather3A, %gather3A_774 : vector<16xf32>
        %add3A_776 = arith.addf %scan3A_669, %mul3A_775 : vector<16xf32>
        %add3A_777 = arith.constant 16 : i32
        %add3A_778 = vector.broadcast %add3A_777 : i32 to vector<16xi32>
        %add3A_779 = arith.addi %mul3A_236, %add3A_778 : vector<16xi32>
        %gather3A_780 = tpu.vector_load_idx %arg14[%add3A_779, %add3A_677] : memref<640x64xf32, #tpu.memory_space<vmem>>[vector<16xi32>, vector<16xi32>], vector<16xf32>,
        %mul3A_781 = arith.mulf %gather3A, %gather3A_780 : vector<16xf32>
        %add3A_782 = arith.addf %scan3A_670, %mul3A_781 : vector<16xf32>
        %add3A_783 = arith.constant 17 : i32
        %add3A_784 = vector.broadcast %add3A_783 : i32 to vector<16xi32>
        %add3A_785 = arith.addi %mul3A_236, %add3A_784 : vector<16xi32>
        %gather3A_786 = tpu.vector_load_idx %arg14[%add3A_785, %add3A_677] : memref<640x64xf32, #tpu.memory_space<vmem>>[vector<16xi32>, vector<16xi32>], vector<16xf32>,
        %mul3A_787 = arith.mulf %gather3A, %gather3A_786 : vector<16xf32>
        %add3A_788 = arith.addf %scan3A_671, %mul3A_787 : vector<16xf32>
        %add3A_789 = arith.constant 18 : i32
        %add3A_790 = vector.broadcast %add3A_789 : i32 to vector<16xi32>
        %add3A_791 = arith.addi %mul3A_236, %add3A_790 : vector<16xi32>
        %gather3A_792 = tpu.vector_load_idx %arg14[%add3A_791, %add3A_677] : memref<640x64xf32, #tpu.memory_space<vmem>>[vector<16xi32>, vector<16xi32>], vector<16xf32>,
        %mul3A_793 = arith.mulf %gather3A, %gather3A_792 : vector<16xf32>
        %add3A_794 = arith.addf %scan3A_672, %mul3A_793 : vector<16xf32>
        %add3A_795 = arith.constant 19 : i32
        %add3A_796 = vector.broadcast %add3A_795 : i32 to vector<16xi32>
        %add3A_797 = arith.addi %mul3A_236, %add3A_796 : vector<16xi32>
        %gather3A_798 = tpu.vector_load_idx %arg14[%add3A_797, %add3A_677] : memref<640x64xf32, #tpu.memory_space<vmem>>[vector<16xi32>, vector<16xi32>], vector<16xf32>,
        %mul3A_799 = arith.mulf %gather3A, %gather3A_798 : vector<16xf32>
        %add3A_800 = arith.addf %scan3A_673, %mul3A_799 : vector<16xf32>
        scf.yield %add3A_680, %add3A_686, %add3A_692, %add3A_698, %add3A_704, %add3A_710, %add3A_716, %add3A_722, %add3A_728, %add3A_734, %add3A_740, %add3A_746, %add3A_752, %add3A_758, %add3A_764, %add3A_770, %add3A_776, %add3A_782, %add3A_788, %add3A_794, %add3A_800 : vector<16xf32>, vector<16xf32>, vector<16xf32>, vector<16xf32>, vector<16xf32>, vector<16xf32>, vector<16xf32>, vector<16xf32>, vector<16xf32>, vector<16xf32>, vector<16xf32>, vector<16xf32>, vector<16xf32>, vector<16xf32>, vector<16xf32>, vector<16xf32>, vector<16xf32>, vector<16xf32>, vector<16xf32>, vector<16xf32>, vector<16xf32>
      }
      %scan3A_243 = arith.constant 64 : i32
      %mul3A_244 = arith.constant 32 : i32
      %mul3A_245 = arith.muli %mul3A_75, %mul3A_244 : i32
      %add3A_246 = arith.constant 0 : i32
      %add3A_247 = arith.addi %mul3A_245, %add3A_246 : i32
      %swap3A = arith.index_cast %add3A_247 : i32 to index
      %swap3A_248 = tpu.vector_load %arg18[%swap3A] {strides = array<i32>} : memref<512xf32, #tpu.memory_space<vmem>>, vector<16xf32>,
      tpu.vector_store %arg18[%swap3A], %scan3A_242#0 {strides = array<i32>} : memref<512xf32, #tpu.memory_space<vmem>>, vector<16xf32>,
      %add3A_249 = vector.broadcast %add3A_247 : i32 to vector<16xi32>
      %add3A_250 = arith.addi %add3A_249, %iota3A : vector<16xi32>
      %mul3A_251 = arith.constant 20 : i32
      %mul3A_252 = vector.broadcast %mul3A_251 : i32 to vector<16xi32>
      %mul3A_253 = arith.muli %add3A_250, %mul3A_252 : vector<16xi32>
      %add3A_254 = arith.constant 0 : i32
      %add3A_255 = vector.broadcast %add3A_254 : i32 to vector<16xi32>
      %add3A_256 = arith.addi %mul3A_253, %add3A_255 : vector<16xi32>
      tpu.vector_store_idx %arg19[%add3A_256], %scan3A_242#1 : memref<10240xf32, #tpu.memory_space<vmem>>[vector<16xi32>], vector<16xf32>,
      %add3A_257 = arith.constant 1 : i32
      %add3A_258 = vector.broadcast %add3A_257 : i32 to vector<16xi32>
      %add3A_259 = arith.addi %mul3A_253, %add3A_258 : vector<16xi32>
      tpu.vector_store_idx %arg19[%add3A_259], %scan3A_242#2 : memref<10240xf32, #tpu.memory_space<vmem>>[vector<16xi32>], vector<16xf32>,
      %add3A_260 = arith.constant 2 : i32
      %add3A_261 = vector.broadcast %add3A_260 : i32 to vector<16xi32>
      %add3A_262 = arith.addi %mul3A_253, %add3A_261 : vector<16xi32>
      tpu.vector_store_idx %arg19[%add3A_262], %scan3A_242#3 : memref<10240xf32, #tpu.memory_space<vmem>>[vector<16xi32>], vector<16xf32>,
      %add3A_263 = arith.constant 3 : i32
      %add3A_264 = vector.broadcast %add3A_263 : i32 to vector<16xi32>
      %add3A_265 = arith.addi %mul3A_253, %add3A_264 : vector<16xi32>
      tpu.vector_store_idx %arg19[%add3A_265], %scan3A_242#4 : memref<10240xf32, #tpu.memory_space<vmem>>[vector<16xi32>], vector<16xf32>,
      %add3A_266 = arith.constant 4 : i32
      %add3A_267 = vector.broadcast %add3A_266 : i32 to vector<16xi32>
      %add3A_268 = arith.addi %mul3A_253, %add3A_267 : vector<16xi32>
      tpu.vector_store_idx %arg19[%add3A_268], %scan3A_242#5 : memref<10240xf32, #tpu.memory_space<vmem>>[vector<16xi32>], vector<16xf32>,
      %add3A_269 = arith.constant 5 : i32
      %add3A_270 = vector.broadcast %add3A_269 : i32 to vector<16xi32>
      %add3A_271 = arith.addi %mul3A_253, %add3A_270 : vector<16xi32>
      tpu.vector_store_idx %arg19[%add3A_271], %scan3A_242#6 : memref<10240xf32, #tpu.memory_space<vmem>>[vector<16xi32>], vector<16xf32>,
      %add3A_272 = arith.constant 6 : i32
      %add3A_273 = vector.broadcast %add3A_272 : i32 to vector<16xi32>
      %add3A_274 = arith.addi %mul3A_253, %add3A_273 : vector<16xi32>
      tpu.vector_store_idx %arg19[%add3A_274], %scan3A_242#7 : memref<10240xf32, #tpu.memory_space<vmem>>[vector<16xi32>], vector<16xf32>,
      %add3A_275 = arith.constant 7 : i32
      %add3A_276 = vector.broadcast %add3A_275 : i32 to vector<16xi32>
      %add3A_277 = arith.addi %mul3A_253, %add3A_276 : vector<16xi32>
      tpu.vector_store_idx %arg19[%add3A_277], %scan3A_242#8 : memref<10240xf32, #tpu.memory_space<vmem>>[vector<16xi32>], vector<16xf32>,
      %add3A_278 = arith.constant 8 : i32
      %add3A_279 = vector.broadcast %add3A_278 : i32 to vector<16xi32>
      %add3A_280 = arith.addi %mul3A_253, %add3A_279 : vector<16xi32>
      tpu.vector_store_idx %arg19[%add3A_280], %scan3A_242#9 : memref<10240xf32, #tpu.memory_space<vmem>>[vector<16xi32>], vector<16xf32>,
      %add3A_281 = arith.constant 9 : i32
      %add3A_282 = vector.broadcast %add3A_281 : i32 to vector<16xi32>
      %add3A_283 = arith.addi %mul3A_253, %add3A_282 : vector<16xi32>
      tpu.vector_store_idx %arg19[%add3A_283], %scan3A_242#10 : memref<10240xf32, #tpu.memory_space<vmem>>[vector<16xi32>], vector<16xf32>,
      %add3A_284 = arith.constant 10 : i32
      %add3A_285 = vector.broadcast %add3A_284 : i32 to vector<16xi32>
      %add3A_286 = arith.addi %mul3A_253, %add3A_285 : vector<16xi32>
      tpu.vector_store_idx %arg19[%add3A_286], %scan3A_242#11 : memref<10240xf32, #tpu.memory_space<vmem>>[vector<16xi32>], vector<16xf32>,
      %add3A_287 = arith.constant 11 : i32
      %add3A_288 = vector.broadcast %add3A_287 : i32 to vector<16xi32>
      %add3A_289 = arith.addi %mul3A_253, %add3A_288 : vector<16xi32>
      tpu.vector_store_idx %arg19[%add3A_289], %scan3A_242#12 : memref<10240xf32, #tpu.memory_space<vmem>>[vector<16xi32>], vector<16xf32>,
      %add3A_290 = arith.constant 12 : i32
      %add3A_291 = vector.broadcast %add3A_290 : i32 to vector<16xi32>
      %add3A_292 = arith.addi %mul3A_253, %add3A_291 : vector<16xi32>
      tpu.vector_store_idx %arg19[%add3A_292], %scan3A_242#13 : memref<10240xf32, #tpu.memory_space<vmem>>[vector<16xi32>], vector<16xf32>,
      %add3A_293 = arith.constant 13 : i32
      %add3A_294 = vector.broadcast %add3A_293 : i32 to vector<16xi32>
      %add3A_295 = arith.addi %mul3A_253, %add3A_294 : vector<16xi32>
      tpu.vector_store_idx %arg19[%add3A_295], %scan3A_242#14 : memref<10240xf32, #tpu.memory_space<vmem>>[vector<16xi32>], vector<16xf32>,
      %add3A_296 = arith.constant 14 : i32
      %add3A_297 = vector.broadcast %add3A_296 : i32 to vector<16xi32>
      %add3A_298 = arith.addi %mul3A_253, %add3A_297 : vector<16xi32>
      tpu.vector_store_idx %arg19[%add3A_298], %scan3A_242#15 : memref<10240xf32, #tpu.memory_space<vmem>>[vector<16xi32>], vector<16xf32>,
      %add3A_299 = arith.constant 15 : i32
      %add3A_300 = vector.broadcast %add3A_299 : i32 to vector<16xi32>
      %add3A_301 = arith.addi %mul3A_253, %add3A_300 : vector<16xi32>
      tpu.vector_store_idx %arg19[%add3A_301], %scan3A_242#16 : memref<10240xf32, #tpu.memory_space<vmem>>[vector<16xi32>], vector<16xf32>,
      %add3A_302 = arith.constant 16 : i32
      %add3A_303 = vector.broadcast %add3A_302 : i32 to vector<16xi32>
      %add3A_304 = arith.addi %mul3A_253, %add3A_303 : vector<16xi32>
      tpu.vector_store_idx %arg19[%add3A_304], %scan3A_242#17 : memref<10240xf32, #tpu.memory_space<vmem>>[vector<16xi32>], vector<16xf32>,
      %add3A_305 = arith.constant 17 : i32
      %add3A_306 = vector.broadcast %add3A_305 : i32 to vector<16xi32>
      %add3A_307 = arith.addi %mul3A_253, %add3A_306 : vector<16xi32>
      tpu.vector_store_idx %arg19[%add3A_307], %scan3A_242#18 : memref<10240xf32, #tpu.memory_space<vmem>>[vector<16xi32>], vector<16xf32>,
      %add3A_308 = arith.constant 18 : i32
      %add3A_309 = vector.broadcast %add3A_308 : i32 to vector<16xi32>
      %add3A_310 = arith.addi %mul3A_253, %add3A_309 : vector<16xi32>
      tpu.vector_store_idx %arg19[%add3A_310], %scan3A_242#19 : memref<10240xf32, #tpu.memory_space<vmem>>[vector<16xi32>], vector<16xf32>,
      %add3A_311 = arith.constant 19 : i32
      %add3A_312 = vector.broadcast %add3A_311 : i32 to vector<16xi32>
      %add3A_313 = arith.addi %mul3A_253, %add3A_312 : vector<16xi32>
      tpu.vector_store_idx %arg19[%add3A_313], %scan3A_242#20 : memref<10240xf32, #tpu.memory_space<vmem>>[vector<16xi32>], vector<16xf32>,
      %add3A_314 = arith.constant 16 : i32
      %add3A_315 = vector.broadcast %add3A_314 : i32 to vector<16xi32>
      %add3A_316 = arith.addi %iota3A, %add3A_315 : vector<16xi32>
      %mul3A_317 = arith.constant 20 : i32
      %mul3A_318 = vector.broadcast %mul3A_317 : i32 to vector<16xi32>
      %mul3A_319 = arith.muli %add3A_316, %mul3A_318 : vector<16xi32>
      %broadcast_in_dim3A_320 = arith.constant 0.000000e+00 : f32
      %broadcast_in_dim3A_321 = vector.broadcast %broadcast_in_dim3A_320 : f32 to vector<16xf32>
      %scan3A_322 = arith.constant 0 : i32
      %scan3A_323 = arith.constant 64 : i32
      %scan3A_324 = arith.addi %scan3A_322, %scan3A_323 : i32
      %scan3A_325 = arith.constant 1 : i32
      %scan3A_326:21 = scf.for %scan3A_652 = %scan3A_322 to %scan3A_324 step %scan3A_325 iter_args(%scan3A_653 = %broadcast_in_dim3A_321, %scan3A_654 = %broadcast_in_dim3A_321, %scan3A_655 = %broadcast_in_dim3A_321, %scan3A_656 = %broadcast_in_dim3A_321, %scan3A_657 = %broadcast_in_dim3A_321, %scan3A_658 = %broadcast_in_dim3A_321, %scan3A_659 = %broadcast_in_dim3A_321, %scan3A_660 = %broadcast_in_dim3A_321, %scan3A_661 = %broadcast_in_dim3A_321, %scan3A_662 = %broadcast_in_dim3A_321, %scan3A_663 = %broadcast_in_dim3A_321, %scan3A_664 = %broadcast_in_dim3A_321, %scan3A_665 = %broadcast_in_dim3A_321, %scan3A_666 = %broadcast_in_dim3A_321, %scan3A_667 = %broadcast_in_dim3A_321, %scan3A_668 = %broadcast_in_dim3A_321, %scan3A_669 = %broadcast_in_dim3A_321, %scan3A_670 = %broadcast_in_dim3A_321, %scan3A_671 = %broadcast_in_dim3A_321, %scan3A_672 = %broadcast_in_dim3A_321, %scan3A_673 = %broadcast_in_dim3A_321) -> (vector<16xf32>, vector<16xf32>, vector<16xf32>, vector<16xf32>, vector<16xf32>, vector<16xf32>, vector<16xf32>, vector<16xf32>, vector<16xf32>, vector<16xf32>, vector<16xf32>, vector<16xf32>, vector<16xf32>, vector<16xf32>, vector<16xf32>, vector<16xf32>, vector<16xf32>, vector<16xf32>, vector<16xf32>, vector<16xf32>, vector<16xf32>)  : i32 {
        %broadcast_in_dim3A_674 = arith.constant 0 : i32
        %broadcast_in_dim3A_675 = vector.broadcast %broadcast_in_dim3A_674 : i32 to vector<16xi32>
        %add3A_676 = vector.broadcast %scan3A_652 : i32 to vector<16xi32>
        %add3A_677 = arith.addi %broadcast_in_dim3A_675, %add3A_676 : vector<16xi32>
        %gather3A = tpu.vector_load_idx %arg12[%add3A_316, %add3A_677] : memref<32x64xf32, #tpu.memory_space<vmem>>[vector<16xi32>, vector<16xi32>], vector<16xf32>,
        %gather3A_678 = tpu.vector_load_idx %arg13[%add3A_316, %add3A_677] : memref<32x64xf32, #tpu.memory_space<vmem>>[vector<16xi32>, vector<16xi32>], vector<16xf32>,
        %mul3A_679 = arith.mulf %gather3A, %gather3A_678 : vector<16xf32>
        %add3A_680 = arith.addf %scan3A_653, %mul3A_679 : vector<16xf32>
        %add3A_681 = arith.constant 0 : i32
        %add3A_682 = vector.broadcast %add3A_681 : i32 to vector<16xi32>
        %add3A_683 = arith.addi %mul3A_319, %add3A_682 : vector<16xi32>
        %gather3A_684 = tpu.vector_load_idx %arg14[%add3A_683, %add3A_677] : memref<640x64xf32, #tpu.memory_space<vmem>>[vector<16xi32>, vector<16xi32>], vector<16xf32>,
        %mul3A_685 = arith.mulf %gather3A, %gather3A_684 : vector<16xf32>
        %add3A_686 = arith.addf %scan3A_654, %mul3A_685 : vector<16xf32>
        %add3A_687 = arith.constant 1 : i32
        %add3A_688 = vector.broadcast %add3A_687 : i32 to vector<16xi32>
        %add3A_689 = arith.addi %mul3A_319, %add3A_688 : vector<16xi32>
        %gather3A_690 = tpu.vector_load_idx %arg14[%add3A_689, %add3A_677] : memref<640x64xf32, #tpu.memory_space<vmem>>[vector<16xi32>, vector<16xi32>], vector<16xf32>,
        %mul3A_691 = arith.mulf %gather3A, %gather3A_690 : vector<16xf32>
        %add3A_692 = arith.addf %scan3A_655, %mul3A_691 : vector<16xf32>
        %add3A_693 = arith.constant 2 : i32
        %add3A_694 = vector.broadcast %add3A_693 : i32 to vector<16xi32>
        %add3A_695 = arith.addi %mul3A_319, %add3A_694 : vector<16xi32>
        %gather3A_696 = tpu.vector_load_idx %arg14[%add3A_695, %add3A_677] : memref<640x64xf32, #tpu.memory_space<vmem>>[vector<16xi32>, vector<16xi32>], vector<16xf32>,
        %mul3A_697 = arith.mulf %gather3A, %gather3A_696 : vector<16xf32>
        %add3A_698 = arith.addf %scan3A_656, %mul3A_697 : vector<16xf32>
        %add3A_699 = arith.constant 3 : i32
        %add3A_700 = vector.broadcast %add3A_699 : i32 to vector<16xi32>
        %add3A_701 = arith.addi %mul3A_319, %add3A_700 : vector<16xi32>
        %gather3A_702 = tpu.vector_load_idx %arg14[%add3A_701, %add3A_677] : memref<640x64xf32, #tpu.memory_space<vmem>>[vector<16xi32>, vector<16xi32>], vector<16xf32>,
        %mul3A_703 = arith.mulf %gather3A, %gather3A_702 : vector<16xf32>
        %add3A_704 = arith.addf %scan3A_657, %mul3A_703 : vector<16xf32>
        %add3A_705 = arith.constant 4 : i32
        %add3A_706 = vector.broadcast %add3A_705 : i32 to vector<16xi32>
        %add3A_707 = arith.addi %mul3A_319, %add3A_706 : vector<16xi32>
        %gather3A_708 = tpu.vector_load_idx %arg14[%add3A_707, %add3A_677] : memref<640x64xf32, #tpu.memory_space<vmem>>[vector<16xi32>, vector<16xi32>], vector<16xf32>,
        %mul3A_709 = arith.mulf %gather3A, %gather3A_708 : vector<16xf32>
        %add3A_710 = arith.addf %scan3A_658, %mul3A_709 : vector<16xf32>
        %add3A_711 = arith.constant 5 : i32
        %add3A_712 = vector.broadcast %add3A_711 : i32 to vector<16xi32>
        %add3A_713 = arith.addi %mul3A_319, %add3A_712 : vector<16xi32>
        %gather3A_714 = tpu.vector_load_idx %arg14[%add3A_713, %add3A_677] : memref<640x64xf32, #tpu.memory_space<vmem>>[vector<16xi32>, vector<16xi32>], vector<16xf32>,
        %mul3A_715 = arith.mulf %gather3A, %gather3A_714 : vector<16xf32>
        %add3A_716 = arith.addf %scan3A_659, %mul3A_715 : vector<16xf32>
        %add3A_717 = arith.constant 6 : i32
        %add3A_718 = vector.broadcast %add3A_717 : i32 to vector<16xi32>
        %add3A_719 = arith.addi %mul3A_319, %add3A_718 : vector<16xi32>
        %gather3A_720 = tpu.vector_load_idx %arg14[%add3A_719, %add3A_677] : memref<640x64xf32, #tpu.memory_space<vmem>>[vector<16xi32>, vector<16xi32>], vector<16xf32>,
        %mul3A_721 = arith.mulf %gather3A, %gather3A_720 : vector<16xf32>
        %add3A_722 = arith.addf %scan3A_660, %mul3A_721 : vector<16xf32>
        %add3A_723 = arith.constant 7 : i32
        %add3A_724 = vector.broadcast %add3A_723 : i32 to vector<16xi32>
        %add3A_725 = arith.addi %mul3A_319, %add3A_724 : vector<16xi32>
        %gather3A_726 = tpu.vector_load_idx %arg14[%add3A_725, %add3A_677] : memref<640x64xf32, #tpu.memory_space<vmem>>[vector<16xi32>, vector<16xi32>], vector<16xf32>,
        %mul3A_727 = arith.mulf %gather3A, %gather3A_726 : vector<16xf32>
        %add3A_728 = arith.addf %scan3A_661, %mul3A_727 : vector<16xf32>
        %add3A_729 = arith.constant 8 : i32
        %add3A_730 = vector.broadcast %add3A_729 : i32 to vector<16xi32>
        %add3A_731 = arith.addi %mul3A_319, %add3A_730 : vector<16xi32>
        %gather3A_732 = tpu.vector_load_idx %arg14[%add3A_731, %add3A_677] : memref<640x64xf32, #tpu.memory_space<vmem>>[vector<16xi32>, vector<16xi32>], vector<16xf32>,
        %mul3A_733 = arith.mulf %gather3A, %gather3A_732 : vector<16xf32>
        %add3A_734 = arith.addf %scan3A_662, %mul3A_733 : vector<16xf32>
        %add3A_735 = arith.constant 9 : i32
        %add3A_736 = vector.broadcast %add3A_735 : i32 to vector<16xi32>
        %add3A_737 = arith.addi %mul3A_319, %add3A_736 : vector<16xi32>
        %gather3A_738 = tpu.vector_load_idx %arg14[%add3A_737, %add3A_677] : memref<640x64xf32, #tpu.memory_space<vmem>>[vector<16xi32>, vector<16xi32>], vector<16xf32>,
        %mul3A_739 = arith.mulf %gather3A, %gather3A_738 : vector<16xf32>
        %add3A_740 = arith.addf %scan3A_663, %mul3A_739 : vector<16xf32>
        %add3A_741 = arith.constant 10 : i32
        %add3A_742 = vector.broadcast %add3A_741 : i32 to vector<16xi32>
        %add3A_743 = arith.addi %mul3A_319, %add3A_742 : vector<16xi32>
        %gather3A_744 = tpu.vector_load_idx %arg14[%add3A_743, %add3A_677] : memref<640x64xf32, #tpu.memory_space<vmem>>[vector<16xi32>, vector<16xi32>], vector<16xf32>,
        %mul3A_745 = arith.mulf %gather3A, %gather3A_744 : vector<16xf32>
        %add3A_746 = arith.addf %scan3A_664, %mul3A_745 : vector<16xf32>
        %add3A_747 = arith.constant 11 : i32
        %add3A_748 = vector.broadcast %add3A_747 : i32 to vector<16xi32>
        %add3A_749 = arith.addi %mul3A_319, %add3A_748 : vector<16xi32>
        %gather3A_750 = tpu.vector_load_idx %arg14[%add3A_749, %add3A_677] : memref<640x64xf32, #tpu.memory_space<vmem>>[vector<16xi32>, vector<16xi32>], vector<16xf32>,
        %mul3A_751 = arith.mulf %gather3A, %gather3A_750 : vector<16xf32>
        %add3A_752 = arith.addf %scan3A_665, %mul3A_751 : vector<16xf32>
        %add3A_753 = arith.constant 12 : i32
        %add3A_754 = vector.broadcast %add3A_753 : i32 to vector<16xi32>
        %add3A_755 = arith.addi %mul3A_319, %add3A_754 : vector<16xi32>
        %gather3A_756 = tpu.vector_load_idx %arg14[%add3A_755, %add3A_677] : memref<640x64xf32, #tpu.memory_space<vmem>>[vector<16xi32>, vector<16xi32>], vector<16xf32>,
        %mul3A_757 = arith.mulf %gather3A, %gather3A_756 : vector<16xf32>
        %add3A_758 = arith.addf %scan3A_666, %mul3A_757 : vector<16xf32>
        %add3A_759 = arith.constant 13 : i32
        %add3A_760 = vector.broadcast %add3A_759 : i32 to vector<16xi32>
        %add3A_761 = arith.addi %mul3A_319, %add3A_760 : vector<16xi32>
        %gather3A_762 = tpu.vector_load_idx %arg14[%add3A_761, %add3A_677] : memref<640x64xf32, #tpu.memory_space<vmem>>[vector<16xi32>, vector<16xi32>], vector<16xf32>,
        %mul3A_763 = arith.mulf %gather3A, %gather3A_762 : vector<16xf32>
        %add3A_764 = arith.addf %scan3A_667, %mul3A_763 : vector<16xf32>
        %add3A_765 = arith.constant 14 : i32
        %add3A_766 = vector.broadcast %add3A_765 : i32 to vector<16xi32>
        %add3A_767 = arith.addi %mul3A_319, %add3A_766 : vector<16xi32>
        %gather3A_768 = tpu.vector_load_idx %arg14[%add3A_767, %add3A_677] : memref<640x64xf32, #tpu.memory_space<vmem>>[vector<16xi32>, vector<16xi32>], vector<16xf32>,
        %mul3A_769 = arith.mulf %gather3A, %gather3A_768 : vector<16xf32>
        %add3A_770 = arith.addf %scan3A_668, %mul3A_769 : vector<16xf32>
        %add3A_771 = arith.constant 15 : i32
        %add3A_772 = vector.broadcast %add3A_771 : i32 to vector<16xi32>
        %add3A_773 = arith.addi %mul3A_319, %add3A_772 : vector<16xi32>
        %gather3A_774 = tpu.vector_load_idx %arg14[%add3A_773, %add3A_677] : memref<640x64xf32, #tpu.memory_space<vmem>>[vector<16xi32>, vector<16xi32>], vector<16xf32>,
        %mul3A_775 = arith.mulf %gather3A, %gather3A_774 : vector<16xf32>
        %add3A_776 = arith.addf %scan3A_669, %mul3A_775 : vector<16xf32>
        %add3A_777 = arith.constant 16 : i32
        %add3A_778 = vector.broadcast %add3A_777 : i32 to vector<16xi32>
        %add3A_779 = arith.addi %mul3A_319, %add3A_778 : vector<16xi32>
        %gather3A_780 = tpu.vector_load_idx %arg14[%add3A_779, %add3A_677] : memref<640x64xf32, #tpu.memory_space<vmem>>[vector<16xi32>, vector<16xi32>], vector<16xf32>,
        %mul3A_781 = arith.mulf %gather3A, %gather3A_780 : vector<16xf32>
        %add3A_782 = arith.addf %scan3A_670, %mul3A_781 : vector<16xf32>
        %add3A_783 = arith.constant 17 : i32
        %add3A_784 = vector.broadcast %add3A_783 : i32 to vector<16xi32>
        %add3A_785 = arith.addi %mul3A_319, %add3A_784 : vector<16xi32>
        %gather3A_786 = tpu.vector_load_idx %arg14[%add3A_785, %add3A_677] : memref<640x64xf32, #tpu.memory_space<vmem>>[vector<16xi32>, vector<16xi32>], vector<16xf32>,
        %mul3A_787 = arith.mulf %gather3A, %gather3A_786 : vector<16xf32>
        %add3A_788 = arith.addf %scan3A_671, %mul3A_787 : vector<16xf32>
        %add3A_789 = arith.constant 18 : i32
        %add3A_790 = vector.broadcast %add3A_789 : i32 to vector<16xi32>
        %add3A_791 = arith.addi %mul3A_319, %add3A_790 : vector<16xi32>
        %gather3A_792 = tpu.vector_load_idx %arg14[%add3A_791, %add3A_677] : memref<640x64xf32, #tpu.memory_space<vmem>>[vector<16xi32>, vector<16xi32>], vector<16xf32>,
        %mul3A_793 = arith.mulf %gather3A, %gather3A_792 : vector<16xf32>
        %add3A_794 = arith.addf %scan3A_672, %mul3A_793 : vector<16xf32>
        %add3A_795 = arith.constant 19 : i32
        %add3A_796 = vector.broadcast %add3A_795 : i32 to vector<16xi32>
        %add3A_797 = arith.addi %mul3A_319, %add3A_796 : vector<16xi32>
        %gather3A_798 = tpu.vector_load_idx %arg14[%add3A_797, %add3A_677] : memref<640x64xf32, #tpu.memory_space<vmem>>[vector<16xi32>, vector<16xi32>], vector<16xf32>,
        %mul3A_799 = arith.mulf %gather3A, %gather3A_798 : vector<16xf32>
        %add3A_800 = arith.addf %scan3A_673, %mul3A_799 : vector<16xf32>
        scf.yield %add3A_680, %add3A_686, %add3A_692, %add3A_698, %add3A_704, %add3A_710, %add3A_716, %add3A_722, %add3A_728, %add3A_734, %add3A_740, %add3A_746, %add3A_752, %add3A_758, %add3A_764, %add3A_770, %add3A_776, %add3A_782, %add3A_788, %add3A_794, %add3A_800 : vector<16xf32>, vector<16xf32>, vector<16xf32>, vector<16xf32>, vector<16xf32>, vector<16xf32>, vector<16xf32>, vector<16xf32>, vector<16xf32>, vector<16xf32>, vector<16xf32>, vector<16xf32>, vector<16xf32>, vector<16xf32>, vector<16xf32>, vector<16xf32>, vector<16xf32>, vector<16xf32>, vector<16xf32>, vector<16xf32>, vector<16xf32>
      }
      %scan3A_327 = arith.constant 64 : i32
      %mul3A_328 = arith.constant 32 : i32
      %mul3A_329 = arith.muli %mul3A_75, %mul3A_328 : i32
      %add3A_330 = arith.constant 16 : i32
      %add3A_331 = arith.addi %mul3A_329, %add3A_330 : i32
      %swap3A_332 = arith.index_cast %add3A_331 : i32 to index
      %swap3A_333 = tpu.vector_load %arg18[%swap3A_332] {strides = array<i32>} : memref<512xf32, #tpu.memory_space<vmem>>, vector<16xf32>,
      tpu.vector_store %arg18[%swap3A_332], %scan3A_326#0 {strides = array<i32>} : memref<512xf32, #tpu.memory_space<vmem>>, vector<16xf32>,
      %add3A_334 = vector.broadcast %add3A_331 : i32 to vector<16xi32>
      %add3A_335 = arith.addi %add3A_334, %iota3A : vector<16xi32>
      %mul3A_336 = arith.constant 20 : i32
      %mul3A_337 = vector.broadcast %mul3A_336 : i32 to vector<16xi32>
      %mul3A_338 = arith.muli %add3A_335, %mul3A_337 : vector<16xi32>
      %add3A_339 = arith.constant 0 : i32
      %add3A_340 = vector.broadcast %add3A_339 : i32 to vector<16xi32>
      %add3A_341 = arith.addi %mul3A_338, %add3A_340 : vector<16xi32>
      tpu.vector_store_idx %arg19[%add3A_341], %scan3A_326#1 : memref<10240xf32, #tpu.memory_space<vmem>>[vector<16xi32>], vector<16xf32>,
      %add3A_342 = arith.constant 1 : i32
      %add3A_343 = vector.broadcast %add3A_342 : i32 to vector<16xi32>
      %add3A_344 = arith.addi %mul3A_338, %add3A_343 : vector<16xi32>
      tpu.vector_store_idx %arg19[%add3A_344], %scan3A_326#2 : memref<10240xf32, #tpu.memory_space<vmem>>[vector<16xi32>], vector<16xf32>,
      %add3A_345 = arith.constant 2 : i32
      %add3A_346 = vector.broadcast %add3A_345 : i32 to vector<16xi32>
      %add3A_347 = arith.addi %mul3A_338, %add3A_346 : vector<16xi32>
      tpu.vector_store_idx %arg19[%add3A_347], %scan3A_326#3 : memref<10240xf32, #tpu.memory_space<vmem>>[vector<16xi32>], vector<16xf32>,
      %add3A_348 = arith.constant 3 : i32
      %add3A_349 = vector.broadcast %add3A_348 : i32 to vector<16xi32>
      %add3A_350 = arith.addi %mul3A_338, %add3A_349 : vector<16xi32>
      tpu.vector_store_idx %arg19[%add3A_350], %scan3A_326#4 : memref<10240xf32, #tpu.memory_space<vmem>>[vector<16xi32>], vector<16xf32>,
      %add3A_351 = arith.constant 4 : i32
      %add3A_352 = vector.broadcast %add3A_351 : i32 to vector<16xi32>
      %add3A_353 = arith.addi %mul3A_338, %add3A_352 : vector<16xi32>
      tpu.vector_store_idx %arg19[%add3A_353], %scan3A_326#5 : memref<10240xf32, #tpu.memory_space<vmem>>[vector<16xi32>], vector<16xf32>,
      %add3A_354 = arith.constant 5 : i32
      %add3A_355 = vector.broadcast %add3A_354 : i32 to vector<16xi32>
      %add3A_356 = arith.addi %mul3A_338, %add3A_355 : vector<16xi32>
      tpu.vector_store_idx %arg19[%add3A_356], %scan3A_326#6 : memref<10240xf32, #tpu.memory_space<vmem>>[vector<16xi32>], vector<16xf32>,
      %add3A_357 = arith.constant 6 : i32
      %add3A_358 = vector.broadcast %add3A_357 : i32 to vector<16xi32>
      %add3A_359 = arith.addi %mul3A_338, %add3A_358 : vector<16xi32>
      tpu.vector_store_idx %arg19[%add3A_359], %scan3A_326#7 : memref<10240xf32, #tpu.memory_space<vmem>>[vector<16xi32>], vector<16xf32>,
      %add3A_360 = arith.constant 7 : i32
      %add3A_361 = vector.broadcast %add3A_360 : i32 to vector<16xi32>
      %add3A_362 = arith.addi %mul3A_338, %add3A_361 : vector<16xi32>
      tpu.vector_store_idx %arg19[%add3A_362], %scan3A_326#8 : memref<10240xf32, #tpu.memory_space<vmem>>[vector<16xi32>], vector<16xf32>,
      %add3A_363 = arith.constant 8 : i32
      %add3A_364 = vector.broadcast %add3A_363 : i32 to vector<16xi32>
      %add3A_365 = arith.addi %mul3A_338, %add3A_364 : vector<16xi32>
      tpu.vector_store_idx %arg19[%add3A_365], %scan3A_326#9 : memref<10240xf32, #tpu.memory_space<vmem>>[vector<16xi32>], vector<16xf32>,
      %add3A_366 = arith.constant 9 : i32
      %add3A_367 = vector.broadcast %add3A_366 : i32 to vector<16xi32>
      %add3A_368 = arith.addi %mul3A_338, %add3A_367 : vector<16xi32>
      tpu.vector_store_idx %arg19[%add3A_368], %scan3A_326#10 : memref<10240xf32, #tpu.memory_space<vmem>>[vector<16xi32>], vector<16xf32>,
      %add3A_369 = arith.constant 10 : i32
      %add3A_370 = vector.broadcast %add3A_369 : i32 to vector<16xi32>
      %add3A_371 = arith.addi %mul3A_338, %add3A_370 : vector<16xi32>
      tpu.vector_store_idx %arg19[%add3A_371], %scan3A_326#11 : memref<10240xf32, #tpu.memory_space<vmem>>[vector<16xi32>], vector<16xf32>,
      %add3A_372 = arith.constant 11 : i32
      %add3A_373 = vector.broadcast %add3A_372 : i32 to vector<16xi32>
      %add3A_374 = arith.addi %mul3A_338, %add3A_373 : vector<16xi32>
      tpu.vector_store_idx %arg19[%add3A_374], %scan3A_326#12 : memref<10240xf32, #tpu.memory_space<vmem>>[vector<16xi32>], vector<16xf32>,
      %add3A_375 = arith.constant 12 : i32
      %add3A_376 = vector.broadcast %add3A_375 : i32 to vector<16xi32>
      %add3A_377 = arith.addi %mul3A_338, %add3A_376 : vector<16xi32>
      tpu.vector_store_idx %arg19[%add3A_377], %scan3A_326#13 : memref<10240xf32, #tpu.memory_space<vmem>>[vector<16xi32>], vector<16xf32>,
      %add3A_378 = arith.constant 13 : i32
      %add3A_379 = vector.broadcast %add3A_378 : i32 to vector<16xi32>
      %add3A_380 = arith.addi %mul3A_338, %add3A_379 : vector<16xi32>
      tpu.vector_store_idx %arg19[%add3A_380], %scan3A_326#14 : memref<10240xf32, #tpu.memory_space<vmem>>[vector<16xi32>], vector<16xf32>,
      %add3A_381 = arith.constant 14 : i32
      %add3A_382 = vector.broadcast %add3A_381 : i32 to vector<16xi32>
      %add3A_383 = arith.addi %mul3A_338, %add3A_382 : vector<16xi32>
      tpu.vector_store_idx %arg19[%add3A_383], %scan3A_326#15 : memref<10240xf32, #tpu.memory_space<vmem>>[vector<16xi32>], vector<16xf32>,
      %add3A_384 = arith.constant 15 : i32
      %add3A_385 = vector.broadcast %add3A_384 : i32 to vector<16xi32>
      %add3A_386 = arith.addi %mul3A_338, %add3A_385 : vector<16xi32>
      tpu.vector_store_idx %arg19[%add3A_386], %scan3A_326#16 : memref<10240xf32, #tpu.memory_space<vmem>>[vector<16xi32>], vector<16xf32>,
      %add3A_387 = arith.constant 16 : i32
      %add3A_388 = vector.broadcast %add3A_387 : i32 to vector<16xi32>
      %add3A_389 = arith.addi %mul3A_338, %add3A_388 : vector<16xi32>
      tpu.vector_store_idx %arg19[%add3A_389], %scan3A_326#17 : memref<10240xf32, #tpu.memory_space<vmem>>[vector<16xi32>], vector<16xf32>,
      %add3A_390 = arith.constant 17 : i32
      %add3A_391 = vector.broadcast %add3A_390 : i32 to vector<16xi32>
      %add3A_392 = arith.addi %mul3A_338, %add3A_391 : vector<16xi32>
      tpu.vector_store_idx %arg19[%add3A_392], %scan3A_326#18 : memref<10240xf32, #tpu.memory_space<vmem>>[vector<16xi32>], vector<16xf32>,
      %add3A_393 = arith.constant 18 : i32
      %add3A_394 = vector.broadcast %add3A_393 : i32 to vector<16xi32>
      %add3A_395 = arith.addi %mul3A_338, %add3A_394 : vector<16xi32>
      tpu.vector_store_idx %arg19[%add3A_395], %scan3A_326#19 : memref<10240xf32, #tpu.memory_space<vmem>>[vector<16xi32>], vector<16xf32>,
      %add3A_396 = arith.constant 19 : i32
      %add3A_397 = vector.broadcast %add3A_396 : i32 to vector<16xi32>
      %add3A_398 = arith.addi %mul3A_338, %add3A_397 : vector<16xi32>
      tpu.vector_store_idx %arg19[%add3A_398], %scan3A_326#20 : memref<10240xf32, #tpu.memory_space<vmem>>[vector<16xi32>], vector<16xf32>,
      %lt3A = arith.constant 7 : i32
      %lt3A_399 = arith.cmpi slt, %scan3A_72, %lt3A : i32
      %convert_element_type3A = arith.extui %lt3A_399 : i1 to i32
      %cond3A = arith.constant 0 : i32
      %cond3A_400 = arith.cmpi ne, %convert_element_type3A, %cond3A : i32
      scf.if %cond3A_400 {
        %add3A_652 = arith.constant 2 : i32
        %add3A_653 = arith.addi %mul3A_75, %add3A_652 : i32
        %mul3A_654 = arith.constant 32 : i32
        %mul3A_655 = arith.muli %add3A_653, %mul3A_654 : i32
        %mul3A_656 = arith.constant 32 : i32
        %mul3A_657 = arith.muli %add3A_653, %mul3A_656 : i32
        %mul3A_658 = arith.constant 5 : i32
        %mul3A_659 = arith.muli %add3A_653, %mul3A_658 : i32
        %add3A_660 = arith.constant 0 : i32
        %add3A_661 = arith.addi %mul3A_659, %add3A_660 : i32
        %mul3A_662 = arith.constant 5 : i32
        %mul3A_663 = arith.muli %add3A_653, %mul3A_662 : i32
        %add3A_664 = arith.constant 1 : i32
        %add3A_665 = arith.addi %mul3A_663, %add3A_664 : i32
        %mul3A_666 = arith.constant 5 : i32
        %mul3A_667 = arith.muli %add3A_653, %mul3A_666 : i32
        %add3A_668 = arith.constant 2 : i32
        %add3A_669 = arith.addi %mul3A_667, %add3A_668 : i32
        %mul3A_670 = arith.constant 5 : i32
        %mul3A_671 = arith.muli %add3A_653, %mul3A_670 : i32
        %add3A_672 = arith.constant 3 : i32
        %add3A_673 = arith.addi %mul3A_671, %add3A_672 : i32
        %mul3A_674 = arith.constant 5 : i32
        %mul3A_675 = arith.muli %add3A_653, %mul3A_674 : i32
        %add3A_676 = arith.constant 4 : i32
        %add3A_677 = arith.addi %mul3A_675, %add3A_676 : i32
        %dma_start3A_678 = tpu.memref_slice %arg9[%mul3A_655] : memref<512xi32, #tpu.memory_space<vmem>> -> memref<32xi32, #tpu.memory_space<vmem>>
        %dma_start3A_679 = arith.constant 0 : i32
        %dma_start3A_680 = arith.constant 0 : i32
        %dma_start3A_681 = tpu.memref_slice %arg5[%dma_start3A_679, %dma_start3A_680] : memref<1000000x64xf32, #tpu.memory_space<hbm>> -> memref<1000000x64xf32, #tpu.memory_space<hbm>>
        tpu.enqueue_indirect_dma source(%dma_start3A_681 : memref<1000000x64xf32, #tpu.memory_space<hbm>>) target(%arg12 : memref<32x64xf32, #tpu.memory_space<vmem>>) offsets(%dma_start3A_678 : memref<32xi32, #tpu.memory_space<vmem>>) semaphore(%arg20 : memref<!tpu.dma_semaphore, #tpu.memory_space<semaphore_mem>>)
        %dma_start3A_682 = tpu.memref_slice %arg10[%mul3A_657] : memref<512xi32, #tpu.memory_space<vmem>> -> memref<32xi32, #tpu.memory_space<vmem>>
        %dma_start3A_683 = arith.constant 0 : i32
        %dma_start3A_684 = arith.constant 0 : i32
        %dma_start3A_685 = tpu.memref_slice %arg6[%dma_start3A_683, %dma_start3A_684] : memref<1000000x64xf32, #tpu.memory_space<hbm>> -> memref<1000000x64xf32, #tpu.memory_space<hbm>>
        tpu.enqueue_indirect_dma source(%dma_start3A_685 : memref<1000000x64xf32, #tpu.memory_space<hbm>>) target(%arg13 : memref<32x64xf32, #tpu.memory_space<vmem>>) offsets(%dma_start3A_682 : memref<32xi32, #tpu.memory_space<vmem>>) semaphore(%arg20 : memref<!tpu.dma_semaphore, #tpu.memory_space<semaphore_mem>>)
        %dma_start3A_686 = arith.constant 0 : i32
        %dma_start3A_687 = arith.constant 0 : i32
        %dma_start3A_688 = tpu.memref_slice %arg14[%dma_start3A_686, %dma_start3A_687] : memref<640x64xf32, #tpu.memory_space<vmem>> -> memref<128x64xf32, #tpu.memory_space<vmem>>
        %dma_start3A_689 = arith.constant 0 : i32
        %dma_start3A_690 = tpu.memref_slice %arg11[%add3A_661, %dma_start3A_689] : memref<80x128xi32, #tpu.memory_space<vmem>> -> memref<1x128xi32, #tpu.memory_space<vmem>>
        %dma_start3A_691 = tpu.memref_squeeze %dma_start3A_690 : memref<1x128xi32, #tpu.memory_space<vmem>> -> memref<128xi32, #tpu.memory_space<vmem>>
        %dma_start3A_692 = arith.constant 0 : i32
        %dma_start3A_693 = arith.constant 0 : i32
        %dma_start3A_694 = tpu.memref_slice %arg6[%dma_start3A_692, %dma_start3A_693] : memref<1000000x64xf32, #tpu.memory_space<hbm>> -> memref<1000000x64xf32, #tpu.memory_space<hbm>>
        tpu.enqueue_indirect_dma source(%dma_start3A_694 : memref<1000000x64xf32, #tpu.memory_space<hbm>>) target(%dma_start3A_688 : memref<128x64xf32, #tpu.memory_space<vmem>>) offsets(%dma_start3A_691 : memref<128xi32, #tpu.memory_space<vmem>>) semaphore(%arg20 : memref<!tpu.dma_semaphore, #tpu.memory_space<semaphore_mem>>)
        %dma_start3A_695 = arith.constant 128 : i32
        %dma_start3A_696 = arith.constant 0 : i32
        %dma_start3A_697 = tpu.memref_slice %arg14[%dma_start3A_695, %dma_start3A_696] : memref<640x64xf32, #tpu.memory_space<vmem>> -> memref<128x64xf32, #tpu.memory_space<vmem>>
        %dma_start3A_698 = arith.constant 0 : i32
        %dma_start3A_699 = tpu.memref_slice %arg11[%add3A_665, %dma_start3A_698] : memref<80x128xi32, #tpu.memory_space<vmem>> -> memref<1x128xi32, #tpu.memory_space<vmem>>
        %dma_start3A_700 = tpu.memref_squeeze %dma_start3A_699 : memref<1x128xi32, #tpu.memory_space<vmem>> -> memref<128xi32, #tpu.memory_space<vmem>>
        %dma_start3A_701 = arith.constant 0 : i32
        %dma_start3A_702 = arith.constant 0 : i32
        %dma_start3A_703 = tpu.memref_slice %arg6[%dma_start3A_701, %dma_start3A_702] : memref<1000000x64xf32, #tpu.memory_space<hbm>> -> memref<1000000x64xf32, #tpu.memory_space<hbm>>
        tpu.enqueue_indirect_dma source(%dma_start3A_703 : memref<1000000x64xf32, #tpu.memory_space<hbm>>) target(%dma_start3A_697 : memref<128x64xf32, #tpu.memory_space<vmem>>) offsets(%dma_start3A_700 : memref<128xi32, #tpu.memory_space<vmem>>) semaphore(%arg20 : memref<!tpu.dma_semaphore, #tpu.memory_space<semaphore_mem>>)
        %dma_start3A_704 = arith.constant 256 : i32
        %dma_start3A_705 = arith.constant 0 : i32
        %dma_start3A_706 = tpu.memref_slice %arg14[%dma_start3A_704, %dma_start3A_705] : memref<640x64xf32, #tpu.memory_space<vmem>> -> memref<128x64xf32, #tpu.memory_space<vmem>>
        %dma_start3A_707 = arith.constant 0 : i32
        %dma_start3A_708 = tpu.memref_slice %arg11[%add3A_669, %dma_start3A_707] : memref<80x128xi32, #tpu.memory_space<vmem>> -> memref<1x128xi32, #tpu.memory_space<vmem>>
        %dma_start3A_709 = tpu.memref_squeeze %dma_start3A_708 : memref<1x128xi32, #tpu.memory_space<vmem>> -> memref<128xi32, #tpu.memory_space<vmem>>
        %dma_start3A_710 = arith.constant 0 : i32
        %dma_start3A_711 = arith.constant 0 : i32
        %dma_start3A_712 = tpu.memref_slice %arg6[%dma_start3A_710, %dma_start3A_711] : memref<1000000x64xf32, #tpu.memory_space<hbm>> -> memref<1000000x64xf32, #tpu.memory_space<hbm>>
        tpu.enqueue_indirect_dma source(%dma_start3A_712 : memref<1000000x64xf32, #tpu.memory_space<hbm>>) target(%dma_start3A_706 : memref<128x64xf32, #tpu.memory_space<vmem>>) offsets(%dma_start3A_709 : memref<128xi32, #tpu.memory_space<vmem>>) semaphore(%arg20 : memref<!tpu.dma_semaphore, #tpu.memory_space<semaphore_mem>>)
        %dma_start3A_713 = arith.constant 384 : i32
        %dma_start3A_714 = arith.constant 0 : i32
        %dma_start3A_715 = tpu.memref_slice %arg14[%dma_start3A_713, %dma_start3A_714] : memref<640x64xf32, #tpu.memory_space<vmem>> -> memref<128x64xf32, #tpu.memory_space<vmem>>
        %dma_start3A_716 = arith.constant 0 : i32
        %dma_start3A_717 = tpu.memref_slice %arg11[%add3A_673, %dma_start3A_716] : memref<80x128xi32, #tpu.memory_space<vmem>> -> memref<1x128xi32, #tpu.memory_space<vmem>>
        %dma_start3A_718 = tpu.memref_squeeze %dma_start3A_717 : memref<1x128xi32, #tpu.memory_space<vmem>> -> memref<128xi32, #tpu.memory_space<vmem>>
        %dma_start3A_719 = arith.constant 0 : i32
        %dma_start3A_720 = arith.constant 0 : i32
        %dma_start3A_721 = tpu.memref_slice %arg6[%dma_start3A_719, %dma_start3A_720] : memref<1000000x64xf32, #tpu.memory_space<hbm>> -> memref<1000000x64xf32, #tpu.memory_space<hbm>>
        tpu.enqueue_indirect_dma source(%dma_start3A_721 : memref<1000000x64xf32, #tpu.memory_space<hbm>>) target(%dma_start3A_715 : memref<128x64xf32, #tpu.memory_space<vmem>>) offsets(%dma_start3A_718 : memref<128xi32, #tpu.memory_space<vmem>>) semaphore(%arg20 : memref<!tpu.dma_semaphore, #tpu.memory_space<semaphore_mem>>)
        %dma_start3A_722 = arith.constant 512 : i32
        %dma_start3A_723 = arith.constant 0 : i32
        %dma_start3A_724 = tpu.memref_slice %arg14[%dma_start3A_722, %dma_start3A_723] : memref<640x64xf32, #tpu.memory_space<vmem>> -> memref<128x64xf32, #tpu.memory_space<vmem>>
        %dma_start3A_725 = arith.constant 0 : i32
        %dma_start3A_726 = tpu.memref_slice %arg11[%add3A_677, %dma_start3A_725] : memref<80x128xi32, #tpu.memory_space<vmem>> -> memref<1x128xi32, #tpu.memory_space<vmem>>
        %dma_start3A_727 = tpu.memref_squeeze %dma_start3A_726 : memref<1x128xi32, #tpu.memory_space<vmem>> -> memref<128xi32, #tpu.memory_space<vmem>>
        %dma_start3A_728 = arith.constant 0 : i32
        %dma_start3A_729 = arith.constant 0 : i32
        %dma_start3A_730 = tpu.memref_slice %arg6[%dma_start3A_728, %dma_start3A_729] : memref<1000000x64xf32, #tpu.memory_space<hbm>> -> memref<1000000x64xf32, #tpu.memory_space<hbm>>
        tpu.enqueue_indirect_dma source(%dma_start3A_730 : memref<1000000x64xf32, #tpu.memory_space<hbm>>) target(%dma_start3A_724 : memref<128x64xf32, #tpu.memory_space<vmem>>) offsets(%dma_start3A_727 : memref<128xi32, #tpu.memory_space<vmem>>) semaphore(%arg20 : memref<!tpu.dma_semaphore, #tpu.memory_space<semaphore_mem>>)
      } else {
      }
      %add3A_401 = arith.constant 1 : i32
      %add3A_402 = arith.addi %mul3A_75, %add3A_401 : i32
      %mul3A_403 = arith.constant 32 : i32
      %mul3A_404 = arith.muli %add3A_402, %mul3A_403 : i32
      %mul3A_405 = arith.constant 32 : i32
      %mul3A_406 = arith.muli %add3A_402, %mul3A_405 : i32
      %mul3A_407 = arith.constant 5 : i32
      %mul3A_408 = arith.muli %add3A_402, %mul3A_407 : i32
      %add3A_409 = arith.constant 0 : i32
      %add3A_410 = arith.addi %mul3A_408, %add3A_409 : i32
      %mul3A_411 = arith.constant 5 : i32
      %mul3A_412 = arith.muli %add3A_402, %mul3A_411 : i32
      %add3A_413 = arith.constant 1 : i32
      %add3A_414 = arith.addi %mul3A_412, %add3A_413 : i32
      %mul3A_415 = arith.constant 5 : i32
      %mul3A_416 = arith.muli %add3A_402, %mul3A_415 : i32
      %add3A_417 = arith.constant 2 : i32
      %add3A_418 = arith.addi %mul3A_416, %add3A_417 : i32
      %mul3A_419 = arith.constant 5 : i32
      %mul3A_420 = arith.muli %add3A_402, %mul3A_419 : i32
      %add3A_421 = arith.constant 3 : i32
      %add3A_422 = arith.addi %mul3A_420, %add3A_421 : i32
      %mul3A_423 = arith.constant 5 : i32
      %mul3A_424 = arith.muli %add3A_402, %mul3A_423 : i32
      %add3A_425 = arith.constant 4 : i32
      %add3A_426 = arith.addi %mul3A_424, %add3A_425 : i32
      %dma_wait3A_427 = tpu.memref_slice %arg9[%mul3A_404] : memref<512xi32, #tpu.memory_space<vmem>> -> memref<32xi32, #tpu.memory_space<vmem>>
      %dma_wait3A_428 = arith.constant 0 : i32
      %dma_wait3A_429 = arith.constant 0 : i32
      %dma_wait3A_430 = tpu.memref_slice %arg5[%dma_wait3A_428, %dma_wait3A_429] : memref<1000000x64xf32, #tpu.memory_space<hbm>> -> memref<1000000x64xf32, #tpu.memory_space<hbm>>
      tpu.wait_indirect_dma semaphore(%arg21 : memref<!tpu.dma_semaphore, #tpu.memory_space<semaphore_mem>>) src(%dma_wait3A_430 : memref<1000000x64xf32, #tpu.memory_space<hbm>>) dst(%arg15 : memref<32x64xf32, #tpu.memory_space<vmem>>)
      %dma_wait3A_431 = tpu.memref_slice %arg10[%mul3A_406] : memref<512xi32, #tpu.memory_space<vmem>> -> memref<32xi32, #tpu.memory_space<vmem>>
      %dma_wait3A_432 = arith.constant 0 : i32
      %dma_wait3A_433 = arith.constant 0 : i32
      %dma_wait3A_434 = tpu.memref_slice %arg6[%dma_wait3A_432, %dma_wait3A_433] : memref<1000000x64xf32, #tpu.memory_space<hbm>> -> memref<1000000x64xf32, #tpu.memory_space<hbm>>
      tpu.wait_indirect_dma semaphore(%arg21 : memref<!tpu.dma_semaphore, #tpu.memory_space<semaphore_mem>>) src(%dma_wait3A_434 : memref<1000000x64xf32, #tpu.memory_space<hbm>>) dst(%arg16 : memref<32x64xf32, #tpu.memory_space<vmem>>)
      %dma_wait3A_435 = arith.constant 0 : i32
      %dma_wait3A_436 = arith.constant 0 : i32
      %dma_wait3A_437 = tpu.memref_slice %arg17[%dma_wait3A_435, %dma_wait3A_436] : memref<640x64xf32, #tpu.memory_space<vmem>> -> memref<128x64xf32, #tpu.memory_space<vmem>>
      %dma_wait3A_438 = arith.constant 0 : i32
      %dma_wait3A_439 = tpu.memref_slice %arg11[%add3A_410, %dma_wait3A_438] : memref<80x128xi32, #tpu.memory_space<vmem>> -> memref<1x128xi32, #tpu.memory_space<vmem>>
      %dma_wait3A_440 = tpu.memref_squeeze %dma_wait3A_439 : memref<1x128xi32, #tpu.memory_space<vmem>> -> memref<128xi32, #tpu.memory_space<vmem>>
      %dma_wait3A_441 = arith.constant 0 : i32
      %dma_wait3A_442 = arith.constant 0 : i32
      %dma_wait3A_443 = tpu.memref_slice %arg6[%dma_wait3A_441, %dma_wait3A_442] : memref<1000000x64xf32, #tpu.memory_space<hbm>> -> memref<1000000x64xf32, #tpu.memory_space<hbm>>
      tpu.wait_indirect_dma semaphore(%arg21 : memref<!tpu.dma_semaphore, #tpu.memory_space<semaphore_mem>>) src(%dma_wait3A_443 : memref<1000000x64xf32, #tpu.memory_space<hbm>>) dst(%dma_wait3A_437 : memref<128x64xf32, #tpu.memory_space<vmem>>)
      %dma_wait3A_444 = arith.constant 128 : i32
      %dma_wait3A_445 = arith.constant 0 : i32
      %dma_wait3A_446 = tpu.memref_slice %arg17[%dma_wait3A_444, %dma_wait3A_445] : memref<640x64xf32, #tpu.memory_space<vmem>> -> memref<128x64xf32, #tpu.memory_space<vmem>>
      %dma_wait3A_447 = arith.constant 0 : i32
      %dma_wait3A_448 = tpu.memref_slice %arg11[%add3A_414, %dma_wait3A_447] : memref<80x128xi32, #tpu.memory_space<vmem>> -> memref<1x128xi32, #tpu.memory_space<vmem>>
      %dma_wait3A_449 = tpu.memref_squeeze %dma_wait3A_448 : memref<1x128xi32, #tpu.memory_space<vmem>> -> memref<128xi32, #tpu.memory_space<vmem>>
      %dma_wait3A_450 = arith.constant 0 : i32
      %dma_wait3A_451 = arith.constant 0 : i32
      %dma_wait3A_452 = tpu.memref_slice %arg6[%dma_wait3A_450, %dma_wait3A_451] : memref<1000000x64xf32, #tpu.memory_space<hbm>> -> memref<1000000x64xf32, #tpu.memory_space<hbm>>
      tpu.wait_indirect_dma semaphore(%arg21 : memref<!tpu.dma_semaphore, #tpu.memory_space<semaphore_mem>>) src(%dma_wait3A_452 : memref<1000000x64xf32, #tpu.memory_space<hbm>>) dst(%dma_wait3A_446 : memref<128x64xf32, #tpu.memory_space<vmem>>)
      %dma_wait3A_453 = arith.constant 256 : i32
      %dma_wait3A_454 = arith.constant 0 : i32
      %dma_wait3A_455 = tpu.memref_slice %arg17[%dma_wait3A_453, %dma_wait3A_454] : memref<640x64xf32, #tpu.memory_space<vmem>> -> memref<128x64xf32, #tpu.memory_space<vmem>>
      %dma_wait3A_456 = arith.constant 0 : i32
      %dma_wait3A_457 = tpu.memref_slice %arg11[%add3A_418, %dma_wait3A_456] : memref<80x128xi32, #tpu.memory_space<vmem>> -> memref<1x128xi32, #tpu.memory_space<vmem>>
      %dma_wait3A_458 = tpu.memref_squeeze %dma_wait3A_457 : memref<1x128xi32, #tpu.memory_space<vmem>> -> memref<128xi32, #tpu.memory_space<vmem>>
      %dma_wait3A_459 = arith.constant 0 : i32
      %dma_wait3A_460 = arith.constant 0 : i32
      %dma_wait3A_461 = tpu.memref_slice %arg6[%dma_wait3A_459, %dma_wait3A_460] : memref<1000000x64xf32, #tpu.memory_space<hbm>> -> memref<1000000x64xf32, #tpu.memory_space<hbm>>
      tpu.wait_indirect_dma semaphore(%arg21 : memref<!tpu.dma_semaphore, #tpu.memory_space<semaphore_mem>>) src(%dma_wait3A_461 : memref<1000000x64xf32, #tpu.memory_space<hbm>>) dst(%dma_wait3A_455 : memref<128x64xf32, #tpu.memory_space<vmem>>)
      %dma_wait3A_462 = arith.constant 384 : i32
      %dma_wait3A_463 = arith.constant 0 : i32
      %dma_wait3A_464 = tpu.memref_slice %arg17[%dma_wait3A_462, %dma_wait3A_463] : memref<640x64xf32, #tpu.memory_space<vmem>> -> memref<128x64xf32, #tpu.memory_space<vmem>>
      %dma_wait3A_465 = arith.constant 0 : i32
      %dma_wait3A_466 = tpu.memref_slice %arg11[%add3A_422, %dma_wait3A_465] : memref<80x128xi32, #tpu.memory_space<vmem>> -> memref<1x128xi32, #tpu.memory_space<vmem>>
      %dma_wait3A_467 = tpu.memref_squeeze %dma_wait3A_466 : memref<1x128xi32, #tpu.memory_space<vmem>> -> memref<128xi32, #tpu.memory_space<vmem>>
      %dma_wait3A_468 = arith.constant 0 : i32
      %dma_wait3A_469 = arith.constant 0 : i32
      %dma_wait3A_470 = tpu.memref_slice %arg6[%dma_wait3A_468, %dma_wait3A_469] : memref<1000000x64xf32, #tpu.memory_space<hbm>> -> memref<1000000x64xf32, #tpu.memory_space<hbm>>
      tpu.wait_indirect_dma semaphore(%arg21 : memref<!tpu.dma_semaphore, #tpu.memory_space<semaphore_mem>>) src(%dma_wait3A_470 : memref<1000000x64xf32, #tpu.memory_space<hbm>>) dst(%dma_wait3A_464 : memref<128x64xf32, #tpu.memory_space<vmem>>)
      %dma_wait3A_471 = arith.constant 512 : i32
      %dma_wait3A_472 = arith.constant 0 : i32
      %dma_wait3A_473 = tpu.memref_slice %arg17[%dma_wait3A_471, %dma_wait3A_472] : memref<640x64xf32, #tpu.memory_space<vmem>> -> memref<128x64xf32, #tpu.memory_space<vmem>>
      %dma_wait3A_474 = arith.constant 0 : i32
      %dma_wait3A_475 = tpu.memref_slice %arg11[%add3A_426, %dma_wait3A_474] : memref<80x128xi32, #tpu.memory_space<vmem>> -> memref<1x128xi32, #tpu.memory_space<vmem>>
      %dma_wait3A_476 = tpu.memref_squeeze %dma_wait3A_475 : memref<1x128xi32, #tpu.memory_space<vmem>> -> memref<128xi32, #tpu.memory_space<vmem>>
      %dma_wait3A_477 = arith.constant 0 : i32
      %dma_wait3A_478 = arith.constant 0 : i32
      %dma_wait3A_479 = tpu.memref_slice %arg6[%dma_wait3A_477, %dma_wait3A_478] : memref<1000000x64xf32, #tpu.memory_space<hbm>> -> memref<1000000x64xf32, #tpu.memory_space<hbm>>
      tpu.wait_indirect_dma semaphore(%arg21 : memref<!tpu.dma_semaphore, #tpu.memory_space<semaphore_mem>>) src(%dma_wait3A_479 : memref<1000000x64xf32, #tpu.memory_space<hbm>>) dst(%dma_wait3A_473 : memref<128x64xf32, #tpu.memory_space<vmem>>)
      %iota3A_480 = tpu.iota {dimensions = array<i32: 0>} : vector<16xi32>
      %add3A_481 = arith.constant 0 : i32
      %add3A_482 = vector.broadcast %add3A_481 : i32 to vector<16xi32>
      %add3A_483 = arith.addi %iota3A_480, %add3A_482 : vector<16xi32>
      %mul3A_484 = arith.constant 20 : i32
      %mul3A_485 = vector.broadcast %mul3A_484 : i32 to vector<16xi32>
      %mul3A_486 = arith.muli %add3A_483, %mul3A_485 : vector<16xi32>
      %broadcast_in_dim3A_487 = arith.constant 0.000000e+00 : f32
      %broadcast_in_dim3A_488 = vector.broadcast %broadcast_in_dim3A_487 : f32 to vector<16xf32>
      %scan3A_489 = arith.constant 0 : i32
      %scan3A_490 = arith.constant 64 : i32
      %scan3A_491 = arith.addi %scan3A_489, %scan3A_490 : i32
      %scan3A_492 = arith.constant 1 : i32
      %scan3A_493:21 = scf.for %scan3A_652 = %scan3A_489 to %scan3A_491 step %scan3A_492 iter_args(%scan3A_653 = %broadcast_in_dim3A_488, %scan3A_654 = %broadcast_in_dim3A_488, %scan3A_655 = %broadcast_in_dim3A_488, %scan3A_656 = %broadcast_in_dim3A_488, %scan3A_657 = %broadcast_in_dim3A_488, %scan3A_658 = %broadcast_in_dim3A_488, %scan3A_659 = %broadcast_in_dim3A_488, %scan3A_660 = %broadcast_in_dim3A_488, %scan3A_661 = %broadcast_in_dim3A_488, %scan3A_662 = %broadcast_in_dim3A_488, %scan3A_663 = %broadcast_in_dim3A_488, %scan3A_664 = %broadcast_in_dim3A_488, %scan3A_665 = %broadcast_in_dim3A_488, %scan3A_666 = %broadcast_in_dim3A_488, %scan3A_667 = %broadcast_in_dim3A_488, %scan3A_668 = %broadcast_in_dim3A_488, %scan3A_669 = %broadcast_in_dim3A_488, %scan3A_670 = %broadcast_in_dim3A_488, %scan3A_671 = %broadcast_in_dim3A_488, %scan3A_672 = %broadcast_in_dim3A_488, %scan3A_673 = %broadcast_in_dim3A_488) -> (vector<16xf32>, vector<16xf32>, vector<16xf32>, vector<16xf32>, vector<16xf32>, vector<16xf32>, vector<16xf32>, vector<16xf32>, vector<16xf32>, vector<16xf32>, vector<16xf32>, vector<16xf32>, vector<16xf32>, vector<16xf32>, vector<16xf32>, vector<16xf32>, vector<16xf32>, vector<16xf32>, vector<16xf32>, vector<16xf32>, vector<16xf32>)  : i32 {
        %broadcast_in_dim3A_674 = arith.constant 0 : i32
        %broadcast_in_dim3A_675 = vector.broadcast %broadcast_in_dim3A_674 : i32 to vector<16xi32>
        %add3A_676 = vector.broadcast %scan3A_652 : i32 to vector<16xi32>
        %add3A_677 = arith.addi %broadcast_in_dim3A_675, %add3A_676 : vector<16xi32>
        %gather3A = tpu.vector_load_idx %arg15[%add3A_483, %add3A_677] : memref<32x64xf32, #tpu.memory_space<vmem>>[vector<16xi32>, vector<16xi32>], vector<16xf32>,
        %gather3A_678 = tpu.vector_load_idx %arg16[%add3A_483, %add3A_677] : memref<32x64xf32, #tpu.memory_space<vmem>>[vector<16xi32>, vector<16xi32>], vector<16xf32>,
        %mul3A_679 = arith.mulf %gather3A, %gather3A_678 : vector<16xf32>
        %add3A_680 = arith.addf %scan3A_653, %mul3A_679 : vector<16xf32>
        %add3A_681 = arith.constant 0 : i32
        %add3A_682 = vector.broadcast %add3A_681 : i32 to vector<16xi32>
        %add3A_683 = arith.addi %mul3A_486, %add3A_682 : vector<16xi32>
        %gather3A_684 = tpu.vector_load_idx %arg17[%add3A_683, %add3A_677] : memref<640x64xf32, #tpu.memory_space<vmem>>[vector<16xi32>, vector<16xi32>], vector<16xf32>,
        %mul3A_685 = arith.mulf %gather3A, %gather3A_684 : vector<16xf32>
        %add3A_686 = arith.addf %scan3A_654, %mul3A_685 : vector<16xf32>
        %add3A_687 = arith.constant 1 : i32
        %add3A_688 = vector.broadcast %add3A_687 : i32 to vector<16xi32>
        %add3A_689 = arith.addi %mul3A_486, %add3A_688 : vector<16xi32>
        %gather3A_690 = tpu.vector_load_idx %arg17[%add3A_689, %add3A_677] : memref<640x64xf32, #tpu.memory_space<vmem>>[vector<16xi32>, vector<16xi32>], vector<16xf32>,
        %mul3A_691 = arith.mulf %gather3A, %gather3A_690 : vector<16xf32>
        %add3A_692 = arith.addf %scan3A_655, %mul3A_691 : vector<16xf32>
        %add3A_693 = arith.constant 2 : i32
        %add3A_694 = vector.broadcast %add3A_693 : i32 to vector<16xi32>
        %add3A_695 = arith.addi %mul3A_486, %add3A_694 : vector<16xi32>
        %gather3A_696 = tpu.vector_load_idx %arg17[%add3A_695, %add3A_677] : memref<640x64xf32, #tpu.memory_space<vmem>>[vector<16xi32>, vector<16xi32>], vector<16xf32>,
        %mul3A_697 = arith.mulf %gather3A, %gather3A_696 : vector<16xf32>
        %add3A_698 = arith.addf %scan3A_656, %mul3A_697 : vector<16xf32>
        %add3A_699 = arith.constant 3 : i32
        %add3A_700 = vector.broadcast %add3A_699 : i32 to vector<16xi32>
        %add3A_701 = arith.addi %mul3A_486, %add3A_700 : vector<16xi32>
        %gather3A_702 = tpu.vector_load_idx %arg17[%add3A_701, %add3A_677] : memref<640x64xf32, #tpu.memory_space<vmem>>[vector<16xi32>, vector<16xi32>], vector<16xf32>,
        %mul3A_703 = arith.mulf %gather3A, %gather3A_702 : vector<16xf32>
        %add3A_704 = arith.addf %scan3A_657, %mul3A_703 : vector<16xf32>
        %add3A_705 = arith.constant 4 : i32
        %add3A_706 = vector.broadcast %add3A_705 : i32 to vector<16xi32>
        %add3A_707 = arith.addi %mul3A_486, %add3A_706 : vector<16xi32>
        %gather3A_708 = tpu.vector_load_idx %arg17[%add3A_707, %add3A_677] : memref<640x64xf32, #tpu.memory_space<vmem>>[vector<16xi32>, vector<16xi32>], vector<16xf32>,
        %mul3A_709 = arith.mulf %gather3A, %gather3A_708 : vector<16xf32>
        %add3A_710 = arith.addf %scan3A_658, %mul3A_709 : vector<16xf32>
        %add3A_711 = arith.constant 5 : i32
        %add3A_712 = vector.broadcast %add3A_711 : i32 to vector<16xi32>
        %add3A_713 = arith.addi %mul3A_486, %add3A_712 : vector<16xi32>
        %gather3A_714 = tpu.vector_load_idx %arg17[%add3A_713, %add3A_677] : memref<640x64xf32, #tpu.memory_space<vmem>>[vector<16xi32>, vector<16xi32>], vector<16xf32>,
        %mul3A_715 = arith.mulf %gather3A, %gather3A_714 : vector<16xf32>
        %add3A_716 = arith.addf %scan3A_659, %mul3A_715 : vector<16xf32>
        %add3A_717 = arith.constant 6 : i32
        %add3A_718 = vector.broadcast %add3A_717 : i32 to vector<16xi32>
        %add3A_719 = arith.addi %mul3A_486, %add3A_718 : vector<16xi32>
        %gather3A_720 = tpu.vector_load_idx %arg17[%add3A_719, %add3A_677] : memref<640x64xf32, #tpu.memory_space<vmem>>[vector<16xi32>, vector<16xi32>], vector<16xf32>,
        %mul3A_721 = arith.mulf %gather3A, %gather3A_720 : vector<16xf32>
        %add3A_722 = arith.addf %scan3A_660, %mul3A_721 : vector<16xf32>
        %add3A_723 = arith.constant 7 : i32
        %add3A_724 = vector.broadcast %add3A_723 : i32 to vector<16xi32>
        %add3A_725 = arith.addi %mul3A_486, %add3A_724 : vector<16xi32>
        %gather3A_726 = tpu.vector_load_idx %arg17[%add3A_725, %add3A_677] : memref<640x64xf32, #tpu.memory_space<vmem>>[vector<16xi32>, vector<16xi32>], vector<16xf32>,
        %mul3A_727 = arith.mulf %gather3A, %gather3A_726 : vector<16xf32>
        %add3A_728 = arith.addf %scan3A_661, %mul3A_727 : vector<16xf32>
        %add3A_729 = arith.constant 8 : i32
        %add3A_730 = vector.broadcast %add3A_729 : i32 to vector<16xi32>
        %add3A_731 = arith.addi %mul3A_486, %add3A_730 : vector<16xi32>
        %gather3A_732 = tpu.vector_load_idx %arg17[%add3A_731, %add3A_677] : memref<640x64xf32, #tpu.memory_space<vmem>>[vector<16xi32>, vector<16xi32>], vector<16xf32>,
        %mul3A_733 = arith.mulf %gather3A, %gather3A_732 : vector<16xf32>
        %add3A_734 = arith.addf %scan3A_662, %mul3A_733 : vector<16xf32>
        %add3A_735 = arith.constant 9 : i32
        %add3A_736 = vector.broadcast %add3A_735 : i32 to vector<16xi32>
        %add3A_737 = arith.addi %mul3A_486, %add3A_736 : vector<16xi32>
        %gather3A_738 = tpu.vector_load_idx %arg17[%add3A_737, %add3A_677] : memref<640x64xf32, #tpu.memory_space<vmem>>[vector<16xi32>, vector<16xi32>], vector<16xf32>,
        %mul3A_739 = arith.mulf %gather3A, %gather3A_738 : vector<16xf32>
        %add3A_740 = arith.addf %scan3A_663, %mul3A_739 : vector<16xf32>
        %add3A_741 = arith.constant 10 : i32
        %add3A_742 = vector.broadcast %add3A_741 : i32 to vector<16xi32>
        %add3A_743 = arith.addi %mul3A_486, %add3A_742 : vector<16xi32>
        %gather3A_744 = tpu.vector_load_idx %arg17[%add3A_743, %add3A_677] : memref<640x64xf32, #tpu.memory_space<vmem>>[vector<16xi32>, vector<16xi32>], vector<16xf32>,
        %mul3A_745 = arith.mulf %gather3A, %gather3A_744 : vector<16xf32>
        %add3A_746 = arith.addf %scan3A_664, %mul3A_745 : vector<16xf32>
        %add3A_747 = arith.constant 11 : i32
        %add3A_748 = vector.broadcast %add3A_747 : i32 to vector<16xi32>
        %add3A_749 = arith.addi %mul3A_486, %add3A_748 : vector<16xi32>
        %gather3A_750 = tpu.vector_load_idx %arg17[%add3A_749, %add3A_677] : memref<640x64xf32, #tpu.memory_space<vmem>>[vector<16xi32>, vector<16xi32>], vector<16xf32>,
        %mul3A_751 = arith.mulf %gather3A, %gather3A_750 : vector<16xf32>
        %add3A_752 = arith.addf %scan3A_665, %mul3A_751 : vector<16xf32>
        %add3A_753 = arith.constant 12 : i32
        %add3A_754 = vector.broadcast %add3A_753 : i32 to vector<16xi32>
        %add3A_755 = arith.addi %mul3A_486, %add3A_754 : vector<16xi32>
        %gather3A_756 = tpu.vector_load_idx %arg17[%add3A_755, %add3A_677] : memref<640x64xf32, #tpu.memory_space<vmem>>[vector<16xi32>, vector<16xi32>], vector<16xf32>,
        %mul3A_757 = arith.mulf %gather3A, %gather3A_756 : vector<16xf32>
        %add3A_758 = arith.addf %scan3A_666, %mul3A_757 : vector<16xf32>
        %add3A_759 = arith.constant 13 : i32
        %add3A_760 = vector.broadcast %add3A_759 : i32 to vector<16xi32>
        %add3A_761 = arith.addi %mul3A_486, %add3A_760 : vector<16xi32>
        %gather3A_762 = tpu.vector_load_idx %arg17[%add3A_761, %add3A_677] : memref<640x64xf32, #tpu.memory_space<vmem>>[vector<16xi32>, vector<16xi32>], vector<16xf32>,
        %mul3A_763 = arith.mulf %gather3A, %gather3A_762 : vector<16xf32>
        %add3A_764 = arith.addf %scan3A_667, %mul3A_763 : vector<16xf32>
        %add3A_765 = arith.constant 14 : i32
        %add3A_766 = vector.broadcast %add3A_765 : i32 to vector<16xi32>
        %add3A_767 = arith.addi %mul3A_486, %add3A_766 : vector<16xi32>
        %gather3A_768 = tpu.vector_load_idx %arg17[%add3A_767, %add3A_677] : memref<640x64xf32, #tpu.memory_space<vmem>>[vector<16xi32>, vector<16xi32>], vector<16xf32>,
        %mul3A_769 = arith.mulf %gather3A, %gather3A_768 : vector<16xf32>
        %add3A_770 = arith.addf %scan3A_668, %mul3A_769 : vector<16xf32>
        %add3A_771 = arith.constant 15 : i32
        %add3A_772 = vector.broadcast %add3A_771 : i32 to vector<16xi32>
        %add3A_773 = arith.addi %mul3A_486, %add3A_772 : vector<16xi32>
        %gather3A_774 = tpu.vector_load_idx %arg17[%add3A_773, %add3A_677] : memref<640x64xf32, #tpu.memory_space<vmem>>[vector<16xi32>, vector<16xi32>], vector<16xf32>,
        %mul3A_775 = arith.mulf %gather3A, %gather3A_774 : vector<16xf32>
        %add3A_776 = arith.addf %scan3A_669, %mul3A_775 : vector<16xf32>
        %add3A_777 = arith.constant 16 : i32
        %add3A_778 = vector.broadcast %add3A_777 : i32 to vector<16xi32>
        %add3A_779 = arith.addi %mul3A_486, %add3A_778 : vector<16xi32>
        %gather3A_780 = tpu.vector_load_idx %arg17[%add3A_779, %add3A_677] : memref<640x64xf32, #tpu.memory_space<vmem>>[vector<16xi32>, vector<16xi32>], vector<16xf32>,
        %mul3A_781 = arith.mulf %gather3A, %gather3A_780 : vector<16xf32>
        %add3A_782 = arith.addf %scan3A_670, %mul3A_781 : vector<16xf32>
        %add3A_783 = arith.constant 17 : i32
        %add3A_784 = vector.broadcast %add3A_783 : i32 to vector<16xi32>
        %add3A_785 = arith.addi %mul3A_486, %add3A_784 : vector<16xi32>
        %gather3A_786 = tpu.vector_load_idx %arg17[%add3A_785, %add3A_677] : memref<640x64xf32, #tpu.memory_space<vmem>>[vector<16xi32>, vector<16xi32>], vector<16xf32>,
        %mul3A_787 = arith.mulf %gather3A, %gather3A_786 : vector<16xf32>
        %add3A_788 = arith.addf %scan3A_671, %mul3A_787 : vector<16xf32>
        %add3A_789 = arith.constant 18 : i32
        %add3A_790 = vector.broadcast %add3A_789 : i32 to vector<16xi32>
        %add3A_791 = arith.addi %mul3A_486, %add3A_790 : vector<16xi32>
        %gather3A_792 = tpu.vector_load_idx %arg17[%add3A_791, %add3A_677] : memref<640x64xf32, #tpu.memory_space<vmem>>[vector<16xi32>, vector<16xi32>], vector<16xf32>,
        %mul3A_793 = arith.mulf %gather3A, %gather3A_792 : vector<16xf32>
        %add3A_794 = arith.addf %scan3A_672, %mul3A_793 : vector<16xf32>
        %add3A_795 = arith.constant 19 : i32
        %add3A_796 = vector.broadcast %add3A_795 : i32 to vector<16xi32>
        %add3A_797 = arith.addi %mul3A_486, %add3A_796 : vector<16xi32>
        %gather3A_798 = tpu.vector_load_idx %arg17[%add3A_797, %add3A_677] : memref<640x64xf32, #tpu.memory_space<vmem>>[vector<16xi32>, vector<16xi32>], vector<16xf32>,
        %mul3A_799 = arith.mulf %gather3A, %gather3A_798 : vector<16xf32>
        %add3A_800 = arith.addf %scan3A_673, %mul3A_799 : vector<16xf32>
        scf.yield %add3A_680, %add3A_686, %add3A_692, %add3A_698, %add3A_704, %add3A_710, %add3A_716, %add3A_722, %add3A_728, %add3A_734, %add3A_740, %add3A_746, %add3A_752, %add3A_758, %add3A_764, %add3A_770, %add3A_776, %add3A_782, %add3A_788, %add3A_794, %add3A_800 : vector<16xf32>, vector<16xf32>, vector<16xf32>, vector<16xf32>, vector<16xf32>, vector<16xf32>, vector<16xf32>, vector<16xf32>, vector<16xf32>, vector<16xf32>, vector<16xf32>, vector<16xf32>, vector<16xf32>, vector<16xf32>, vector<16xf32>, vector<16xf32>, vector<16xf32>, vector<16xf32>, vector<16xf32>, vector<16xf32>, vector<16xf32>
      }
      %scan3A_494 = arith.constant 64 : i32
      %mul3A_495 = arith.constant 32 : i32
      %mul3A_496 = arith.muli %add3A_402, %mul3A_495 : i32
      %add3A_497 = arith.constant 0 : i32
      %add3A_498 = arith.addi %mul3A_496, %add3A_497 : i32
      %swap3A_499 = arith.index_cast %add3A_498 : i32 to index
      %swap3A_500 = tpu.vector_load %arg18[%swap3A_499] {strides = array<i32>} : memref<512xf32, #tpu.memory_space<vmem>>, vector<16xf32>,
      tpu.vector_store %arg18[%swap3A_499], %scan3A_493#0 {strides = array<i32>} : memref<512xf32, #tpu.memory_space<vmem>>, vector<16xf32>,
      %add3A_501 = vector.broadcast %add3A_498 : i32 to vector<16xi32>
      %add3A_502 = arith.addi %add3A_501, %iota3A_480 : vector<16xi32>
      %mul3A_503 = arith.constant 20 : i32
      %mul3A_504 = vector.broadcast %mul3A_503 : i32 to vector<16xi32>
      %mul3A_505 = arith.muli %add3A_502, %mul3A_504 : vector<16xi32>
      %add3A_506 = arith.constant 0 : i32
      %add3A_507 = vector.broadcast %add3A_506 : i32 to vector<16xi32>
      %add3A_508 = arith.addi %mul3A_505, %add3A_507 : vector<16xi32>
      tpu.vector_store_idx %arg19[%add3A_508], %scan3A_493#1 : memref<10240xf32, #tpu.memory_space<vmem>>[vector<16xi32>], vector<16xf32>,
      %add3A_509 = arith.constant 1 : i32
      %add3A_510 = vector.broadcast %add3A_509 : i32 to vector<16xi32>
      %add3A_511 = arith.addi %mul3A_505, %add3A_510 : vector<16xi32>
      tpu.vector_store_idx %arg19[%add3A_511], %scan3A_493#2 : memref<10240xf32, #tpu.memory_space<vmem>>[vector<16xi32>], vector<16xf32>,
      %add3A_512 = arith.constant 2 : i32
      %add3A_513 = vector.broadcast %add3A_512 : i32 to vector<16xi32>
      %add3A_514 = arith.addi %mul3A_505, %add3A_513 : vector<16xi32>
      tpu.vector_store_idx %arg19[%add3A_514], %scan3A_493#3 : memref<10240xf32, #tpu.memory_space<vmem>>[vector<16xi32>], vector<16xf32>,
      %add3A_515 = arith.constant 3 : i32
      %add3A_516 = vector.broadcast %add3A_515 : i32 to vector<16xi32>
      %add3A_517 = arith.addi %mul3A_505, %add3A_516 : vector<16xi32>
      tpu.vector_store_idx %arg19[%add3A_517], %scan3A_493#4 : memref<10240xf32, #tpu.memory_space<vmem>>[vector<16xi32>], vector<16xf32>,
      %add3A_518 = arith.constant 4 : i32
      %add3A_519 = vector.broadcast %add3A_518 : i32 to vector<16xi32>
      %add3A_520 = arith.addi %mul3A_505, %add3A_519 : vector<16xi32>
      tpu.vector_store_idx %arg19[%add3A_520], %scan3A_493#5 : memref<10240xf32, #tpu.memory_space<vmem>>[vector<16xi32>], vector<16xf32>,
      %add3A_521 = arith.constant 5 : i32
      %add3A_522 = vector.broadcast %add3A_521 : i32 to vector<16xi32>
      %add3A_523 = arith.addi %mul3A_505, %add3A_522 : vector<16xi32>
      tpu.vector_store_idx %arg19[%add3A_523], %scan3A_493#6 : memref<10240xf32, #tpu.memory_space<vmem>>[vector<16xi32>], vector<16xf32>,
      %add3A_524 = arith.constant 6 : i32
      %add3A_525 = vector.broadcast %add3A_524 : i32 to vector<16xi32>
      %add3A_526 = arith.addi %mul3A_505, %add3A_525 : vector<16xi32>
      tpu.vector_store_idx %arg19[%add3A_526], %scan3A_493#7 : memref<10240xf32, #tpu.memory_space<vmem>>[vector<16xi32>], vector<16xf32>,
      %add3A_527 = arith.constant 7 : i32
      %add3A_528 = vector.broadcast %add3A_527 : i32 to vector<16xi32>
      %add3A_529 = arith.addi %mul3A_505, %add3A_528 : vector<16xi32>
      tpu.vector_store_idx %arg19[%add3A_529], %scan3A_493#8 : memref<10240xf32, #tpu.memory_space<vmem>>[vector<16xi32>], vector<16xf32>,
      %add3A_530 = arith.constant 8 : i32
      %add3A_531 = vector.broadcast %add3A_530 : i32 to vector<16xi32>
      %add3A_532 = arith.addi %mul3A_505, %add3A_531 : vector<16xi32>
      tpu.vector_store_idx %arg19[%add3A_532], %scan3A_493#9 : memref<10240xf32, #tpu.memory_space<vmem>>[vector<16xi32>], vector<16xf32>,
      %add3A_533 = arith.constant 9 : i32
      %add3A_534 = vector.broadcast %add3A_533 : i32 to vector<16xi32>
      %add3A_535 = arith.addi %mul3A_505, %add3A_534 : vector<16xi32>
      tpu.vector_store_idx %arg19[%add3A_535], %scan3A_493#10 : memref<10240xf32, #tpu.memory_space<vmem>>[vector<16xi32>], vector<16xf32>,
      %add3A_536 = arith.constant 10 : i32
      %add3A_537 = vector.broadcast %add3A_536 : i32 to vector<16xi32>
      %add3A_538 = arith.addi %mul3A_505, %add3A_537 : vector<16xi32>
      tpu.vector_store_idx %arg19[%add3A_538], %scan3A_493#11 : memref<10240xf32, #tpu.memory_space<vmem>>[vector<16xi32>], vector<16xf32>,
      %add3A_539 = arith.constant 11 : i32
      %add3A_540 = vector.broadcast %add3A_539 : i32 to vector<16xi32>
      %add3A_541 = arith.addi %mul3A_505, %add3A_540 : vector<16xi32>
      tpu.vector_store_idx %arg19[%add3A_541], %scan3A_493#12 : memref<10240xf32, #tpu.memory_space<vmem>>[vector<16xi32>], vector<16xf32>,
      %add3A_542 = arith.constant 12 : i32
      %add3A_543 = vector.broadcast %add3A_542 : i32 to vector<16xi32>
      %add3A_544 = arith.addi %mul3A_505, %add3A_543 : vector<16xi32>
      tpu.vector_store_idx %arg19[%add3A_544], %scan3A_493#13 : memref<10240xf32, #tpu.memory_space<vmem>>[vector<16xi32>], vector<16xf32>,
      %add3A_545 = arith.constant 13 : i32
      %add3A_546 = vector.broadcast %add3A_545 : i32 to vector<16xi32>
      %add3A_547 = arith.addi %mul3A_505, %add3A_546 : vector<16xi32>
      tpu.vector_store_idx %arg19[%add3A_547], %scan3A_493#14 : memref<10240xf32, #tpu.memory_space<vmem>>[vector<16xi32>], vector<16xf32>,
      %add3A_548 = arith.constant 14 : i32
      %add3A_549 = vector.broadcast %add3A_548 : i32 to vector<16xi32>
      %add3A_550 = arith.addi %mul3A_505, %add3A_549 : vector<16xi32>
      tpu.vector_store_idx %arg19[%add3A_550], %scan3A_493#15 : memref<10240xf32, #tpu.memory_space<vmem>>[vector<16xi32>], vector<16xf32>,
      %add3A_551 = arith.constant 15 : i32
      %add3A_552 = vector.broadcast %add3A_551 : i32 to vector<16xi32>
      %add3A_553 = arith.addi %mul3A_505, %add3A_552 : vector<16xi32>
      tpu.vector_store_idx %arg19[%add3A_553], %scan3A_493#16 : memref<10240xf32, #tpu.memory_space<vmem>>[vector<16xi32>], vector<16xf32>,
      %add3A_554 = arith.constant 16 : i32
      %add3A_555 = vector.broadcast %add3A_554 : i32 to vector<16xi32>
      %add3A_556 = arith.addi %mul3A_505, %add3A_555 : vector<16xi32>
      tpu.vector_store_idx %arg19[%add3A_556], %scan3A_493#17 : memref<10240xf32, #tpu.memory_space<vmem>>[vector<16xi32>], vector<16xf32>,
      %add3A_557 = arith.constant 17 : i32
      %add3A_558 = vector.broadcast %add3A_557 : i32 to vector<16xi32>
      %add3A_559 = arith.addi %mul3A_505, %add3A_558 : vector<16xi32>
      tpu.vector_store_idx %arg19[%add3A_559], %scan3A_493#18 : memref<10240xf32, #tpu.memory_space<vmem>>[vector<16xi32>], vector<16xf32>,
      %add3A_560 = arith.constant 18 : i32
      %add3A_561 = vector.broadcast %add3A_560 : i32 to vector<16xi32>
      %add3A_562 = arith.addi %mul3A_505, %add3A_561 : vector<16xi32>
      tpu.vector_store_idx %arg19[%add3A_562], %scan3A_493#19 : memref<10240xf32, #tpu.memory_space<vmem>>[vector<16xi32>], vector<16xf32>,
      %add3A_563 = arith.constant 19 : i32
      %add3A_564 = vector.broadcast %add3A_563 : i32 to vector<16xi32>
      %add3A_565 = arith.addi %mul3A_505, %add3A_564 : vector<16xi32>
      tpu.vector_store_idx %arg19[%add3A_565], %scan3A_493#20 : memref<10240xf32, #tpu.memory_space<vmem>>[vector<16xi32>], vector<16xf32>,
      %add3A_566 = arith.constant 16 : i32
      %add3A_567 = vector.broadcast %add3A_566 : i32 to vector<16xi32>
      %add3A_568 = arith.addi %iota3A_480, %add3A_567 : vector<16xi32>
      %mul3A_569 = arith.constant 20 : i32
      %mul3A_570 = vector.broadcast %mul3A_569 : i32 to vector<16xi32>
      %mul3A_571 = arith.muli %add3A_568, %mul3A_570 : vector<16xi32>
      %broadcast_in_dim3A_572 = arith.constant 0.000000e+00 : f32
      %broadcast_in_dim3A_573 = vector.broadcast %broadcast_in_dim3A_572 : f32 to vector<16xf32>
      %scan3A_574 = arith.constant 0 : i32
      %scan3A_575 = arith.constant 64 : i32
      %scan3A_576 = arith.addi %scan3A_574, %scan3A_575 : i32
      %scan3A_577 = arith.constant 1 : i32
      %scan3A_578:21 = scf.for %scan3A_652 = %scan3A_574 to %scan3A_576 step %scan3A_577 iter_args(%scan3A_653 = %broadcast_in_dim3A_573, %scan3A_654 = %broadcast_in_dim3A_573, %scan3A_655 = %broadcast_in_dim3A_573, %scan3A_656 = %broadcast_in_dim3A_573, %scan3A_657 = %broadcast_in_dim3A_573, %scan3A_658 = %broadcast_in_dim3A_573, %scan3A_659 = %broadcast_in_dim3A_573, %scan3A_660 = %broadcast_in_dim3A_573, %scan3A_661 = %broadcast_in_dim3A_573, %scan3A_662 = %broadcast_in_dim3A_573, %scan3A_663 = %broadcast_in_dim3A_573, %scan3A_664 = %broadcast_in_dim3A_573, %scan3A_665 = %broadcast_in_dim3A_573, %scan3A_666 = %broadcast_in_dim3A_573, %scan3A_667 = %broadcast_in_dim3A_573, %scan3A_668 = %broadcast_in_dim3A_573, %scan3A_669 = %broadcast_in_dim3A_573, %scan3A_670 = %broadcast_in_dim3A_573, %scan3A_671 = %broadcast_in_dim3A_573, %scan3A_672 = %broadcast_in_dim3A_573, %scan3A_673 = %broadcast_in_dim3A_573) -> (vector<16xf32>, vector<16xf32>, vector<16xf32>, vector<16xf32>, vector<16xf32>, vector<16xf32>, vector<16xf32>, vector<16xf32>, vector<16xf32>, vector<16xf32>, vector<16xf32>, vector<16xf32>, vector<16xf32>, vector<16xf32>, vector<16xf32>, vector<16xf32>, vector<16xf32>, vector<16xf32>, vector<16xf32>, vector<16xf32>, vector<16xf32>)  : i32 {
        %broadcast_in_dim3A_674 = arith.constant 0 : i32
        %broadcast_in_dim3A_675 = vector.broadcast %broadcast_in_dim3A_674 : i32 to vector<16xi32>
        %add3A_676 = vector.broadcast %scan3A_652 : i32 to vector<16xi32>
        %add3A_677 = arith.addi %broadcast_in_dim3A_675, %add3A_676 : vector<16xi32>
        %gather3A = tpu.vector_load_idx %arg15[%add3A_568, %add3A_677] : memref<32x64xf32, #tpu.memory_space<vmem>>[vector<16xi32>, vector<16xi32>], vector<16xf32>,
        %gather3A_678 = tpu.vector_load_idx %arg16[%add3A_568, %add3A_677] : memref<32x64xf32, #tpu.memory_space<vmem>>[vector<16xi32>, vector<16xi32>], vector<16xf32>,
        %mul3A_679 = arith.mulf %gather3A, %gather3A_678 : vector<16xf32>
        %add3A_680 = arith.addf %scan3A_653, %mul3A_679 : vector<16xf32>
        %add3A_681 = arith.constant 0 : i32
        %add3A_682 = vector.broadcast %add3A_681 : i32 to vector<16xi32>
        %add3A_683 = arith.addi %mul3A_571, %add3A_682 : vector<16xi32>
        %gather3A_684 = tpu.vector_load_idx %arg17[%add3A_683, %add3A_677] : memref<640x64xf32, #tpu.memory_space<vmem>>[vector<16xi32>, vector<16xi32>], vector<16xf32>,
        %mul3A_685 = arith.mulf %gather3A, %gather3A_684 : vector<16xf32>
        %add3A_686 = arith.addf %scan3A_654, %mul3A_685 : vector<16xf32>
        %add3A_687 = arith.constant 1 : i32
        %add3A_688 = vector.broadcast %add3A_687 : i32 to vector<16xi32>
        %add3A_689 = arith.addi %mul3A_571, %add3A_688 : vector<16xi32>
        %gather3A_690 = tpu.vector_load_idx %arg17[%add3A_689, %add3A_677] : memref<640x64xf32, #tpu.memory_space<vmem>>[vector<16xi32>, vector<16xi32>], vector<16xf32>,
        %mul3A_691 = arith.mulf %gather3A, %gather3A_690 : vector<16xf32>
        %add3A_692 = arith.addf %scan3A_655, %mul3A_691 : vector<16xf32>
        %add3A_693 = arith.constant 2 : i32
        %add3A_694 = vector.broadcast %add3A_693 : i32 to vector<16xi32>
        %add3A_695 = arith.addi %mul3A_571, %add3A_694 : vector<16xi32>
        %gather3A_696 = tpu.vector_load_idx %arg17[%add3A_695, %add3A_677] : memref<640x64xf32, #tpu.memory_space<vmem>>[vector<16xi32>, vector<16xi32>], vector<16xf32>,
        %mul3A_697 = arith.mulf %gather3A, %gather3A_696 : vector<16xf32>
        %add3A_698 = arith.addf %scan3A_656, %mul3A_697 : vector<16xf32>
        %add3A_699 = arith.constant 3 : i32
        %add3A_700 = vector.broadcast %add3A_699 : i32 to vector<16xi32>
        %add3A_701 = arith.addi %mul3A_571, %add3A_700 : vector<16xi32>
        %gather3A_702 = tpu.vector_load_idx %arg17[%add3A_701, %add3A_677] : memref<640x64xf32, #tpu.memory_space<vmem>>[vector<16xi32>, vector<16xi32>], vector<16xf32>,
        %mul3A_703 = arith.mulf %gather3A, %gather3A_702 : vector<16xf32>
        %add3A_704 = arith.addf %scan3A_657, %mul3A_703 : vector<16xf32>
        %add3A_705 = arith.constant 4 : i32
        %add3A_706 = vector.broadcast %add3A_705 : i32 to vector<16xi32>
        %add3A_707 = arith.addi %mul3A_571, %add3A_706 : vector<16xi32>
        %gather3A_708 = tpu.vector_load_idx %arg17[%add3A_707, %add3A_677] : memref<640x64xf32, #tpu.memory_space<vmem>>[vector<16xi32>, vector<16xi32>], vector<16xf32>,
        %mul3A_709 = arith.mulf %gather3A, %gather3A_708 : vector<16xf32>
        %add3A_710 = arith.addf %scan3A_658, %mul3A_709 : vector<16xf32>
        %add3A_711 = arith.constant 5 : i32
        %add3A_712 = vector.broadcast %add3A_711 : i32 to vector<16xi32>
        %add3A_713 = arith.addi %mul3A_571, %add3A_712 : vector<16xi32>
        %gather3A_714 = tpu.vector_load_idx %arg17[%add3A_713, %add3A_677] : memref<640x64xf32, #tpu.memory_space<vmem>>[vector<16xi32>, vector<16xi32>], vector<16xf32>,
        %mul3A_715 = arith.mulf %gather3A, %gather3A_714 : vector<16xf32>
        %add3A_716 = arith.addf %scan3A_659, %mul3A_715 : vector<16xf32>
        %add3A_717 = arith.constant 6 : i32
        %add3A_718 = vector.broadcast %add3A_717 : i32 to vector<16xi32>
        %add3A_719 = arith.addi %mul3A_571, %add3A_718 : vector<16xi32>
        %gather3A_720 = tpu.vector_load_idx %arg17[%add3A_719, %add3A_677] : memref<640x64xf32, #tpu.memory_space<vmem>>[vector<16xi32>, vector<16xi32>], vector<16xf32>,
        %mul3A_721 = arith.mulf %gather3A, %gather3A_720 : vector<16xf32>
        %add3A_722 = arith.addf %scan3A_660, %mul3A_721 : vector<16xf32>
        %add3A_723 = arith.constant 7 : i32
        %add3A_724 = vector.broadcast %add3A_723 : i32 to vector<16xi32>
        %add3A_725 = arith.addi %mul3A_571, %add3A_724 : vector<16xi32>
        %gather3A_726 = tpu.vector_load_idx %arg17[%add3A_725, %add3A_677] : memref<640x64xf32, #tpu.memory_space<vmem>>[vector<16xi32>, vector<16xi32>], vector<16xf32>,
        %mul3A_727 = arith.mulf %gather3A, %gather3A_726 : vector<16xf32>
        %add3A_728 = arith.addf %scan3A_661, %mul3A_727 : vector<16xf32>
        %add3A_729 = arith.constant 8 : i32
        %add3A_730 = vector.broadcast %add3A_729 : i32 to vector<16xi32>
        %add3A_731 = arith.addi %mul3A_571, %add3A_730 : vector<16xi32>
        %gather3A_732 = tpu.vector_load_idx %arg17[%add3A_731, %add3A_677] : memref<640x64xf32, #tpu.memory_space<vmem>>[vector<16xi32>, vector<16xi32>], vector<16xf32>,
        %mul3A_733 = arith.mulf %gather3A, %gather3A_732 : vector<16xf32>
        %add3A_734 = arith.addf %scan3A_662, %mul3A_733 : vector<16xf32>
        %add3A_735 = arith.constant 9 : i32
        %add3A_736 = vector.broadcast %add3A_735 : i32 to vector<16xi32>
        %add3A_737 = arith.addi %mul3A_571, %add3A_736 : vector<16xi32>
        %gather3A_738 = tpu.vector_load_idx %arg17[%add3A_737, %add3A_677] : memref<640x64xf32, #tpu.memory_space<vmem>>[vector<16xi32>, vector<16xi32>], vector<16xf32>,
        %mul3A_739 = arith.mulf %gather3A, %gather3A_738 : vector<16xf32>
        %add3A_740 = arith.addf %scan3A_663, %mul3A_739 : vector<16xf32>
        %add3A_741 = arith.constant 10 : i32
        %add3A_742 = vector.broadcast %add3A_741 : i32 to vector<16xi32>
        %add3A_743 = arith.addi %mul3A_571, %add3A_742 : vector<16xi32>
        %gather3A_744 = tpu.vector_load_idx %arg17[%add3A_743, %add3A_677] : memref<640x64xf32, #tpu.memory_space<vmem>>[vector<16xi32>, vector<16xi32>], vector<16xf32>,
        %mul3A_745 = arith.mulf %gather3A, %gather3A_744 : vector<16xf32>
        %add3A_746 = arith.addf %scan3A_664, %mul3A_745 : vector<16xf32>
        %add3A_747 = arith.constant 11 : i32
        %add3A_748 = vector.broadcast %add3A_747 : i32 to vector<16xi32>
        %add3A_749 = arith.addi %mul3A_571, %add3A_748 : vector<16xi32>
        %gather3A_750 = tpu.vector_load_idx %arg17[%add3A_749, %add3A_677] : memref<640x64xf32, #tpu.memory_space<vmem>>[vector<16xi32>, vector<16xi32>], vector<16xf32>,
        %mul3A_751 = arith.mulf %gather3A, %gather3A_750 : vector<16xf32>
        %add3A_752 = arith.addf %scan3A_665, %mul3A_751 : vector<16xf32>
        %add3A_753 = arith.constant 12 : i32
        %add3A_754 = vector.broadcast %add3A_753 : i32 to vector<16xi32>
        %add3A_755 = arith.addi %mul3A_571, %add3A_754 : vector<16xi32>
        %gather3A_756 = tpu.vector_load_idx %arg17[%add3A_755, %add3A_677] : memref<640x64xf32, #tpu.memory_space<vmem>>[vector<16xi32>, vector<16xi32>], vector<16xf32>,
        %mul3A_757 = arith.mulf %gather3A, %gather3A_756 : vector<16xf32>
        %add3A_758 = arith.addf %scan3A_666, %mul3A_757 : vector<16xf32>
        %add3A_759 = arith.constant 13 : i32
        %add3A_760 = vector.broadcast %add3A_759 : i32 to vector<16xi32>
        %add3A_761 = arith.addi %mul3A_571, %add3A_760 : vector<16xi32>
        %gather3A_762 = tpu.vector_load_idx %arg17[%add3A_761, %add3A_677] : memref<640x64xf32, #tpu.memory_space<vmem>>[vector<16xi32>, vector<16xi32>], vector<16xf32>,
        %mul3A_763 = arith.mulf %gather3A, %gather3A_762 : vector<16xf32>
        %add3A_764 = arith.addf %scan3A_667, %mul3A_763 : vector<16xf32>
        %add3A_765 = arith.constant 14 : i32
        %add3A_766 = vector.broadcast %add3A_765 : i32 to vector<16xi32>
        %add3A_767 = arith.addi %mul3A_571, %add3A_766 : vector<16xi32>
        %gather3A_768 = tpu.vector_load_idx %arg17[%add3A_767, %add3A_677] : memref<640x64xf32, #tpu.memory_space<vmem>>[vector<16xi32>, vector<16xi32>], vector<16xf32>,
        %mul3A_769 = arith.mulf %gather3A, %gather3A_768 : vector<16xf32>
        %add3A_770 = arith.addf %scan3A_668, %mul3A_769 : vector<16xf32>
        %add3A_771 = arith.constant 15 : i32
        %add3A_772 = vector.broadcast %add3A_771 : i32 to vector<16xi32>
        %add3A_773 = arith.addi %mul3A_571, %add3A_772 : vector<16xi32>
        %gather3A_774 = tpu.vector_load_idx %arg17[%add3A_773, %add3A_677] : memref<640x64xf32, #tpu.memory_space<vmem>>[vector<16xi32>, vector<16xi32>], vector<16xf32>,
        %mul3A_775 = arith.mulf %gather3A, %gather3A_774 : vector<16xf32>
        %add3A_776 = arith.addf %scan3A_669, %mul3A_775 : vector<16xf32>
        %add3A_777 = arith.constant 16 : i32
        %add3A_778 = vector.broadcast %add3A_777 : i32 to vector<16xi32>
        %add3A_779 = arith.addi %mul3A_571, %add3A_778 : vector<16xi32>
        %gather3A_780 = tpu.vector_load_idx %arg17[%add3A_779, %add3A_677] : memref<640x64xf32, #tpu.memory_space<vmem>>[vector<16xi32>, vector<16xi32>], vector<16xf32>,
        %mul3A_781 = arith.mulf %gather3A, %gather3A_780 : vector<16xf32>
        %add3A_782 = arith.addf %scan3A_670, %mul3A_781 : vector<16xf32>
        %add3A_783 = arith.constant 17 : i32
        %add3A_784 = vector.broadcast %add3A_783 : i32 to vector<16xi32>
        %add3A_785 = arith.addi %mul3A_571, %add3A_784 : vector<16xi32>
        %gather3A_786 = tpu.vector_load_idx %arg17[%add3A_785, %add3A_677] : memref<640x64xf32, #tpu.memory_space<vmem>>[vector<16xi32>, vector<16xi32>], vector<16xf32>,
        %mul3A_787 = arith.mulf %gather3A, %gather3A_786 : vector<16xf32>
        %add3A_788 = arith.addf %scan3A_671, %mul3A_787 : vector<16xf32>
        %add3A_789 = arith.constant 18 : i32
        %add3A_790 = vector.broadcast %add3A_789 : i32 to vector<16xi32>
        %add3A_791 = arith.addi %mul3A_571, %add3A_790 : vector<16xi32>
        %gather3A_792 = tpu.vector_load_idx %arg17[%add3A_791, %add3A_677] : memref<640x64xf32, #tpu.memory_space<vmem>>[vector<16xi32>, vector<16xi32>], vector<16xf32>,
        %mul3A_793 = arith.mulf %gather3A, %gather3A_792 : vector<16xf32>
        %add3A_794 = arith.addf %scan3A_672, %mul3A_793 : vector<16xf32>
        %add3A_795 = arith.constant 19 : i32
        %add3A_796 = vector.broadcast %add3A_795 : i32 to vector<16xi32>
        %add3A_797 = arith.addi %mul3A_571, %add3A_796 : vector<16xi32>
        %gather3A_798 = tpu.vector_load_idx %arg17[%add3A_797, %add3A_677] : memref<640x64xf32, #tpu.memory_space<vmem>>[vector<16xi32>, vector<16xi32>], vector<16xf32>,
        %mul3A_799 = arith.mulf %gather3A, %gather3A_798 : vector<16xf32>
        %add3A_800 = arith.addf %scan3A_673, %mul3A_799 : vector<16xf32>
        scf.yield %add3A_680, %add3A_686, %add3A_692, %add3A_698, %add3A_704, %add3A_710, %add3A_716, %add3A_722, %add3A_728, %add3A_734, %add3A_740, %add3A_746, %add3A_752, %add3A_758, %add3A_764, %add3A_770, %add3A_776, %add3A_782, %add3A_788, %add3A_794, %add3A_800 : vector<16xf32>, vector<16xf32>, vector<16xf32>, vector<16xf32>, vector<16xf32>, vector<16xf32>, vector<16xf32>, vector<16xf32>, vector<16xf32>, vector<16xf32>, vector<16xf32>, vector<16xf32>, vector<16xf32>, vector<16xf32>, vector<16xf32>, vector<16xf32>, vector<16xf32>, vector<16xf32>, vector<16xf32>, vector<16xf32>, vector<16xf32>
      }
      %scan3A_579 = arith.constant 64 : i32
      %mul3A_580 = arith.constant 32 : i32
      %mul3A_581 = arith.muli %add3A_402, %mul3A_580 : i32
      %add3A_582 = arith.constant 16 : i32
      %add3A_583 = arith.addi %mul3A_581, %add3A_582 : i32
      %swap3A_584 = arith.index_cast %add3A_583 : i32 to index
      %swap3A_585 = tpu.vector_load %arg18[%swap3A_584] {strides = array<i32>} : memref<512xf32, #tpu.memory_space<vmem>>, vector<16xf32>,
      tpu.vector_store %arg18[%swap3A_584], %scan3A_578#0 {strides = array<i32>} : memref<512xf32, #tpu.memory_space<vmem>>, vector<16xf32>,
      %add3A_586 = vector.broadcast %add3A_583 : i32 to vector<16xi32>
      %add3A_587 = arith.addi %add3A_586, %iota3A_480 : vector<16xi32>
      %mul3A_588 = arith.constant 20 : i32
      %mul3A_589 = vector.broadcast %mul3A_588 : i32 to vector<16xi32>
      %mul3A_590 = arith.muli %add3A_587, %mul3A_589 : vector<16xi32>
      %add3A_591 = arith.constant 0 : i32
      %add3A_592 = vector.broadcast %add3A_591 : i32 to vector<16xi32>
      %add3A_593 = arith.addi %mul3A_590, %add3A_592 : vector<16xi32>
      tpu.vector_store_idx %arg19[%add3A_593], %scan3A_578#1 : memref<10240xf32, #tpu.memory_space<vmem>>[vector<16xi32>], vector<16xf32>,
      %add3A_594 = arith.constant 1 : i32
      %add3A_595 = vector.broadcast %add3A_594 : i32 to vector<16xi32>
      %add3A_596 = arith.addi %mul3A_590, %add3A_595 : vector<16xi32>
      tpu.vector_store_idx %arg19[%add3A_596], %scan3A_578#2 : memref<10240xf32, #tpu.memory_space<vmem>>[vector<16xi32>], vector<16xf32>,
      %add3A_597 = arith.constant 2 : i32
      %add3A_598 = vector.broadcast %add3A_597 : i32 to vector<16xi32>
      %add3A_599 = arith.addi %mul3A_590, %add3A_598 : vector<16xi32>
      tpu.vector_store_idx %arg19[%add3A_599], %scan3A_578#3 : memref<10240xf32, #tpu.memory_space<vmem>>[vector<16xi32>], vector<16xf32>,
      %add3A_600 = arith.constant 3 : i32
      %add3A_601 = vector.broadcast %add3A_600 : i32 to vector<16xi32>
      %add3A_602 = arith.addi %mul3A_590, %add3A_601 : vector<16xi32>
      tpu.vector_store_idx %arg19[%add3A_602], %scan3A_578#4 : memref<10240xf32, #tpu.memory_space<vmem>>[vector<16xi32>], vector<16xf32>,
      %add3A_603 = arith.constant 4 : i32
      %add3A_604 = vector.broadcast %add3A_603 : i32 to vector<16xi32>
      %add3A_605 = arith.addi %mul3A_590, %add3A_604 : vector<16xi32>
      tpu.vector_store_idx %arg19[%add3A_605], %scan3A_578#5 : memref<10240xf32, #tpu.memory_space<vmem>>[vector<16xi32>], vector<16xf32>,
      %add3A_606 = arith.constant 5 : i32
      %add3A_607 = vector.broadcast %add3A_606 : i32 to vector<16xi32>
      %add3A_608 = arith.addi %mul3A_590, %add3A_607 : vector<16xi32>
      tpu.vector_store_idx %arg19[%add3A_608], %scan3A_578#6 : memref<10240xf32, #tpu.memory_space<vmem>>[vector<16xi32>], vector<16xf32>,
      %add3A_609 = arith.constant 6 : i32
      %add3A_610 = vector.broadcast %add3A_609 : i32 to vector<16xi32>
      %add3A_611 = arith.addi %mul3A_590, %add3A_610 : vector<16xi32>
      tpu.vector_store_idx %arg19[%add3A_611], %scan3A_578#7 : memref<10240xf32, #tpu.memory_space<vmem>>[vector<16xi32>], vector<16xf32>,
      %add3A_612 = arith.constant 7 : i32
      %add3A_613 = vector.broadcast %add3A_612 : i32 to vector<16xi32>
      %add3A_614 = arith.addi %mul3A_590, %add3A_613 : vector<16xi32>
      tpu.vector_store_idx %arg19[%add3A_614], %scan3A_578#8 : memref<10240xf32, #tpu.memory_space<vmem>>[vector<16xi32>], vector<16xf32>,
      %add3A_615 = arith.constant 8 : i32
      %add3A_616 = vector.broadcast %add3A_615 : i32 to vector<16xi32>
      %add3A_617 = arith.addi %mul3A_590, %add3A_616 : vector<16xi32>
      tpu.vector_store_idx %arg19[%add3A_617], %scan3A_578#9 : memref<10240xf32, #tpu.memory_space<vmem>>[vector<16xi32>], vector<16xf32>,
      %add3A_618 = arith.constant 9 : i32
      %add3A_619 = vector.broadcast %add3A_618 : i32 to vector<16xi32>
      %add3A_620 = arith.addi %mul3A_590, %add3A_619 : vector<16xi32>
      tpu.vector_store_idx %arg19[%add3A_620], %scan3A_578#10 : memref<10240xf32, #tpu.memory_space<vmem>>[vector<16xi32>], vector<16xf32>,
      %add3A_621 = arith.constant 10 : i32
      %add3A_622 = vector.broadcast %add3A_621 : i32 to vector<16xi32>
      %add3A_623 = arith.addi %mul3A_590, %add3A_622 : vector<16xi32>
      tpu.vector_store_idx %arg19[%add3A_623], %scan3A_578#11 : memref<10240xf32, #tpu.memory_space<vmem>>[vector<16xi32>], vector<16xf32>,
      %add3A_624 = arith.constant 11 : i32
      %add3A_625 = vector.broadcast %add3A_624 : i32 to vector<16xi32>
      %add3A_626 = arith.addi %mul3A_590, %add3A_625 : vector<16xi32>
      tpu.vector_store_idx %arg19[%add3A_626], %scan3A_578#12 : memref<10240xf32, #tpu.memory_space<vmem>>[vector<16xi32>], vector<16xf32>,
      %add3A_627 = arith.constant 12 : i32
      %add3A_628 = vector.broadcast %add3A_627 : i32 to vector<16xi32>
      %add3A_629 = arith.addi %mul3A_590, %add3A_628 : vector<16xi32>
      tpu.vector_store_idx %arg19[%add3A_629], %scan3A_578#13 : memref<10240xf32, #tpu.memory_space<vmem>>[vector<16xi32>], vector<16xf32>,
      %add3A_630 = arith.constant 13 : i32
      %add3A_631 = vector.broadcast %add3A_630 : i32 to vector<16xi32>
      %add3A_632 = arith.addi %mul3A_590, %add3A_631 : vector<16xi32>
      tpu.vector_store_idx %arg19[%add3A_632], %scan3A_578#14 : memref<10240xf32, #tpu.memory_space<vmem>>[vector<16xi32>], vector<16xf32>,
      %add3A_633 = arith.constant 14 : i32
      %add3A_634 = vector.broadcast %add3A_633 : i32 to vector<16xi32>
      %add3A_635 = arith.addi %mul3A_590, %add3A_634 : vector<16xi32>
      tpu.vector_store_idx %arg19[%add3A_635], %scan3A_578#15 : memref<10240xf32, #tpu.memory_space<vmem>>[vector<16xi32>], vector<16xf32>,
      %add3A_636 = arith.constant 15 : i32
      %add3A_637 = vector.broadcast %add3A_636 : i32 to vector<16xi32>
      %add3A_638 = arith.addi %mul3A_590, %add3A_637 : vector<16xi32>
      tpu.vector_store_idx %arg19[%add3A_638], %scan3A_578#16 : memref<10240xf32, #tpu.memory_space<vmem>>[vector<16xi32>], vector<16xf32>,
      %add3A_639 = arith.constant 16 : i32
      %add3A_640 = vector.broadcast %add3A_639 : i32 to vector<16xi32>
      %add3A_641 = arith.addi %mul3A_590, %add3A_640 : vector<16xi32>
      tpu.vector_store_idx %arg19[%add3A_641], %scan3A_578#17 : memref<10240xf32, #tpu.memory_space<vmem>>[vector<16xi32>], vector<16xf32>,
      %add3A_642 = arith.constant 17 : i32
      %add3A_643 = vector.broadcast %add3A_642 : i32 to vector<16xi32>
      %add3A_644 = arith.addi %mul3A_590, %add3A_643 : vector<16xi32>
      tpu.vector_store_idx %arg19[%add3A_644], %scan3A_578#18 : memref<10240xf32, #tpu.memory_space<vmem>>[vector<16xi32>], vector<16xf32>,
      %add3A_645 = arith.constant 18 : i32
      %add3A_646 = vector.broadcast %add3A_645 : i32 to vector<16xi32>
      %add3A_647 = arith.addi %mul3A_590, %add3A_646 : vector<16xi32>
      tpu.vector_store_idx %arg19[%add3A_647], %scan3A_578#19 : memref<10240xf32, #tpu.memory_space<vmem>>[vector<16xi32>], vector<16xf32>,
      %add3A_648 = arith.constant 19 : i32
      %add3A_649 = vector.broadcast %add3A_648 : i32 to vector<16xi32>
      %add3A_650 = arith.addi %mul3A_590, %add3A_649 : vector<16xi32>
      tpu.vector_store_idx %arg19[%add3A_650], %scan3A_578#20 : memref<10240xf32, #tpu.memory_space<vmem>>[vector<16xi32>], vector<16xf32>,
      %scan3A_651 = arith.constant 0 : i32
      scf.yield %scan3A_651 : i32
    }
    %scan3A_69 = arith.constant 8 : i32
    "tpu.region"() ({
      %run_scoped3A = tpu.sem_alloc : memref<!tpu.dma_semaphore, #tpu.memory_space<semaphore_mem>>
      %dma_start3A_72 = tpu.memref_slice %arg7[%mul3A_2] : memref<16384xf32, #tpu.memory_space<hbm>> -> memref<512xf32, #tpu.memory_space<hbm>>
      %dma_start3A_73 = tpu.memref_slice %arg7[%mul3A_2] : memref<16384xf32, #tpu.memory_space<hbm>> -> memref<512xf32, #tpu.memory_space<hbm>>
      tpu.enqueue_dma source(%arg18 : memref<512xf32, #tpu.memory_space<vmem>>) target(%dma_start3A_73 : memref<512xf32, #tpu.memory_space<hbm>>) target_semaphore(%run_scoped3A : memref<!tpu.dma_semaphore, #tpu.memory_space<semaphore_mem>>)
      %dma_wait3A = tpu.memref_slice %arg7[%mul3A_2] : memref<16384xf32, #tpu.memory_space<hbm>> -> memref<512xf32, #tpu.memory_space<hbm>>
      %dma_wait3A_74 = tpu.memref_slice %arg7[%mul3A_2] : memref<16384xf32, #tpu.memory_space<hbm>> -> memref<512xf32, #tpu.memory_space<hbm>>
      tpu.wait_dma2 semaphore(%run_scoped3A : memref<!tpu.dma_semaphore, #tpu.memory_space<semaphore_mem>>) src(%arg18 : memref<512xf32, #tpu.memory_space<vmem>>) dst(%dma_wait3A_74 : memref<512xf32, #tpu.memory_space<hbm>>)
      tpu.yield
    }) : () -> ()
    %mul3A_70 = arith.constant 20 : i32
    %mul3A_71 = arith.muli %mul3A_2, %mul3A_70 : i32
    "tpu.region"() ({
      %run_scoped3A = tpu.sem_alloc : memref<!tpu.dma_semaphore, #tpu.memory_space<semaphore_mem>>
      %dma_start3A_72 = tpu.memref_slice %arg8[%mul3A_71] : memref<327680xf32, #tpu.memory_space<hbm>> -> memref<10240xf32, #tpu.memory_space<hbm>>
      %dma_start3A_73 = tpu.memref_slice %arg8[%mul3A_71] : memref<327680xf32, #tpu.memory_space<hbm>> -> memref<10240xf32, #tpu.memory_space<hbm>>
      tpu.enqueue_dma source(%arg19 : memref<10240xf32, #tpu.memory_space<vmem>>) target(%dma_start3A_73 : memref<10240xf32, #tpu.memory_space<hbm>>) target_semaphore(%run_scoped3A : memref<!tpu.dma_semaphore, #tpu.memory_space<semaphore_mem>>)
      %dma_wait3A = tpu.memref_slice %arg8[%mul3A_71] : memref<327680xf32, #tpu.memory_space<hbm>> -> memref<10240xf32, #tpu.memory_space<hbm>>
      %dma_wait3A_74 = tpu.memref_slice %arg8[%mul3A_71] : memref<327680xf32, #tpu.memory_space<hbm>> -> memref<10240xf32, #tpu.memory_space<hbm>>
      tpu.wait_dma2 semaphore(%run_scoped3A : memref<!tpu.dma_semaphore, #tpu.memory_space<semaphore_mem>>) src(%arg19 : memref<10240xf32, #tpu.memory_space<vmem>>) dst(%dma_wait3A_74 : memref<10240xf32, #tpu.memory_space<hbm>>)
      tpu.yield
    }) : () -> ()
    return
  }
}

</mosaic_0001>

<sc_bundles>
// kernel: _run.3.cloned.1.call-start
scs
__scs_entry_jumppad:
0x0: {  	(pc) =	sbr.rel $0x88, $3  }
0x1: {  	(tag) =	ssettag $0x0;
	lr =	simm.s32 $0x1  }
0x2: {  	[smem:$0x3F9C] =	sst lr;
	_ =	strace $0xD0000000  }
0x3: {  	_ = 	snop  }
0x4: {  	_ = 	snop  }
0x5: {  	_ = 	snop  }
0x6: {  	_ = 	snop  }
0x7: {  	_ = 	snop  }
__scs_overlays_trampoline_lowered:
0x8: {  	[smem:$0x3FAB] =	sst s0  }
0x9: {  	[smem:$0x3FAC] =	sst s1  }
0xa: {  	[smem:$0x3FAD] =	sst s2  }
0xb: {  	[smem:$0x3FAE] =	sst s3  }
0xc: {  	[smem:$0x3FAF] =	sst s4  }
0xd: {  	[smem:$0x3FB0] =	sst s5  }
0xe: {  	[smem:$0x3FB1] =	sst s6  }
0xf: {  	[smem:$0x3FB2] =	sst s7  }
0x10: {  	[smem:$0x3FB3] =	sst s8  }
0x11: {  	[smem:$0x3FB4] =	sst s9;
	s0 =	simm.s32 @!p0 $0x0  }
0x12: {  	s1 =	sld [smem:$0x3F9A];
	s0 =	simm.s32 @p0 $0x1  }
0x13: {  	[smem:$0x3FB5] =	sst s0;
	s0 =	simm.s32 @!p1 $0x0  }
0x14: {  	s2 =	sld [smem:$0x3F99];
	s0 =	simm.s32 @p1 $0x1  }
0x15: {  	[smem:$0x3FB6] =	sst s0;
	s0 =	simm.s32 @!p2 $0x0  }
0x16: {  	s3 =	sld [smem:$0x3FDB];
	s0 =	simm.s32 @p2 $0x1  }
0x17: {  	s4 =	simm.s32 $0x1BF5;
	[smem:$0x3FB8] =	sst s0  }
0x18: {  	s0 =	sld [smem:$0x3F9B];
	_ =	swait.ge [sflag:s4], $0x0  }
0x19: {  	s7 =	sld [smem:$0x3F9C]  }
0x1a: {  	s8 =	sadd.s32 $0xFFFFE003, lr  }
0x1b: {  	s9 =	sadd.s32 $0xFFFFFEF7, lr;
	s5 =	simm.s32 $0xFFFFFFFF;
	p2 =	slt.u32 s8, $0xFFFFF086  }
0x1c: {  	p1 =	slt.u32 s9, $0xF7A;
	s5 =	simm.s32 @!p2 $0x0  }
0x1d: {  	s5 =	simm.s32 @p1 $0x1;
	p0 =	seq.s32 s7, s2  }
0x1e: {  	s7 =	smul.u32 @!p0 $0xF7A, s2;
	p2 =	seq.s32 @!p0 s5, $0x0  }
0x1f: {  	s9 =	smul.u32 $0xF7A, s1;
	s8 =	simm.s32 @!p0 $0x1BF5;
	p2 =	por !p2, p0  }
0x20: {  	[sflag:s8] =	ssyncset.s32 @!p0 $0xFFFFF086;
	s6 =	sadd.s32 @!p0 s3, s7;
	s7 =	simm.s32 @!p0 $0x108  }
0x21: {  	s3 =	sadd.s32 s3, s9;
	s6 =	sadd.s32 @!p0 $0x88, s6;
	s7 =	simm.s32 @p2 $0x1082  }
0x22: {  	[simem:s7], [sflag:s8] =	dma.local @!p0 [hbm:s6], $0xF7A  }
0x23: {  	s9 =	sor.u32 $0xD0000000, s2;
	s6 =	simm.s32 $0x108;
	_ =	swait.ge @!p0 [sflag:s8], $0x0  }
0x24: {  	s3 =	sadd.s32 $0x88, s3;
	s6 =	simm.s32 @!p1 $0x1082;
	[sflag:s4] =	ssyncset.s32 $0xFFFFF086  }
0x25: {  	[simem:s6], [sflag:s4] =	dma.local [hbm:s3], $0xF7A  }
0x26: {  	[smem:$0x3F9C] =	sst s1;
	(tag) =	ssettag s2;
	_ =	strace s9  }
0x27: {  	s1 =	sld [smem:$0x3FAC]  }
0x28: {  	s2 =	sld [smem:$0x3FAD]  }
0x29: {  	s4 =	sld [smem:$0x3FAF]  }
0x2a: {  	p0 =	seq.s32 s5, $0x0;
	s5 =	sld [smem:$0x3FB0]  }
0x2b: {  	s6 =	sld [smem:$0x3FB1]  }
0x2c: {  	s7 =	sld [smem:$0x3FB2]  }
0x2d: {  	s3 =	simm.s32 $0x108;
	s8 =	sld [smem:$0x3FB3]  }
0x2e: {  	s3 =	simm.s32 @!p0 $0x1082;
	s9 =	sld [smem:$0x3FB4]  }
0x2f: {  	lr =	sadd.s32 s0, s3;
	s0 =	sld [smem:$0x3FAB]  }
0x30: {  	s3 =	sld [smem:$0x3FAE]  }
0x31: {  	[smem:$0x3FB7] =	sst s10  }
0x32: {  	s10 =	sld [smem:$0x3FB5];
	_ =	sdelay $0x3  }
0x33: {  	p0 =	seq.s32 s10, $0x1;
	s10 =	sld [smem:$0x3FB7];
	_ =	sdelay $0x3  }
0x34: {  	[smem:$0x3FB7] =	sst s10  }
0x35: {  	s10 =	sld [smem:$0x3FB6];
	_ =	sdelay $0x3  }
0x36: {  	p1 =	seq.s32 s10, $0x1;
	s10 =	sld [smem:$0x3FB7];
	_ =	sdelay $0x3  }
0x37: {  	[smem:$0x3FB7] =	sst s10  }
0x38: {  	s10 =	sld [smem:$0x3FB8]  }
0x39: {  	_ = 	snop;
	(pc) =	sbr.ind lr, $3  }
0x3a: {  	_ = 	snop  }
0x3b: {  	_ = 	snop  }
0x3c: {  	p2 =	seq.s32 s10, $0x1;
	s10 =	sld [smem:$0x3FB7]  }
0x3d: {  	_ =	shalt  }
0x3e: {  	_ =	shalt  }
0x3f: {  	_ =	shalt  }
0x40: {  	_ =	shalt  }
0x41: {  	_ =	shalt  }
0x42: {  	_ =	shalt  }
0x43: {  	_ =	shalt  }
0x44: {  	_ =	shalt  }
0x45: {  	_ =	shalt  }
0x46: {  	_ =	shalt  }
0x47: {  	_ =	shalt  }
0x48: {  	_ =	shalt  }
0x49: {  	_ =	shalt  }
0x4a: {  	_ =	shalt  }
0x4b: {  	_ =	shalt  }
0x4c: {  	_ =	shalt  }
0x4d: {  	_ =	shalt  }
0x4e: {  	_ =	shalt  }
0x4f: {  	_ =	shalt  }
0x50: {  	_ =	shalt  }
0x51: {  	_ =	shalt  }
0x52: {  	_ =	shalt  }
0x53: {  	_ =	shalt  }
0x54: {  	_ =	shalt  }
0x55: {  	_ =	shalt  }
0x56: {  	_ =	shalt  }
0x57: {  	_ =	shalt  }
0x58: {  	_ =	shalt  }
0x59: {  	_ =	shalt  }
0x5a: {  	_ =	shalt  }
0x5b: {  	_ =	shalt  }
0x5c: {  	_ =	shalt  }
0x5d: {  	_ =	shalt  }
0x5e: {  	_ =	shalt  }
0x5f: {  	_ =	shalt  }
0x60: {  	_ =	shalt  }
0x61: {  	_ =	shalt  }
0x62: {  	_ =	shalt  }
0x63: {  	_ =	shalt  }
0x64: {  	_ =	shalt  }
0x65: {  	_ =	shalt  }
0x66: {  	_ =	shalt  }
0x67: {  	_ =	shalt  }
0x68: {  	_ =	shalt  }
0x69: {  	_ =	shalt  }
0x6a: {  	_ =	shalt  }
0x6b: {  	_ =	shalt  }
0x6c: {  	_ =	shalt  }
0x6d: {  	_ =	shalt  }
0x6e: {  	_ =	shalt  }
0x6f: {  	_ =	shalt  }
0x70: {  	_ =	shalt  }
0x71: {  	_ =	shalt  }
0x72: {  	_ =	shalt  }
0x73: {  	_ =	shalt  }
0x74: {  	_ =	shalt  }
0x75: {  	_ =	shalt  }
0x76: {  	_ =	shalt  }
0x77: {  	_ =	shalt  }
0x78: {  	_ =	shalt  }
0x79: {  	_ =	shalt  }
0x7a: {  	_ =	shalt  }
0x7b: {  	_ =	shalt  }
0x7c: {  	_ =	shalt  }
0x7d: {  	_ =	shalt  }
0x7e: {  	_ =	shalt  }
0x7f: {  	_ =	shalt  }
0x80: {  	_ =	shalt  }
0x81: {  	_ =	shalt  }
0x82: {  	_ =	shalt  }
0x83: {  	_ =	shalt  }
0x84: {  	_ =	shalt  }
0x85: {  	_ =	shalt  }
0x86: {  	_ =	shalt  }
0x87: {  	_ =	shalt  }
.Lfunc_end0:
.L_simem_size_0:
called_computation_lowered:
.L_overlay_start_0:
0x88: {  	s2 =	sld [smem:$0x3FD9]  }
0x89: {  	s3 =	sld [smem:$0x3FFE];
	_ =	sdelay $0x1  }
0x8a: {  	s1 =	srdreg.scid  }
0x8b: {  	s0 =	sand.u32 $0x1, s1  }
0x8c: {  	s14 =	sshll.u32 s0, $0xA;
	s2 =	sadd.s32 s3, s2  }
0x8d: {  	s2 =	sadd.s32 s2, s14  }
0x8e: {  	[smem:$0x3FC3] =	sst s2  }
0x8f: {  	_ = 	snop  }
0x90: {  	s2 =	sld [smem:$0x3FD0];
	_ =	sdelay $0x1  }
0x91: {  	s15 =	sld [smem:$0x3FC9]  }
0x92: {  	s5 =	simm.s32 $0xA;
	s6 =	simm.s32 $0x10;
	s4 =	sld [smem:$0x3FC8]  }
0x93: {  	[smem:s6], [sflag:s5] =	dma.local [hbm:s2], $0x1  }
0x94: {  	_ =	swait.eq [sflag:s5], $0x1  }
0x95: {  	[sflag:s5] =	ssyncset.done $0x0  }
0x96: {  	s16 =	sld [smem:$0x10];
	[sflag:s5] =	ssyncadd.s32 $0xFFFFFFFF  }
0x97: {  	s17 =	sld [smem:$0x11];
	(tm) =	ssettm $0x1  }
0x98: {  	s18 =	sld [smem:$0x3FFB];
	_ =	sdelay $0x3  }
0x99: {  	_ =	strace s18  }
0x9a: {  	s6 =	sld [smem:$0x3FFC];
	_ =	sdelay $0x3  }
0x9b: {  	_ =	strace s6  }
0x9c: {  	s6 =	sld [smem:$0x3FFD];
	_ =	sdelay $0x3  }
0x9d: {  	_ =	strace s6  }
0x9e: {  	_ =	strace $0x8FFFFFFF  }
0x9f: {  	s19 =	sld [smem:$0x3FDB];
	_ =	sdelay $0x1  }
0xa0: {  	s7 =	simm.s32 $_scs_section_size  }
0xa1: {  	s8 =	simm.s32 $_size__tile_overlayer_lowered;
	s9 =	simm.s32 $_tile_overlayer_lowered  }
0xa2: {  	s22 =	simm.s32 $0x1BFF;
	s21 =	sshll.u32 s9, $0x1;
	s6 =	sadd.s32 s7, s19  }
0xa3: {  	s10 =	simm.s32 $0x0;
	s20 =	sshll.u32 s8, $0x1;
	s8 =	sadd.s32 s21, s6  }
0xa4: {  	[timem:s10], [sflag:s22] =	dma.local [hbm:s8], s20  }
0xa5: {  	_ =	swait.ge [sflag:s22], s20  }
0xa6: {  	s7 =	ssub.s32 $0x0, s20;
	[sflag:s22] =	ssyncset.done $0x0  }
0xa7: {  	[sflag:s22] =	ssyncadd.s32 s7;
	_ =	sdelay $0x1  }
0xa8: {  	s23 =	simm.s32 $0x1B8B  }
0xa9: {  	_ =	swait.ge [sflag:s23], $0x1  }
0xaa: {  	[sflag:s23] =	ssyncset.done $0x0  }
0xab: {  	s25 =	simm.s32 $0x1B8E;
	s24 =	sld [smem:$0x3FFE];
	[sflag:s23] =	ssyncadd.s32 $0xFFFFFFFF  }
0xac: {  	s26 =	simm.s32 $execute0_lowered;
	[smem:$0x3FD2] =	sst s25  }
0xad: {  	s8 =	sshll.u32 s26, $0x1;
	_ =	strace $0x80000046;
	[dreg:$0x1] =	wrdreg $0xFFFFFFFF  }
0xae: {  	s28 =	simm.s32 $_size_execute0_lowered;
	s6 =	sadd.s32 s6, s8;
	[dreg:$0x0] =	wrdreg $0x0  }
0xaf: {  	s8 =	sshll.u32 s28, $0x1;
	[dreg:$0x2] =	wrdreg s6  }
0xb0: {  	[dreg:$0x3] =	wrdreg s8  }
0xb1: {  	[dreg:$0x4] =	wrdreg $0xC0  }
0xb2: {  	_ =	task [dreg:s10], $0x5FFFF  }
0xb3: {  	[dreg:$0x1] =	wrdreg $0xFFFFFFFF  }
0xb4: {  	[dreg:$0x0] =	wrdreg $0x60  }
0xb5: {  	[dreg:$0x2] =	wrdreg s15  }
0xb6: {  	[dreg:$0x3] =	wrdreg s4  }
0xb7: {  	[dreg:$0x4] =	wrdreg s17  }
0xb8: {  	[dreg:$0x5] =	wrdreg s24  }
0xb9: {  	[dreg:$0x6] =	wrdreg s16  }
0xba: {  	[dreg:$0x7] =	wrdreg $0x9  }
0xbb: {  	_ =	task.clear_ibuf [dreg:s10], $0x8FFFF;
	_ =	strace $0x90000046  }
0xbc: {  	s29 =	simm.s32 $0x9;
	_ =	strace $0x80000048  }
0xbd: {  	_ =	swait.ge [sflag:s29], $0x1  }
0xbe: {  	[sflag:s29] =	ssyncadd.s32 $0xFFFFFFFF  }
0xbf: {  	_ =	strace $0x90000048  }
0xc0: {  	_ =	sfence  }
0xc1: {  	s30 =	sld [smem:$0x0];
	_ =	sdelay $0x2  }
0xc2: {  	s31 =	sshll.u32 s1, $0xD;
	s1 =	sshrl.u32 s1, $0x2  }
0xc3: {  	s3 =	sand.u32 $0x4000, s31;
	s1 =	sadd.s32 s1, s30  }
0xc4: {  	s0 =	sor.u32 s3, s0;
	s1 =	sshll.u32 s1, $0x11  }
0xc5: {  	s0 =	sor.u32 s1, s0  }
0xc6: {  	s0 =	sadd.s32 $0x8F2B, s0  }
0xc7: {  	[sflag:s0] =	ssyncadd.remote.s32 $0x1  }
0xc8: {  	_ =	sfence.sel $0xFFFF  }
0xc9: {  	[dreg:$0x0] =	wrdreg $0xFFFFFFFF;
	(pc) =	sbr.abs _section_cstart, $3  }
0xca: {  	[dreg:$0x1] =	wrdreg $0xFFFFFFFF  }
0xcb: {  	_ =	task.clear_ibuf [dreg:s10], $0x2FFFF;
	_ =	strace $0x9FFFFFFF  }
0xcc: {  	(tm) =	ssettm $0x7FFFFFFF  }
0xcd: {  	_ =	shalt  }
tec
execute0_lowered:
.L_overlay_start_1:
0x0: {  	(tag) =	ssettag $0x1  }
0x1: {  	s0 =	rddreg [dreg:$0x0]  }
0x2: {  	s1 =	rddreg [dreg:$0x1]  }
0x3: {  	v0 =	vlaneseq.u32;
	s7 =	rddreg [dreg:$0x2]  }
0x4: {  	s5 =	rddreg [dreg:$0x3];
	s2 =	simm.s32 $0x0;
	v1 =	vmul.u32 $0x14, v0  }
0x5: {  	v35 =	vmul.u32 $0x500, v0;
	[smem:$0x7FF] =	sst s2  }
0x6: {  	s8 =	rddreg [dreg:$0x4];
	v29 =	vmul.u32 $0x40, v0;
	_ =	strace $0x80000047;
	[tilespmem:$0x1FE20] =	vst v1  }
0x7: {  	[tilespmem:$0x1FEB0] =	vst v35  }
0x8: {  	v3 =	vor.u32 $0x1, v1;
	[tilespmem:$0x1FEC0] =	vst v29  }
0x9: {  	v0 =	vand.u32 $0x1, v0;
	v6 =	vor.u32 $0x2, v1;
	[tilespmem:$0x1FC80] =	vst v3  }
0xa: {  	v2 =	vmul.u32 $0x4, v0;
	v8 =	vor.u32 $0x3, v1;
	[tilespmem:$0x1FCA0] =	vst v6  }
0xb: {  	[tilespmem:$0x1FCC0] =	vst v8  }
0xc: {  	v9 =	vadd.s32 $0x4, v1;
	[tilespmem:$0x1FCD0] =	vst v2  }
0xd: {  	v11 =	vadd.s32 $0x5, v1;
	[tilespmem:$0x1FCF0] =	vst v9  }
0xe: {  	v13 =	vadd.s32 $0x6, v1;
	[tilespmem:$0x1FD10] =	vst v11  }
0xf: {  	v15 =	vadd.s32 $0x7, v1;
	[tilespmem:$0x1FD30] =	vst v13  }
0x10: {  	v21 =	vadd.s32 $0x8, v1;
	[tilespmem:$0x1FD50] =	vst v15  }
0x11: {  	v22 =	vadd.s32 $0x9, v1;
	[tilespmem:$0x1FD70] =	vst v21  }
0x12: {  	v23 =	vadd.s32 $0xA, v1;
	[tilespmem:$0x1FD80] =	vst v22  }
0x13: {  	v32 =	vadd.s32 $0xB, v1;
	[tilespmem:$0x1FD90] =	vst v23  }
0x14: {  	v33 =	vadd.s32 $0xC, v1;
	[tilespmem:$0x1FDA0] =	vst v32  }
0x15: {  	v34 =	vadd.s32 $0xD, v1;
	[tilespmem:$0x1FDB0] =	vst v33  }
0x16: {  	v38 =	vadd.s32 $0xE, v1;
	[tilespmem:$0x1FDC0] =	vst v34  }
0x17: {  	v41 =	vadd.s32 $0xF, v1;
	[tilespmem:$0x1FDD0] =	vst v38  }
0x18: {  	v42 =	vadd.s32 $0x10, v1;
	[tilespmem:$0x1FDE0] =	vst v41  }
0x19: {  	v44 =	vadd.s32 $0x11, v1;
	[tilespmem:$0x1FDF0] =	vst v42  }
0x1a: {  	v45 =	vadd.s32 $0x12, v1;
	[tilespmem:$0x1FE00] =	vst v44  }
0x1b: {  	v46 =	vadd.s32 $0x13, v1;
	[tilespmem:$0x1FE10] =	vst v45  }
0x1c: {  	v47 =	vor.u32 $0x400, v29;
	[tilespmem:$0x1FE30] =	vst v46  }
0x1d: {  	v48 =	vadd.s32 $0x5000, v35;
	[tilespmem:$0x1FE40] =	vst v47  }
0x1e: {  	v50 =	vadd.s32 $0x5040, v35;
	[tilespmem:$0x1FE50] =	vst v48  }
0x1f: {  	v52 =	vadd.s32 $0x5080, v35;
	[tilespmem:$0x1FE60] =	vst v50  }
0x20: {  	v56 =	vadd.s32 $0x50C0, v35;
	[tilespmem:$0x1FE70] =	vst v52  }
0x21: {  	v57 =	vadd.s32 $0x5100, v35;
	[tilespmem:$0x1FE80] =	vst v56  }
0x22: {  	v36 =	vor.u32 $0x40, v35;
	[tilespmem:$0x1FE90] =	vst v57  }
0x23: {  	v37 =	vor.u32 $0x80, v35;
	[tilespmem:$0x1FED0] =	vst v36  }
0x24: {  	v51 =	vor.u32 $0xC0, v35;
	[tilespmem:$0x1FEE0] =	vst v37  }
0x25: {  	v43 =	vadd.s32 $0x100, v35;
	[tilespmem:$0x1FEF0] =	vst v51  }
0x26: {  	v59 =	vadd.s32 $0x140, v35;
	[tilespmem:$0x1FF00] =	vst v43  }
0x27: {  	v60 =	vadd.s32 $0x180, v35;
	[tilespmem:$0x1FF10] =	vst v59  }
0x28: {  	v61 =	vadd.s32 $0x1C0, v35;
	[tilespmem:$0x1FF20] =	vst v60  }
0x29: {  	v62 =	vadd.s32 $0x200, v35;
	[tilespmem:$0x1FF30] =	vst v61  }
0x2a: {  	v63 =	vadd.s32 $0x240, v35;
	[tilespmem:$0x1FF40] =	vst v62  }
0x2b: {  	v49 =	vadd.s32 $0x280, v35;
	[tilespmem:$0x1FF50] =	vst v63  }
0x2c: {  	v18 =	vadd.s32 $0x2C0, v35;
	[tilespmem:$0x1FF60] =	vst v49  }
0x2d: {  	v19 =	vadd.s32 $0x300, v35;
	[tilespmem:$0x1FF70] =	vst v18  }
0x2e: {  	v53 =	vadd.s32 $0x340, v35;
	[tilespmem:$0x1FF80] =	vst v19  }
0x2f: {  	v54 =	vadd.s32 $0x380, v35;
	[tilespmem:$0x1FF90] =	vst v53  }
0x30: {  	v39 =	vadd.s32 $0x3C0, v35;
	[tilespmem:$0x1FFA0] =	vst v54  }
0x31: {  	s3 =	srdreg.scid;
	v40 =	vadd.s32 $0x400, v35;
	[tilespmem:$0x1FFB0] =	vst v39  }
0x32: {  	s6 =	stileid.u32;
	s14 =	simm.s32 $0x20;
	s15 =	simm.s32 $0x2C00;
	v26 =	vadd.s32 $0x440, v35;
	[tilespmem:$0x1FFC0] =	vst v40  }
0x33: {  	s16 =	simm.s32 $0x3400;
	s17 =	simm.s32 $0x80;
	s18 =	simm.s32 $0x3C00;
	v28 =	vadd.s32 $0x480, v35;
	[tilespmem:$0x1FFD0] =	vst v26  }
0x34: {  	s28 =	simm.s32 $0xDC00;
	s29 =	simm.s32 $0xE400;
	s30 =	simm.s32 $0xEC00;
	v55 =	vadd.s32 $0x4C0, v35;
	[tilespmem:$0x1FFE0] =	vst v28  }
0x35: {  	s31 =	simm.s32 $0x10C00;
	s19 =	simm.s32 $0x16C00;
	s20 =	simm.s32 $0x1;
	v58 =	vor.u32 $0x1, v2;
	[tilespmem:$0x1FFF0] =	vst v55  }
0x36: {  	s21 =	simm.s32 $0x18E00;
	s22 =	simm.s32 $0x2;
	s24 =	simm.s32 $0x0;
	v0 =	vmul.u32 $0xFFFFFFFC, v0;
	v7 =	vor.u32 $0x2, v2;
	[tilespmem:$0x1FC90] =	vst v58  }
0x37: {  	s4 =	sand.u32 $0x1, s3;
	s26 =	sshll.u32 s6, $0x1;
	s3 =	sadd.s32 $0x16E4000, s5;
	v2 =	vor.u32 $0x3, v2;
	[tilespmem:$0x1FCB0] =	vst v7  }
0x38: {  	s6 =	sor.u32 s4, s26;
	s10 =	ssub.s32 $0x2, s4;
	s4 =	sadd.s32 $0xF42E00, s5;
	v10 =	vadd.s32 $0x4, v0;
	[tilespmem:$0x1FCE0] =	vst v2  }
0x39: {  	s9 =	smul.u32 $0x500, s6;
	s11 =	sshrl.u32 s10, $0x1;
	s12 =	sshll.u32 s6, $0x6;
	v12 =	vadd.s32 $0x5, v0;
	[tilespmem:$0x1FD00] =	vst v10  }
0x3a: {  	s10 =	ssub.s32 s10, s11;
	s0 =	sadd.s32 s0, s12;
	s6 =	sadd.s32 s1, s12;
	v14 =	vadd.s32 $0x6, v0;
	[tilespmem:$0x1FD20] =	vst v12  }
0x3b: {  	s8 =	sadd.s32 s8, s12;
	s11 =	simm.s32 $0x3;
	v0 =	vadd.s32 $0x7, v0;
	s1 =	simm.s32 $0x14C00;
	[tilespmem:$0x1FD40] =	vst v14  }
0x3c: {  	s13 =	sadd.s32 s9, s5;
	[dreg:$0x6] =	wrdreg s0;
	s7 =	sadd.s32 s7, s9;
	[tilespmem:$0x1FD60] =	vst v0;
	v58 =	vadd.s32 $0x5140, v35  }
0x3d: {  	s10 =	smax.u32 s10, $0x1;
	s0 =	simm.s32 $0x12C00;
	s9 =	sadd.s32 $0xA00, s13;
	[tilespmem:$0x1FEA0] =	vst v58  }
.LBB2_1:
0x3e: {  	s5 =	rddreg [dreg:$0x6]  }
0x3f: {  	[tilespmem:s2], [sflag:$0x3] =	stream.linear.gather [hbm4b:s5+s2], $0x200, $0x38;
	[tilespmem:$0x1B600] =	vst v63  }
0x40: {  	_ =	swait.ge [sflag:s11], $0x200  }
0x41: {  	[sflag:s11] =	ssyncset.done $0x0  }
0x42: {  	s26 =	simm.s32 $0x200;
	[sflag:s11] =	ssyncadd.s32 $0xFFFFFE00  }
0x43: {  	[tilespmem:s26], [sflag:$0x3] =	stream.linear.gather [hbm4b:s6+s2], $0x200, $0x38;
	[tilespmem:$0x1B600] =	vst v63  }
0x44: {  	_ =	swait.ge [sflag:s11], $0x200  }
0x45: {  	[sflag:s11] =	ssyncset.done $0x0  }
0x46: {  	s12 =	simm.s32 $0x400;
	[sflag:s11] =	ssyncadd.s32 $0xFFFFFE00  }
0x47: {  	[tilespmem:s12], [sflag:$0x3] =	stream.linear.gather [hbm4b:s7+s2], $0x2800, $0x38;
	[tilespmem:$0x1B600] =	vst v63  }
0x48: {  	_ =	swait.ge [sflag:s11], $0x2800  }
0x49: {  	[sflag:s11] =	ssyncset.done $0x0  }
0x4a: {  	[sflag:s11] =	ssyncadd.s32 $0xFFFFD800  }
0x4b: {  	[tilespmem:s15], [sflag:$0x1] =	stream.indirect.gather [hbm4b:s3+s14], $0x40, s2, s14, $0xb8;
	[tilespmem:$0x1B600] =	vst v63  }
0x4c: {  	_ = 	snop  }
0x4d: {  	[tilespmem:s16], [sflag:$0x1] =	stream.indirect.gather [hbm4b:s4+s14], $0x40, s26, s14, $0xb8;
	[tilespmem:$0x1B600] =	vst v63  }
0x4e: {  	_ = 	snop  }
0x4f: {  	[tilespmem:s18], [sflag:$0x1] =	stream.indirect.gather [hbm4b:s4+s17], $0x40, s12, s17, $0xb8;
	[tilespmem:$0x1B600] =	vst v63  }
0x50: {  	s13 =	simm.s32 $0x480;
	s23 =	simm.s32 $0x5C00  }
0x51: {  	[tilespmem:s23], [sflag:$0x1] =	stream.indirect.gather [hbm4b:s4+s17], $0x40, s13, s17, $0xb8;
	[tilespmem:$0x1B600] =	vst v63  }
0x52: {  	s25 =	simm.s32 $0x500;
	s26 =	simm.s32 $0x7C00  }
0x53: {  	[tilespmem:s26], [sflag:$0x1] =	stream.indirect.gather [hbm4b:s4+s17], $0x40, s25, s17, $0xb8;
	[tilespmem:$0x1B600] =	vst v63  }
0x54: {  	s13 =	simm.s32 $0x580;
	s23 =	simm.s32 $0x9C00  }
0x55: {  	[tilespmem:s23], [sflag:$0x1] =	stream.indirect.gather [hbm4b:s4+s17], $0x40, s13, s17, $0xb8;
	[tilespmem:$0x1B600] =	vst v63  }
0x56: {  	s25 =	simm.s32 $0x600;
	s26 =	simm.s32 $0xBC00  }
0x57: {  	[tilespmem:s26], [sflag:$0x1] =	stream.indirect.gather [hbm4b:s4+s17], $0x40, s25, s17, $0xb8;
	[tilespmem:$0x1B600] =	vst v63  }
0x58: {  	s25 =	simm.s32 $0x0  }
.LBB2_2:
0x59: {  	s12 =	sshllo.u32 s25, $0x1  }
0x5a: {  	s26 =	sshll.u32 s12, $0x5;
	s12 =	smul.u32 $0xA00, s12  }
0x5b: {  	[tilespmem:s28], [sflag:$0x2] =	stream.indirect.gather [hbm4b:s3+s14], $0x40, s26, s14, $0xb8;
	[tilespmem:$0x1B600] =	vst v63  }
0x5c: {  	s13 =	sadd.s32 $0x200, s26;
	s12 =	sshra.s32 s12, $0x2  }
0x5d: {  	[tilespmem:s29], [sflag:$0x2] =	stream.indirect.gather [hbm4b:s4+s14], $0x40, s13, s14, $0xb8;
	[tilespmem:$0x1B600] =	vst v63  }
0x5e: {  	s5 =	sadd.s32 $0x400, s12  }
0x5f: {  	[tilespmem:s30], [sflag:$0x2] =	stream.indirect.gather [hbm4b:s4+s17], $0x40, s5, s17, $0xb8;
	[tilespmem:$0x1B600] =	vst v63  }
0x60: {  	s23 =	sadd.s32 $0x480, s12  }
0x61: {  	[tilespmem:s31], [sflag:$0x2] =	stream.indirect.gather [hbm4b:s4+s17], $0x40, s23, s17, $0xb8;
	[tilespmem:$0x1B600] =	vst v63  }
0x62: {  	s5 =	sadd.s32 $0x500, s12  }
0x63: {  	[tilespmem:s0], [sflag:$0x2] =	stream.indirect.gather [hbm4b:s4+s17], $0x40, s5, s17, $0xb8;
	[tilespmem:$0x1B600] =	vst v63  }
0x64: {  	s23 =	sadd.s32 $0x580, s12  }
0x65: {  	[tilespmem:s1], [sflag:$0x2] =	stream.indirect.gather [hbm4b:s4+s17], $0x40, s23, s17, $0xb8;
	[tilespmem:$0x1B600] =	vst v63  }
0x66: {  	s12 =	sadd.s32 $0x600, s12  }
0x67: {  	[tilespmem:s19], [sflag:$0x2] =	stream.indirect.gather [hbm4b:s4+s17], $0x40, s12, s17, $0xb8;
	[tilespmem:$0x1B600] =	vst v63  }
0x68: {  	_ =	swait.ge [sflag:s20], $0x800  }
0x69: {  	[sflag:s20] =	ssyncset.done $0x0  }
0x6a: {  	[sflag:s20] =	ssyncadd.s32 $0xFFFFF800  }
0x6b: {  	_ =	swait.ge [sflag:s20], $0x800  }
0x6c: {  	[sflag:s20] =	ssyncset.done $0x0  }
0x6d: {  	[sflag:s20] =	ssyncadd.s32 $0xFFFFF800  }
0x6e: {  	_ =	swait.ge [sflag:s20], $0x2000  }
0x6f: {  	[sflag:s20] =	ssyncset.done $0x0  }
0x70: {  	[sflag:s20] =	ssyncadd.s32 $0xFFFFE000  }
0x71: {  	_ =	swait.ge [sflag:s20], $0x2000  }
0x72: {  	[sflag:s20] =	ssyncset.done $0x0  }
0x73: {  	s5 =	simm.s32 $0x0;
	[sflag:s20] =	ssyncadd.s32 $0xFFFFE000  }
0x74: {  	v0 =	vmov s5;
	_ =	swait.ge [sflag:s20], $0x2000  }
0x75: {  	v0 =	vand.u32 $0x3F, v0;
	[sflag:s20] =	ssyncset.done $0x0  }
0x76: {  	v0 =	vbroadcast v0, $0x0;
	[sflag:s20] =	ssyncadd.s32 $0xFFFFE000  }
0x77: {  	_ =	swait.ge [sflag:s20], $0x2000  }
0x78: {  	v1 =	vor.u32 v29, v0;
	[sflag:s20] =	ssyncset.done $0x0  }
0x79: {  	v2 =	vor.u32 v55, v0;
	[sflag:s20] =	ssyncadd.s32 $0xFFFFE000  }
0x7a: {  	_ =	swait.ge [sflag:s20], $0x2000  }
0x7b: {  	v3 =	vor.u32 v35, v0;
	[sflag:s20] =	ssyncset.done $0x0  }
0x7c: {  	v4 =	vor.u32 v36, v0;
	[sflag:s20] =	ssyncadd.s32 $0xFFFFE000  }
0x7d: {  	v5 =	vor.u32 v37, v0;
	v6 =	vld.idx.msk [tilespmem:v1+s15+$0x0], $0xffff  }
0x7e: {  	v7 =	vor.u32 v51, v0;
	v2 =	vld.idx.msk [tilespmem:v2+s18+$0x0], $0xffff  }
0x7f: {  	v8 =	vor.u32 v43, v0;
	v1 =	vld.idx.msk [tilespmem:v1+s16+$0x0], $0xffff  }
0x80: {  	v9 =	vor.u32 v59, v0;
	v3 =	vld.idx.msk [tilespmem:v3+s18+$0x0], $0xffff  }
0x81: {  	v10 =	vor.u32 v60, v0;
	v4 =	vld.idx.msk [tilespmem:v4+s18+$0x0], $0xffff  }
0x82: {  	v12 =	vor.u32 v62, v0;
	v5 =	vld.idx.msk [tilespmem:v5+s18+$0x0], $0xffff  }
0x83: {  	v13 =	vor.u32 v63, v0;
	v7 =	vld.idx.msk [tilespmem:v7+s18+$0x0], $0xffff  }
0x84: {  	v14 =	vor.u32 v49, v0;
	v8 =	vld.idx.msk [tilespmem:v8+s18+$0x0], $0xffff  }
0x85: {  	s13 =	simm.s32 $0x1;
	v15 =	vor.u32 v18, v0;
	v9 =	vld.idx.msk [tilespmem:v9+s18+$0x0], $0xffff  }
0x86: {  	v50 =	vmovc v26;
	v16 =	vor.u32 v19, v0;
	v27 =	vor.u32 v26, v0;
	v26 =	vmov s13;
	v10 =	vld.idx.msk [tilespmem:v10+s18+$0x0], $0xffff  }
0x87: {  	v11 =	vor.u32 v61, v0;
	v26 =	vand.u32 $0x3F, v26;
	v12 =	vld.idx.msk [tilespmem:v12+s18+$0x0], $0xffff  }
0x88: {  	v17 =	vor.u32 v53, v0;
	v31 =	vbroadcast v26, $0x0;
	v13 =	vld.idx.msk [tilespmem:v13+s18+$0x0], $0xffff  }
0x89: {  	v23 =	vimm.f32 $0.0e+00;
	v52 =	vmovc v28;
	v20 =	vor.u32 v54, v0;
	v24 =	vor.u32 v39, v0;
	v14 =	vld.idx.msk [tilespmem:v14+s18+$0x0], $0xffff  }
0x8a: {  	v25 =	vor.u32 v40, v0;
	v0 =	vor.u32 v28, v0;
	v29 =	vor.u32 v29, v31;
	v15 =	vld.idx.msk [tilespmem:v15+s18+$0x0], $0xffff  }
0x8b: {  	v32 =	vor.u32 v55, v31;
	v16 =	vld.idx.msk [tilespmem:v16+s18+$0x0], $0xffff;
	v2 =	vmul.f32 v2, v6;
	v1 =	vmul.f32 v1, v6  }
0x8c: {  	v61 =	vor.u32 v61, v31;
	v11 =	vld.idx.msk [tilespmem:v11+s18+$0x0], $0xffff;
	v3 =	vmul.f32 v3, v6;
	v4 =	vmul.f32 v4, v6  }
0x8d: {  	v44 =	vor.u32 v62, v31;
	v17 =	vld.idx.msk [tilespmem:v17+s18+$0x0], $0xffff;
	v5 =	vmul.f32 v5, v6;
	v7 =	vmul.f32 v7, v6  }
0x8e: {  	v47 =	vor.u32 v63, v31;
	v30 =	vld.idx.msk [tilespmem:v20+s18+$0x0], $0xffff;
	v8 =	vmul.f32 v8, v6;
	v12 =	vmul.f32 v12, v6  }
0x8f: {  	v56 =	vor.u32 v49, v31;
	v24 =	vld.idx.msk [tilespmem:v24+s18+$0x0], $0xffff;
	v13 =	vmul.f32 v13, v6;
	v14 =	vmul.f32 v14, v6  }
0x90: {  	v57 =	vor.u32 v18, v31;
	v0 =	vld.idx.msk [tilespmem:v0+s18+$0x0], $0xffff;
	v15 =	vmul.f32 v15, v6;
	v16 =	vmul.f32 v16, v6  }
0x91: {  	v20 =	vld.idx.msk [tilespmem:v29+s15+$0x0], $0xffff;
	v33 =	vadd.f32 v4, v23;
	v34 =	vadd.f32 v5, v23;
	v4 =	vmul.f32 v9, v6  }
0x92: {  	v5 =	vld.idx.msk [tilespmem:v25+s18+$0x0], $0xffff;
	v42 =	vadd.f32 v7, v23;
	v26 =	vadd.f32 v8, v23;
	v9 =	vor.u32 v36, v31  }
0x93: {  	v8 =	vmul.f32 v10, v6;
	v7 =	vld.idx.msk [tilespmem:v27+s18+$0x0], $0xffff;
	v10 =	vmul.f32 v11, v6;
	v11 =	vor.u32 v37, v31  }
0x94: {  	v29 =	vld.idx.msk [tilespmem:v29+s16+$0x0], $0xffff;
	v45 =	vmul.f32 v17, v6;
	v28 =	vadd.f32 v4, v23;
	v4 =	vor.u32 v35, v31  }
0x95: {  	v46 =	vmul.f32 v30, v6;
	v24 =	vmul.f32 v24, v6;
	v27 =	vor.u32 v51, v31  }
0x96: {  	v2 =	vadd.f32 v2, v23;
	v1 =	vadd.f32 v1, v23;
	v36 =	vor.u32 v59, v31;
	v25 =	vld.idx.msk [tilespmem:v32+s18+$0x0], $0xffff  }
0x97: {  	v3 =	vadd.f32 v3, v23;
	v32 =	vor.u32 v60, v31;
	v35 =	vor.u32 v43, v31;
	v30 =	vld.idx.msk [tilespmem:v9+s18+$0x0], $0xffff  }
0x98: {  	v37 =	vadd.f32 v12, v23;
	v48 =	vmul.f32 v5, v6;
	v5 =	vld.idx.msk [tilespmem:v11+s18+$0x0], $0xffff;
	v11 =	vmul.f32 v7, v6  }
0x99: {  	v41 =	vadd.f32 v8, v23;
	v9 =	vmul.f32 v0, v6;
	v6 =	vmul.f32 v29, v20;
	v62 =	vld.idx.msk [tilespmem:v4+s18+$0x0], $0xffff  }
0x9a: {  	v38 =	vadd.f32 v10, v23;
	v0 =	vor.u32 v19, v31;
	v7 =	vor.u32 v53, v31;
	v10 =	vld.idx.msk [tilespmem:v27+s18+$0x0], $0xffff  }
0x9b: {  	v58 =	vld.idx.msk [tilespmem:v36+s18+$0x0], $0xffff;
	v36 =	vadd.f32 v15, v23;
	v4 =	vmul.f32 v25, v20;
	v25 =	vadd.f32 v6, v1  }
0x9c: {  	s23 =	simm.s32 $0x2;
	v12 =	vld.idx.msk [tilespmem:v35+s18+$0x0], $0xffff;
	v6 =	vor.u32 v39, v31;
	v39 =	vadd.f32 v13, v23;
	v35 =	vadd.f32 v16, v23  }
0x9d: {  	v16 =	vmov s23;
	v17 =	vadd.f32 v4, v2;
	v2 =	vmul.f32 v30, v20  }
0x9e: {  	v13 =	vld.idx.msk [tilespmem:v32+s18+$0x0], $0xffff;
	v32 =	vadd.f32 v48, v23;
	v43 =	vand.u32 $0x3F, v16;
	v1 =	vmul.f32 v62, v20  }
0x9f: {  	v4 =	vor.u32 v54, v31;
	v15 =	vmul.f32 v10, v20;
	v30 =	vadd.f32 v2, v33  }
0xa0: {  	v8 =	vld.idx.msk [tilespmem:v44+s18+$0x0], $0xffff;
	v2 =	vor.u32 v50, v31;
	v33 =	vadd.f32 v46, v23;
	v27 =	vadd.f32 v1, v3  }
0xa1: {  	v10 =	vld.idx.msk [tilespmem:v47+s18+$0x0], $0xffff;
	v1 =	vmul.f32 v5, v20;
	v5 =	vor.u32 v40, v31;
	v40 =	vadd.f32 v14, v23  }
0xa2: {  	v14 =	vld.idx.msk [tilespmem:v61+s18+$0x0], $0xffff;
	v3 =	vor.u32 v52, v31;
	v31 =	vadd.f32 v15, v42;
	v15 =	vmul.f32 v12, v20  }
0xa3: {  	v42 =	vmul.f32 v58, v20;
	v12 =	vld.idx.msk [tilespmem:v57+s18+$0x0], $0xffff;
	v29 =	vadd.f32 v1, v34;
	v34 =	vadd.f32 v45, v23  }
0xa4: {  	s12 =	simm.s32 $0x3;
	s23 =	sshll.u32 s25, $0x1;
	v50 =	vmovc v18;
	v52 =	vmov v19;
	v1 =	vadd.f32 v24, v23;
	v24 =	vadd.f32 v11, v23;
	v11 =	vld.idx.msk [tilespmem:v56+s18+$0x0], $0xffff  }
.LBB2_3:
0xa5: {  	v26 =	vadd.f32 v15, v26;
	v15 =	vld.idx.msk [tilespmem:v0+s18+$0x0], $0xffff  }
0xa6: {  	v0 =	vld [tilespmem:$0x1FEC0];
	_ =	sdelay $0x2  }
0xa7: {  	v16 =	vbroadcast v43, $0x0;
	_ =	sdelay $0x1  }
0xa8: {  	v23 =	vadd.f32 v9, v23;
	v9 =	vor.u32 v0, v16;
	v0 =	vld [tilespmem:$0x1FEB0];
	_ =	sdelay $0x4  }
0xa9: {  	v43 =	vor.u32 v0, v16;
	v0 =	vld [tilespmem:$0x1FED0];
	_ =	sdelay $0x4  }
0xaa: {  	v44 =	vor.u32 v0, v16;
	v0 =	vld [tilespmem:$0x1FEE0];
	_ =	sdelay $0x4  }
0xab: {  	v46 =	vor.u32 v0, v16;
	v0 =	vld [tilespmem:$0x1FF00]  }
0xac: {  	v45 =	vld.idx.msk [tilespmem:v4+s18+$0x0], $0xffff  }
0xad: {  	v56 =	vld.idx.msk [tilespmem:v6+s18+$0x0], $0xffff  }
0xae: {  	v18 =	vld.idx.msk [tilespmem:v2+s18+$0x0], $0xffff  }
0xaf: {  	v2 =	vld [tilespmem:$0x1FFB0]  }
0xb0: {  	v57 =	vor.u32 v0, v16;
	v0 =	vld [tilespmem:$0x1FF30]  }
0xb1: {  	v28 =	vadd.f32 v42, v28;
	v42 =	vld.idx.msk [tilespmem:v7+s18+$0x0], $0xffff  }
0xb2: {  	v58 =	vor.u32 v59, v16;
	v59 =	vor.u32 v60, v16;
	v60 =	vld.idx.msk [tilespmem:v5+s18+$0x0], $0xffff  }
0xb3: {  	v22 =	vld.idx.msk [tilespmem:v3+s18+$0x0], $0xffff  }
0xb4: {  	v13 =	vmul.f32 v13, v20;
	v6 =	vor.u32 v2, v16;
	v2 =	vld [tilespmem:$0x1FFC0]  }
0xb5: {  	v11 =	vmul.f32 v11, v20;
	v61 =	vor.u32 v0, v16;
	v0 =	vld [tilespmem:$0x1FF40]  }
0xb6: {  	v3 =	vld [tilespmem:$0x1FFE0];
	v41 =	vadd.f32 v13, v41;
	v13 =	vmul.f32 v42, v20  }
0xb7: {  	v40 =	vadd.f32 v11, v40;
	v11 =	vmul.f32 v60, v20;
	v60 =	vld [tilespmem:$0x1FF20]  }
0xb8: {  	v19 =	vor.u32 v49, v16;
	v34 =	vadd.f32 v13, v34;
	v13 =	vld.idx.msk [tilespmem:v59+s18+$0x0], $0xffff  }
0xb9: {  	v5 =	vor.u32 v2, v16;
	v2 =	vld [tilespmem:$0x1FFD0]  }
0xba: {  	v48 =	vor.u32 v55, v16;
	v62 =	vor.u32 v0, v16;
	v0 =	vld [tilespmem:$0x1FF50]  }
0xbb: {  	v59 =	vld [tilespmem:$0x1FF10]  }
0xbc: {  	v47 =	vor.u32 v51, v16;
	v14 =	vmul.f32 v14, v20;
	v49 =	vld.idx.msk [tilespmem:v9+s15+$0x0], $0xffff  }
0xbd: {  	v21 =	vor.u32 v50, v16;
	v7 =	vor.u32 v53, v16;
	v32 =	vadd.f32 v11, v32;
	v11 =	vld.idx.msk [tilespmem:v19+s18+$0x0], $0xffff  }
0xbe: {  	v4 =	vor.u32 v54, v16;
	v3 =	vor.u32 v3, v16;
	v38 =	vadd.f32 v14, v38;
	v14 =	vld.idx.msk [tilespmem:v44+s18+$0x0], $0xffff  }
0xbf: {  	v2 =	vor.u32 v2, v16;
	v63 =	vor.u32 v0, v16;
	v0 =	vor.u32 v52, v16;
	v16 =	vld.idx.msk [tilespmem:v48+s18+$0x0], $0xffff  }
0xc0: {  	v48 =	vld.idx.msk [tilespmem:v9+s16+$0x0], $0xffff  }
0xc1: {  	v8 =	vmul.f32 v8, v20;
	v9 =	vmul.f32 v10, v20;
	v10 =	vld.idx.msk [tilespmem:v43+s18+$0x0], $0xffff  }
0xc2: {  	v44 =	vld.idx.msk [tilespmem:v47+s18+$0x0], $0xffff  }
0xc3: {  	v37 =	vadd.f32 v8, v37;
	v8 =	vmul.f32 v15, v20;
	v15 =	vld.idx.msk [tilespmem:v46+s18+$0x0], $0xffff  }
0xc4: {  	v12 =	vmul.f32 v12, v20;
	v42 =	vmul.f32 v45, v20;
	v45 =	vld.idx.msk [tilespmem:v57+s18+$0x0], $0xffff  }
0xc5: {  	v18 =	vmul.f32 v18, v20;
	v39 =	vadd.f32 v9, v39;
	v9 =	vmul.f32 v22, v20;
	v22 =	vld.idx.msk [tilespmem:v58+s18+$0x0], $0xffff  }
0xc6: {  	v35 =	vadd.f32 v8, v35;
	v8 =	vmul.f32 v10, v49;
	v10 =	vmul.f32 v14, v49;
	v14 =	vld.idx.msk [tilespmem:v61+s18+$0x0], $0xffff  }
0xc7: {  	v36 =	vadd.f32 v12, v36;
	v61 =	vld [tilespmem:$0x1FF30]  }
0xc8: {  	p0 =	sne.s32 s12, $0x3F;
	v24 =	vadd.f32 v18, v24;
	v16 =	vmul.f32 v16, v49;
	v27 =	vadd.f32 v8, v27;
	v8 =	vld.idx.msk [tilespmem:v62+s18+$0x0], $0xffff  }
.Ltmp0:
0xc9: {  	v18 =	vmov s12;
	v33 =	vadd.f32 v42, v33;
	v12 =	vmul.f32 v48, v49;
	v62 =	vld [tilespmem:$0x1FF40];
	(pc) =	sbr.rel @p0 .LBB2_3-.Ltmp0, $4  }
0xca: {  	v43 =	vmul.f32 v56, v20;
	v17 =	vadd.f32 v16, v17;
	v30 =	vadd.f32 v10, v30;
	v10 =	vld.idx.msk [tilespmem:v63+s18+$0x0], $0xffff  }
0xcb: {  	v25 =	vadd.f32 v12, v25;
	v12 =	vmul.f32 v15, v49;
	v16 =	vmul.f32 v44, v49;
	v63 =	vld [tilespmem:$0x1FF50]  }
0xcc: {  	v1 =	vadd.f32 v43, v1;
	v20 =	vmovc v49;
	v43 =	vand.u32 $0x3F, v18;
	v15 =	vmul.f32 v45, v49;
	v49 =	vld [tilespmem:$0x1FF60]  }
0xcd: {  	s12 =	sadd.s32 $0x1, s12;
	v42 =	vmul.f32 v22, v20;
	v29 =	vadd.f32 v12, v29;
	v31 =	vadd.f32 v16, v31;
	v12 =	vld.idx.msk [tilespmem:v21+s18+$0x0], $0xffff  }
0xce: {  	_ =	sdelay $0x3  }
0xcf: {  	v0 =	vld.idx.msk [tilespmem:v0+s18+$0x0], $0xffff  }
0xd0: {  	v7 =	vld.idx.msk [tilespmem:v7+s18+$0x0], $0xffff  }
0xd1: {  	v2 =	vld.idx.msk [tilespmem:v2+s18+$0x0], $0xffff  }
0xd2: {  	v47 =	vld [tilespmem:$0x1FF00]  }
0xd3: {  	v18 =	vld [tilespmem:$0x1FEC0]  }
0xd4: {  	v4 =	vld.idx.msk [tilespmem:v4+s18+$0x0], $0xffff  }
0xd5: {  	v16 =	vbroadcast v43, $0x0;
	v6 =	vld.idx.msk [tilespmem:v6+s18+$0x0], $0xffff  }
0xd6: {  	v5 =	vld.idx.msk [tilespmem:v5+s18+$0x0], $0xffff  }
0xd7: {  	v21 =	vadd.f32 v42, v28;
	v42 =	vor.u32 v47, v16;
	v47 =	vmul.f32 v2, v20;
	v2 =	vld [tilespmem:$0x1FFB0]  }
0xd8: {  	v15 =	vadd.f32 v15, v26;
	v13 =	vmul.f32 v13, v20;
	v14 =	vmul.f32 v14, v20;
	v56 =	vld [tilespmem:$0x1FEB0]  }
0xd9: {  	v9 =	vadd.f32 v9, v23;
	v3 =	vld.idx.msk [tilespmem:v3+s18+$0x0], $0xffff;
	v8 =	vmul.f32 v8, v20;
	v11 =	vmul.f32 v11, v20  }
0xda: {  	v23 =	vld [tilespmem:$0x1FED0];
	v10 =	vmul.f32 v10, v20;
	v19 =	vor.u32 v55, v16;
	v28 =	vor.u32 v51, v16  }
0xdb: {  	v26 =	vld [tilespmem:$0x1FEE0];
	v43 =	vor.u32 v59, v16;
	v51 =	vor.u32 v50, v16;
	v12 =	vmul.f32 v12, v20  }
0xdc: {  	v0 =	vmul.f32 v0, v20;
	v7 =	vmul.f32 v7, v20;
	v57 =	vor.u32 v2, v16;
	v2 =	vld [tilespmem:$0x1FFC0]  }
0xdd: {  	v50 =	vld [tilespmem:$0x1FC90];
	v18 =	vor.u32 v18, v16;
	v4 =	vmul.f32 v4, v20;
	v6 =	vmul.f32 v6, v20  }
0xde: {  	v5 =	vmul.f32 v5, v20;
	v3 =	vmul.f32 v3, v20;
	v20 =	vor.u32 v54, v16;
	v54 =	vld [tilespmem:$0x1FCE0]  }
0xdf: {  	v19 =	vld.idx.msk [tilespmem:v19+s18+$0x0], $0xffff  }
0xe0: {  	v22 =	vor.u32 v56, v16;
	v28 =	vld.idx.msk [tilespmem:v28+s18+$0x0], $0xffff  }
0xe1: {  	v58 =	vor.u32 v2, v16;
	v2 =	vld [tilespmem:$0x1FFD0]  }
0xe2: {  	v23 =	vor.u32 v23, v16;
	v43 =	vld.idx.msk [tilespmem:v43+s18+$0x0], $0xffff  }
0xe3: {  	v26 =	vor.u32 v26, v16;
	v44 =	vld.idx.msk [tilespmem:v18+s15+$0x0], $0xffff  }
0xe4: {  	v46 =	vor.u32 v61, v16;
	v18 =	vld.idx.msk [tilespmem:v18+s16+$0x0], $0xffff  }
0xe5: {  	v22 =	vld.idx.msk [tilespmem:v22+s18+$0x0], $0xffff  }
0xe6: {  	v48 =	vor.u32 v63, v16;
	v63 =	vor.u32 v2, v16;
	v2 =	vld [tilespmem:$0x1FFE0]  }
0xe7: {  	v49 =	vor.u32 v49, v16;
	v23 =	vld.idx.msk [tilespmem:v23+s18+$0x0], $0xffff  }
0xe8: {  	v45 =	vor.u32 v60, v16;
	v26 =	vld.idx.msk [tilespmem:v26+s18+$0x0], $0xffff  }
0xe9: {  	v13 =	vadd.f32 v13, v41;
	v41 =	vor.u32 v62, v16;
	v52 =	vor.u32 v52, v16;
	v46 =	vld.idx.msk [tilespmem:v46+s18+$0x0], $0xffff  }
0xea: {  	v53 =	vor.u32 v53, v16;
	v24 =	vadd.f32 v47, v24;
	v47 =	vld [tilespmem:$0x1FC80];
	v18 =	vmul.f32 v18, v44  }
0xeb: {  	v16 =	vor.u32 v2, v16;
	v2 =	vmul.f32 v19, v44;
	v19 =	vmul.f32 v22, v44;
	v22 =	vld.idx.msk [tilespmem:v48+s18+$0x0], $0xffff  }
0xec: {  	v1 =	vadd.f32 v6, v1;
	v6 =	vld.idx.msk [tilespmem:v49+s18+$0x0], $0xffff  }
0xed: {  	v49 =	vld [tilespmem:$0x1FCA0];
	v23 =	vmul.f32 v23, v44;
	v18 =	vadd.f32 v18, v25;
	v25 =	vmul.f32 v26, v44  }
0xee: {  	v14 =	vadd.f32 v14, v38;
	v11 =	vadd.f32 v11, v40;
	v26 =	vld.idx.msk [tilespmem:v51+s18+$0x0], $0xffff  }
0xef: {  	v23 =	vadd.f32 v23, v30;
	v30 =	vld.idx.msk [tilespmem:v52+s18+$0x0], $0xffff;
	v25 =	vadd.f32 v25, v29;
	v29 =	vmul.f32 v43, v44  }
0xf0: {  	v10 =	vadd.f32 v10, v39;
	v4 =	vadd.f32 v4, v33;
	v51 =	vld [tilespmem:$0x1FCC0];
	v22 =	vmul.f32 v22, v44  }
0xf1: {  	s12 =	sshll.u32 s25, $0x6;
	v21 =	vadd.f32 v29, v21;
	v33 =	vld.idx.msk [tilespmem:v63+s18+$0x0], $0xffff;
	v19 =	vadd.f32 v19, v27;
	v27 =	vmul.f32 v28, v44  }
0xf2: {  	v29 =	vmul.f32 v46, v44;
	v46 =	vmov s12;
	v10 =	vadd.f32 v22, v10;
	v22 =	vld [tilespmem:$0x1FE20]  }
0xf3: {  	v7 =	vadd.f32 v7, v34;
	v34 =	vmul.u32 $0x14, v46;
	v27 =	vadd.f32 v27, v31;
	v31 =	vld.idx.msk [tilespmem:v58+s18+$0x0], $0xffff  }
0xf4: {  	v12 =	vadd.f32 v12, v36;
	v5 =	vadd.f32 v5, v32;
	v6 =	vmul.f32 v6, v44;
	v48 =	vld [tilespmem:$0x1FCD0]  }
0xf5: {  	v42 =	vld.idx.msk [tilespmem:v42+s18+$0x0], $0xffff;
	v14 =	vadd.f32 v29, v14;
	v29 =	vmul.f32 v30, v44;
	v30 =	vbroadcast v34, $0x0  }
0xf6: {  	v3 =	vadd.f32 v3, v9;
	v6 =	vadd.f32 v6, v11;
	v52 =	vld [tilespmem:$0x1FCB0];
	v26 =	vmul.f32 v26, v44  }
0xf7: {  	v55 =	vld.idx.msk [tilespmem:v45+s18+$0x0], $0xffff;
	v32 =	vadd.s32 v47, v30;
	v34 =	vadd.s32 v51, v30;
	v22 =	vadd.s32 v22, v30  }
0xf8: {  	v41 =	vld.idx.msk [tilespmem:v41+s18+$0x0], $0xffff;
	v32 =	vand.u32 $0xFFFFFFF8, v32;
	v11 =	vmul.f32 v31, v44;
	v22 =	vand.u32 $0xFFFFFFF8, v22  }
0xf9: {  	v20 =	vld.idx.msk [tilespmem:v20+s18+$0x0], $0xffff;
	v31 =	vmul.f32 v33, v44;
	v33 =	vadd.s32 v49, v30;
	v22 =	vor.u32 v48, v22  }
0xfa: {  	v9 =	vld.idx.msk [tilespmem:v57+s18+$0x0], $0xffff;
	v28 =	vmul.f32 v42, v44;
	v32 =	vor.u32 v50, v32;
	v33 =	vand.u32 $0xFFFFFFF8, v33  }
0xfb: {  	v43 =	vld.idx.msk [tilespmem:v53+s18+$0x0], $0xffff;
	v12 =	vadd.f32 v26, v12;
	v34 =	vand.u32 $0xFFFFFFF8, v34;
	v33 =	vor.u32 v52, v33  }
0xfc: {  	v57 =	vld [tilespmem:$0x1FD00];
	v26 =	vor.u32 v54, v34;
	v15 =	vadd.f32 v28, v15;
	v28 =	vmul.f32 v55, v44  }
0xfd: {  	v8 =	vadd.f32 v8, v37;
	v16 =	vld.idx.msk [tilespmem:v16+s18+$0x0], $0xffff;
	[tilespmem:s12+$0x18C00] =	vst v18  }
0xfe: {  	v53 =	vld [tilespmem:$0x1FCF0];
	v13 =	vadd.f32 v28, v13;
	v28 =	vmul.f32 v41, v44;
	[tilespmem:v22+s21+$0x0] =	vst.idx.msk $0xffff, v19  }
0xff: {  	[tilespmem:v32+s21+$0x0] =	vst.idx.msk $0xffff, v23;
	v23 =	vld [tilespmem:$0x1FD50]  }
0x100: {  	v58 =	vld [tilespmem:$0x1FD10];
	v8 =	vadd.f32 v28, v8;
	v28 =	vmul.f32 v43, v44;
	[tilespmem:v33+s21+$0x0] =	vst.idx.msk $0xffff, v25  }
0x101: {  	v20 =	vmul.f32 v20, v44;
	[tilespmem:v26+s21+$0x0] =	vst.idx.msk $0xffff, v27;
	v26 =	vld [tilespmem:$0x1FD60]  }
0x102: {  	v7 =	vadd.f32 v28, v7;
	v28 =	vld [tilespmem:$0x1FD20]  }
0x103: {  	v0 =	vadd.f32 v0, v35;
	v4 =	vadd.f32 v20, v4;
	v35 =	vadd.s32 v53, v30  }
0x104: {  	v9 =	vmul.f32 v9, v44;
	v55 =	vand.u32 $0xFFFFFFF8, v35;
	v23 =	vadd.s32 v23, v30  }
0x105: {  	v18 =	vor.u32 v57, v55;
	v34 =	vadd.s32 v58, v30;
	v22 =	vld [tilespmem:$0x1FD30];
	v20 =	vand.u32 $0xFFFFFFF8, v23  }
0x106: {  	v1 =	vadd.f32 v9, v1;
	v19 =	vand.u32 $0xFFFFFFF8, v34;
	v9 =	vor.u32 v26, v20;
	v20 =	vld [tilespmem:$0x1FD90]  }
0x107: {  	v19 =	vor.u32 v28, v19;
	v25 =	vld [tilespmem:$0x1FD40];
	_ =	sdelay $0x2  }
0x108: {  	[tilespmem:v18+s21+$0x0] =	vst.idx.msk $0xffff, v15;
	v18 =	vld [tilespmem:$0x1FD80];
	v22 =	vadd.s32 v22, v30  }
0x109: {  	v22 =	vand.u32 $0xFFFFFFF8, v22;
	v23 =	vld [tilespmem:$0x1FD70];
	v20 =	vadd.s32 v20, v30  }
0x10a: {  	[tilespmem:v19+s21+$0x0] =	vst.idx.msk $0xffff, v21;
	v22 =	vor.u32 v25, v22;
	v19 =	vand.u32 $0xFFFFFFF8, v20;
	v20 =	vld [tilespmem:$0x1FDA0];
	_ =	sdelay $0x2  }
0x10b: {  	v18 =	vadd.s32 v18, v30  }
0x10c: {  	v18 =	vand.u32 $0xFFFFFFF8, v18;
	v23 =	vadd.s32 v23, v30  }
0x10d: {  	[tilespmem:v22+s21+$0x0] =	vst.idx.msk $0xffff, v13;
	v13 =	vor.u32 v50, v18;
	v15 =	vand.u32 $0xFFFFFFF8, v23;
	v20 =	vadd.s32 v20, v30  }
0x10e: {  	v15 =	vor.u32 v48, v15;
	v18 =	vor.u32 v52, v19;
	v19 =	vand.u32 $0xFFFFFFF8, v20;
	v20 =	vld [tilespmem:$0x1FDB0];
	_ =	sdelay $0x3  }
0x10f: {  	v21 =	vld [tilespmem:$0x1FDC0];
	[tilespmem:v9+s21+$0x0] =	vst.idx.msk $0xffff, v14  }
0x110: {  	[tilespmem:v15+s21+$0x0] =	vst.idx.msk $0xffff, v8;
	v15 =	vld [tilespmem:$0x1FDE0];
	v20 =	vadd.s32 v20, v30  }
0x111: {  	v9 =	vand.u32 $0xFFFFFFF8, v20;
	v20 =	vld [tilespmem:$0x1FDD0];
	_ =	sdelay $0x3  }
0x112: {  	v21 =	vadd.s32 v21, v30  }
0x113: {  	v14 =	vand.u32 $0xFFFFFFF8, v21;
	v15 =	vadd.s32 v15, v30;
	v20 =	vadd.s32 v20, v30  }
0x114: {  	v8 =	vor.u32 v57, v9;
	v9 =	vor.u32 v28, v14;
	v14 =	vand.u32 $0xFFFFFFF8, v20;
	v20 =	vld [tilespmem:$0x1FDF0]  }
0x115: {  	[tilespmem:v13+s21+$0x0] =	vst.idx.msk $0xffff, v10;
	v10 =	vand.u32 $0xFFFFFFF8, v15;
	v15 =	vld [tilespmem:$0x1FE00];
	_ =	sdelay $0x1  }
0x116: {  	v19 =	vor.u32 v54, v19;
	_ =	sdelay $0x1  }
0x117: {  	v20 =	vadd.s32 v20, v30  }
0x118: {  	v0 =	vadd.f32 v29, v0;
	v15 =	vadd.s32 v15, v30;
	v13 =	vand.u32 $0xFFFFFFF8, v20  }
0x119: {  	[tilespmem:v18+s21+$0x0] =	vst.idx.msk $0xffff, v6;
	v6 =	vor.u32 v26, v10;
	v10 =	vor.u32 v48, v13;
	v13 =	vand.u32 $0xFFFFFFF8, v15  }
0x11a: {  	[tilespmem:v19+s21+$0x0] =	vst.idx.msk $0xffff, v12;
	v12 =	vor.u32 v50, v13;
	v13 =	vld [tilespmem:$0x1FE10]  }
0x11b: {  	[tilespmem:v8+s21+$0x0] =	vst.idx.msk $0xffff, v0;
	v8 =	vld [tilespmem:$0x1FE30];
	v14 =	vor.u32 v25, v14;
	_ =	sdelay $0x3  }
0x11c: {  	[tilespmem:v9+s21+$0x0] =	vst.idx.msk $0xffff, v7;
	v13 =	vadd.s32 v13, v30  }
0x11d: {  	v8 =	vadd.s32 v8, v30;
	[tilespmem:v14+s21+$0x0] =	vst.idx.msk $0xffff, v4;
	v0 =	vand.u32 $0xFFFFFFF8, v13  }
0x11e: {  	s13 =	simm.s32 $0x0;
	v16 =	vmul.f32 v16, v44;
	v7 =	vand.u32 $0xFFFFFFF8, v8;
	[tilespmem:v6+s21+$0x0] =	vst.idx.msk $0xffff, v1;
	v1 =	vld [tilespmem:$0x1FE40];
	v0 =	vor.u32 v52, v0  }
0x11f: {  	v5 =	vadd.f32 v11, v5;
	v15 =	vmov s13;
	v4 =	vor.u32 v54, v7  }
0x120: {  	v7 =	vadd.f32 v31, v24;
	v13 =	vand.u32 $0x3F, v15  }
0x121: {  	v3 =	vadd.f32 v16, v3;
	v23 =	vld [tilespmem:$0x1FE90];
	[tilespmem:v10+s21+$0x0] =	vst.idx.msk $0xffff, v5;
	v8 =	vbroadcast v13, $0x0  }
0x122: {  	v2 =	vadd.f32 v2, v17;
	v17 =	vld [tilespmem:$0x1FEA0];
	[tilespmem:v12+s21+$0x0] =	vst.idx.msk $0xffff, v7  }
0x123: {  	v22 =	vadd.s32 $0x54C0, v56;
	v1 =	vor.u32 v1, v8;
	[tilespmem:v0+s21+$0x0] =	vst.idx.msk $0xffff, v3;
	v0 =	vld [tilespmem:$0x1FE50]  }
0x124: {  	v5 =	vor.u32 v22, v8;
	[tilespmem:v4+s21+$0x0] =	vst.idx.msk $0xffff, v2;
	v2 =	vld [tilespmem:$0x1FE60]  }
0x125: {  	v27 =	vld [tilespmem:$0x1FE70]  }
0x126: {  	v39 =	vimm.f32 $0.0e+00;
	v29 =	vld [tilespmem:$0x1FE80];
	v6 =	vor.u32 v23, v8  }
0x127: {  	v46 =	vadd.s32 $0x5380, v56;
	v63 =	vadd.s32 $0x5400, v56;
	v7 =	vor.u32 v17, v8  }
0x128: {  	v47 =	vadd.s32 $0x5180, v56;
	v51 =	vadd.s32 $0x5240, v56;
	v34 =	vld.idx.msk [tilespmem:v1+s15+$0x0], $0xffff;
	v25 =	vmovc v0;
	v0 =	vor.u32 v0, v8  }
0x129: {  	v53 =	vadd.s32 $0x5280, v56;
	v55 =	vadd.s32 $0x5340, v56;
	v5 =	vld.idx.msk [tilespmem:v5+s18+$0x0], $0xffff;
	v2 =	vor.u32 v2, v8  }
0x12a: {  	[tilespmem:$0x1FC20] =	vst v46;
	v49 =	vadd.s32 $0x5200, v56;
	v26 =	vadd.s32 $0x5440, v56;
	v3 =	vor.u32 v27, v8;
	v1 =	vld.idx.msk [tilespmem:v1+s16+$0x0], $0xffff  }
0x12b: {  	[tilespmem:$0x1FC30] =	vst v63;
	v57 =	vadd.s32 $0x53C0, v56;
	v28 =	vimm.f32 $0.0e+00;
	v4 =	vor.u32 v29, v8;
	v15 =	vld.idx.msk [tilespmem:v6+s18+$0x0], $0xffff  }
0x12c: {  	[tilespmem:$0x1FBE0] =	vst v47;
	v48 =	vadd.s32 $0x51C0, v56;
	v54 =	vadd.s32 $0x5300, v56;
	v12 =	vor.u32 v51, v8;
	v7 =	vld.idx.msk [tilespmem:v7+s18+$0x0], $0xffff  }
0x12d: {  	[tilespmem:$0x1FBF0] =	vst v53;
	v24 =	vadd.s32 $0x5480, v56;
	v52 =	vadd.s32 $0x52C0, v56;
	v9 =	vor.u32 v47, v8;
	v0 =	vld.idx.msk [tilespmem:v0+s18+$0x0], $0xffff  }
0x12e: {  	v10 =	vor.u32 v48, v8;
	v11 =	vor.u32 v49, v8;
	v13 =	vor.u32 v53, v8;
	v2 =	vld.idx.msk [tilespmem:v2+s18+$0x0], $0xffff  }
0x12f: {  	v14 =	vor.u32 v52, v8;
	v16 =	vor.u32 v54, v8;
	v3 =	vld.idx.msk [tilespmem:v3+s18+$0x0], $0xffff;
	v1 =	vmul.f32 v1, v34  }
0x130: {  	v18 =	vor.u32 v55, v8;
	v19 =	vor.u32 v46, v8;
	v20 =	vor.u32 v57, v8;
	v4 =	vld.idx.msk [tilespmem:v4+s18+$0x0], $0xffff  }
0x131: {  	v21 =	vor.u32 v63, v8;
	v5 =	vmul.f32 v5, v34;
	v43 =	vadd.f32 v1, v39;
	v1 =	vld.idx.msk [tilespmem:v12+s18+$0x0], $0xffff  }
0x132: {  	[tilespmem:$0x1FBD0] =	vst v24;
	v44 =	vor.u32 v24, v8;
	v24 =	vimm.f32 $0.0e+00;
	v9 =	vld.idx.msk [tilespmem:v9+s18+$0x0], $0xffff;
	v0 =	vmul.f32 v0, v34  }
0x133: {  	v6 =	vor.u32 v26, v8;
	v31 =	vadd.f32 v5, v39;
	v5 =	vld.idx.msk [tilespmem:v11+s18+$0x0], $0xffff;
	v2 =	vmul.f32 v2, v34  }
0x134: {  	[tilespmem:$0x1FBC0] =	vst v26;
	v10 =	vld.idx.msk [tilespmem:v10+s18+$0x0], $0xffff;
	v26 =	vimm.f32 $0.0e+00;
	v40 =	vadd.f32 v0, v39;
	v0 =	vmul.f32 v3, v34  }
0x135: {  	[tilespmem:$0x1FC40] =	vst v51;
	v3 =	vmul.f32 v15, v34;
	v41 =	vadd.f32 v2, v39;
	v2 =	vmul.f32 v4, v34  }
0x136: {  	[tilespmem:$0x1FC60] =	vst v55;
	v4 =	vld.idx.msk [tilespmem:v13+s18+$0x0], $0xffff;
	v13 =	vmul.f32 v1, v34;
	v1 =	vimm.f32 $0.0e+00;
	v42 =	vadd.f32 v0, v39  }
0x137: {  	v8 =	vld.idx.msk [tilespmem:v19+s18+$0x0], $0xffff;
	v0 =	vmul.f32 v7, v34;
	v7 =	vmul.f32 v9, v34;
	v37 =	vadd.f32 v3, v39  }
0x138: {  	[tilespmem:$0x1FC10] =	vst v49;
	v3 =	vmul.f32 v5, v34;
	v9 =	vld.idx.msk [tilespmem:v20+s18+$0x0], $0xffff;
	v20 =	vimm.f32 $0.0e+00;
	v5 =	vimm.f32 $0.0e+00  }
0x139: {  	s5 =	simm.s32 $0x1;
	v11 =	vld.idx.msk [tilespmem:v14+s18+$0x0], $0xffff;
	v36 =	vadd.f32 v2, v39;
	v2 =	vmul.f32 v10, v34;
	v38 =	vadd.f32 v0, v39  }
0x13a: {  	[tilespmem:$0x1FC70] =	vst v22;
	v12 =	vld.idx.msk [tilespmem:v16+s18+$0x0], $0xffff;
	v32 =	vadd.f32 v7, v39;
	v0 =	vmov s5;
	v35 =	vadd.f32 v3, v39  }
0x13b: {  	[tilespmem:$0x1FC00] =	vst v54;
	v10 =	vld.idx.msk [tilespmem:v21+s18+$0x0], $0xffff;
	v3 =	vimm.f32 $0.0e+00;
	v33 =	vadd.f32 v2, v39;
	v0 =	vand.u32 $0x3F, v0  }
0x13c: {  	s13 =	simm.s32 $0x2;
	[tilespmem:$0x1FC50] =	vst v52;
	v7 =	vld.idx.msk [tilespmem:v18+s18+$0x0], $0xffff;
	v2 =	vimm.f32 $0.0e+00;
	v14 =	vmul.f32 v4, v34;
	v4 =	vimm.f32 $0.0e+00  }
.LBB2_5:
0x13d: {  	v39 =	vadd.f32 v13, v39;
	v13 =	vld.idx.msk [tilespmem:v6+s18+$0x0], $0xffff  }
0x13e: {  	v6 =	vld [tilespmem:$0x1FE40];
	_ =	sdelay $0x2  }
0x13f: {  	v0 =	vbroadcast v0, $0x0;
	_ =	sdelay $0x1  }
0x140: {  	v15 =	vor.u32 v6, v0;
	v6 =	vld [tilespmem:$0x1FE60];
	_ =	sdelay $0x3  }
0x141: {  	v28 =	vadd.f32 v14, v28;
	v14 =	vld.idx.msk [tilespmem:v44+s18+$0x0], $0xffff;
	v19 =	vor.u32 v27, v0  }
0x142: {  	v18 =	vor.u32 v6, v0;
	v6 =	vld [tilespmem:$0x1FC20]  }
0x143: {  	v46 =	vor.u32 v17, v0  }
0x144: {  	v12 =	vmul.f32 v12, v34  }
0x145: {  	v44 =	vld [tilespmem:$0x1FBD0];
	v21 =	vor.u32 v22, v0;
	v47 =	vor.u32 v47, v0  }
0x146: {  	v24 =	vadd.f32 v12, v24;
	v12 =	vmul.f32 v13, v34;
	v13 =	vmul.f32 v14, v34;
	v14 =	vld.idx.msk [tilespmem:v19+s18+$0x0], $0xffff  }
0x147: {  	v56 =	vor.u32 v6, v0;
	v6 =	vld [tilespmem:$0x1FC30]  }
0x148: {  	v2 =	vadd.f32 v12, v2;
	v12 =	vld.idx.msk [tilespmem:v46+s18+$0x0], $0xffff  }
0x149: {  	v46 =	vld [tilespmem:$0x1FC20]  }
0x14a: {  	v21 =	vld.idx.msk [tilespmem:v21+s18+$0x0], $0xffff  }
0x14b: {  	v30 =	vmov v48;
	v16 =	vor.u32 v25, v0;
	v1 =	vadd.f32 v13, v1;
	v13 =	vld.idx.msk [tilespmem:v47+s18+$0x0], $0xffff  }
0x14c: {  	v63 =	vmovc v57;
	v45 =	vor.u32 v23, v0;
	v48 =	vor.u32 v48, v0;
	v58 =	vor.u32 v6, v0;
	v6 =	vld [tilespmem:$0x1FBC0]  }
0x14d: {  	v57 =	vor.u32 v57, v0;
	v50 =	vor.u32 v51, v0;
	v51 =	vor.u32 v53, v0;
	v53 =	vld.idx.msk [tilespmem:v15+s15+$0x0], $0xffff  }
0x14e: {  	v11 =	vmul.f32 v11, v34;
	v22 =	vor.u32 v29, v0;
	v49 =	vor.u32 v49, v0;
	v15 =	vld.idx.msk [tilespmem:v15+s16+$0x0], $0xffff  }
0x14f: {  	v52 =	vor.u32 v52, v0;
	v54 =	vor.u32 v54, v0;
	v55 =	vor.u32 v55, v0;
	v47 =	vld [tilespmem:$0x1FBE0]  }
0x150: {  	v10 =	vmul.f32 v10, v34;
	v44 =	vor.u32 v44, v0;
	v26 =	vadd.f32 v11, v26;
	v11 =	vld.idx.msk [tilespmem:v18+s18+$0x0], $0xffff  }
0x151: {  	v6 =	vor.u32 v6, v0;
	v0 =	vmul.f32 v7, v34;
	v7 =	vmul.f32 v8, v34;
	v8 =	vld.idx.msk [tilespmem:v16+s18+$0x0], $0xffff  }
0x152: {  	v9 =	vmul.f32 v9, v34;
	v34 =	vmov v53;
	v53 =	vld [tilespmem:$0x1FBF0]  }
0x153: {  	v4 =	vadd.f32 v10, v4;
	v10 =	vmul.f32 v15, v34;
	v15 =	vld.idx.msk [tilespmem:v51+s18+$0x0], $0xffff  }
0x154: {  	v51 =	vld [tilespmem:$0x1FC40]  }
0x155: {  	v20 =	vadd.f32 v0, v20;
	v0 =	vld.idx.msk [tilespmem:v22+s18+$0x0], $0xffff  }
0x156: {  	v22 =	vld [tilespmem:$0x1FC70]  }
0x157: {  	v3 =	vadd.f32 v9, v3;
	v9 =	vmul.f32 v21, v34;
	v5 =	vadd.f32 v7, v5;
	v7 =	vld.idx.msk [tilespmem:v45+s18+$0x0], $0xffff  }
0x158: {  	v43 =	vadd.f32 v10, v43;
	v10 =	vld.idx.msk [tilespmem:v48+s18+$0x0], $0xffff  }
0x159: {  	v31 =	vadd.f32 v9, v31;
	v9 =	vmul.f32 v11, v34;
	v11 =	vld.idx.msk [tilespmem:v52+s18+$0x0], $0xffff  }
0x15a: {  	v52 =	vld [tilespmem:$0x1FC50]  }
0x15b: {  	v8 =	vmul.f32 v8, v34;
	v41 =	vadd.f32 v9, v41;
	v9 =	vld.idx.msk [tilespmem:v50+s18+$0x0], $0xffff  }
0x15c: {  	v50 =	vld [tilespmem:$0x1FC30]  }
0x15d: {  	v40 =	vadd.f32 v8, v40;
	v8 =	vmul.f32 v14, v34;
	v14 =	vld.idx.msk [tilespmem:v49+s18+$0x0], $0xffff;
	v0 =	vmul.f32 v0, v34  }
0x15e: {  	v49 =	vld [tilespmem:$0x1FC10];
	v7 =	vmul.f32 v7, v34  }
0x15f: {  	v36 =	vadd.f32 v0, v36;
	v0 =	vmul.f32 v12, v34;
	v12 =	vld.idx.msk [tilespmem:v54+s18+$0x0], $0xffff  }
0x160: {  	p0 =	sne.s32 s13, $0x3F;
	v37 =	vadd.f32 v7, v37;
	v7 =	vld.idx.msk [tilespmem:v55+s18+$0x0], $0xffff  }
.Ltmp1:
0x161: {  	v42 =	vadd.f32 v8, v42;
	v55 =	vld [tilespmem:$0x1FC60];
	(pc) =	sbr.rel @p0 .LBB2_5-.Ltmp1, $4  }
0x162: {  	v8 =	vmul.f32 v13, v34;
	v54 =	vld [tilespmem:$0x1FC00];
	v38 =	vadd.f32 v0, v38;
	v0 =	vmul.f32 v10, v34  }
0x163: {  	v13 =	vmul.f32 v9, v34;
	v9 =	vld.idx.msk [tilespmem:v57+s18+$0x0], $0xffff;
	v10 =	vmul.f32 v14, v34  }
0x164: {  	v48 =	vmovc v30;
	v32 =	vadd.f32 v8, v32;
	v8 =	vld.idx.msk [tilespmem:v56+s18+$0x0], $0xffff;
	v14 =	vmov s13;
	v33 =	vadd.f32 v0, v33  }
0x165: {  	v57 =	vmovc v63;
	s13 =	sadd.s32 $0x1, s13;
	v0 =	vand.u32 $0x3F, v14;
	v14 =	vmul.f32 v15, v34;
	v35 =	vadd.f32 v10, v35;
	v10 =	vld.idx.msk [tilespmem:v58+s18+$0x0], $0xffff  }
0x166: {  	v15 =	vbroadcast v0, $0x0;
	v0 =	vld [tilespmem:$0x1FE40];
	_ =	sdelay $0x4  }
0x167: {  	v16 =	vor.u32 v0, v15;
	v0 =	vld [tilespmem:$0x1FE60];
	_ =	sdelay $0x2  }
0x168: {  	v18 =	vor.u32 v22, v15  }
0x169: {  	v13 =	vadd.f32 v13, v39;
	v11 =	vmul.f32 v11, v34;
	v12 =	vmul.f32 v12, v34  }
0x16a: {  	v19 =	vld.idx.msk [tilespmem:v6+s18+$0x0], $0xffff;
	v7 =	vmul.f32 v7, v34;
	v14 =	vadd.f32 v14, v28;
	v56 =	vor.u32 v0, v15  }
0x16b: {  	v21 =	vor.u32 v25, v15;
	v45 =	vor.u32 v27, v15;
	v28 =	vor.u32 v17, v15;
	v17 =	vld [tilespmem:$0x1FBC0]  }
0x16c: {  	v22 =	vld.idx.msk [tilespmem:v44+s18+$0x0], $0xffff;
	v58 =	vor.u32 v29, v15;
	v11 =	vadd.f32 v11, v26;
	v26 =	vor.u32 v47, v15  }
0x16d: {  	v12 =	vadd.f32 v12, v24;
	v24 =	vor.u32 v48, v15;
	v9 =	vmul.f32 v9, v34;
	v6 =	vld.idx.msk [tilespmem:v18+s18+$0x0], $0xffff  }
0x16e: {  	v7 =	vadd.f32 v7, v20;
	v20 =	vor.u32 v51, v15;
	v8 =	vmul.f32 v8, v34;
	v0 =	vld.idx.msk [tilespmem:v16+s15+$0x0], $0xffff  }
0x16f: {  	v10 =	vmul.f32 v10, v34;
	v3 =	vadd.f32 v9, v3;
	v18 =	vor.u32 v23, v15;
	v44 =	vld.idx.msk [tilespmem:v56+s18+$0x0], $0xffff  }
0x170: {  	v9 =	vor.u32 v52, v15;
	v19 =	vmul.f32 v19, v34;
	v52 =	vor.u32 v17, v15;
	v17 =	vld [tilespmem:$0x1FBD0]  }
0x171: {  	v51 =	vor.u32 v50, v15;
	v5 =	vadd.f32 v8, v5;
	v22 =	vmul.f32 v22, v34;
	v39 =	vld.idx.msk [tilespmem:v58+s18+$0x0], $0xffff  }
0x172: {  	v4 =	vadd.f32 v10, v4;
	v10 =	vor.u32 v54, v15;
	v2 =	vadd.f32 v19, v2;
	v19 =	vld.idx.msk [tilespmem:v26+s18+$0x0], $0xffff  }
0x173: {  	v26 =	vor.u32 v55, v15;
	v58 =	vor.u32 v57, v15;
	v1 =	vadd.f32 v22, v1;
	v22 =	vld.idx.msk [tilespmem:v24+s18+$0x0], $0xffff  }
0x174: {  	s13 =	sor.u32 $0x10, s12;
	v24 =	vor.u32 v46, v15;
	v8 =	vld.idx.msk [tilespmem:v18+s18+$0x0], $0xffff;
	v18 =	vor.u32 v53, v15;
	v44 =	vmul.f32 v44, v0  }
0x175: {  	v56 =	vor.u32 v49, v15;
	v49 =	vmov s13;
	v15 =	vor.u32 v17, v15;
	v17 =	vld [tilespmem:$0x1FE20]  }
0x176: {  	v48 =	vadd.f32 v44, v41;
	v41 =	vmul.u32 $0x14, v49;
	_ =	sdelay $0x1  }
0x177: {  	v41 =	vbroadcast v41, $0x0;
	_ =	sdelay $0x1  }
0x178: {  	v54 =	vadd.s32 v17, v41;
	v17 =	vld [tilespmem:$0x1FC80];
	_ =	sdelay $0x2  }
0x179: {  	v21 =	vld.idx.msk [tilespmem:v21+s18+$0x0], $0xffff  }
0x17a: {  	v34 =	vld.idx.msk [tilespmem:v56+s18+$0x0], $0xffff  }
0x17b: {  	v56 =	vadd.s32 v17, v41;
	v17 =	vld [tilespmem:$0x1FCA0]  }
0x17c: {  	v45 =	vld.idx.msk [tilespmem:v45+s18+$0x0], $0xffff  }
0x17d: {  	v28 =	vld.idx.msk [tilespmem:v28+s18+$0x0], $0xffff  }
0x17e: {  	v20 =	vld.idx.msk [tilespmem:v20+s18+$0x0], $0xffff  }
0x17f: {  	v53 =	vld.idx.msk [tilespmem:v58+s18+$0x0], $0xffff  }
0x180: {  	v58 =	vadd.s32 v17, v41;
	v17 =	vld [tilespmem:$0x1FCC0]  }
0x181: {  	v55 =	vld.idx.msk [tilespmem:v51+s18+$0x0], $0xffff  }
0x182: {  	v9 =	vld.idx.msk [tilespmem:v9+s18+$0x0], $0xffff  }
0x183: {  	v16 =	vld.idx.msk [tilespmem:v16+s16+$0x0], $0xffff  }
0x184: {  	v10 =	vld.idx.msk [tilespmem:v10+s18+$0x0], $0xffff  }
0x185: {  	v46 =	vadd.s32 v17, v41;
	v17 =	vld [tilespmem:$0x1FD10]  }
0x186: {  	v26 =	vld.idx.msk [tilespmem:v26+s18+$0x0], $0xffff  }
0x187: {  	v57 =	vld.idx.msk [tilespmem:v52+s18+$0x0], $0xffff  }
0x188: {  	v16 =	vmul.f32 v16, v0;
	v20 =	vmul.f32 v20, v0;
	v18 =	vld.idx.msk [tilespmem:v18+s18+$0x0], $0xffff  }
0x189: {  	v24 =	vld.idx.msk [tilespmem:v24+s18+$0x0], $0xffff  }
0x18a: {  	v16 =	vadd.f32 v16, v43;
	v13 =	vadd.f32 v20, v13;
	v20 =	vadd.s32 v17, v41;
	v17 =	vld [tilespmem:$0x1FD30]  }
0x18b: {  	v15 =	vld.idx.msk [tilespmem:v15+s18+$0x0], $0xffff  }
0x18c: {  	[tilespmem:s12+$0x18C10] =	vst v16;
	v16 =	vld [tilespmem:$0x1FCF0]  }
0x18d: {  	v18 =	vmul.f32 v18, v0  }
0x18e: {  	v21 =	vmul.f32 v21, v0  }
0x18f: {  	v14 =	vadd.f32 v18, v14;
	v18 =	vadd.s32 v17, v41;
	v17 =	vld [tilespmem:$0x1FD50]  }
0x190: {  	v45 =	vmul.f32 v45, v0;
	v21 =	vadd.f32 v21, v40  }
0x191: {  	v39 =	vmul.f32 v39, v0;
	v16 =	vadd.s32 v16, v41  }
0x192: {  	v42 =	vadd.f32 v45, v42;
	v8 =	vmul.f32 v8, v0;
	[tilespmem:v54+s21+$0x0] =	vst.idx.msk $0xffff, v21  }
0x193: {  	v36 =	vadd.f32 v39, v36;
	[tilespmem:v56+s21+$0x0] =	vst.idx.msk $0xffff, v48  }
0x194: {  	v8 =	vadd.f32 v8, v37;
	[tilespmem:v58+s21+$0x0] =	vst.idx.msk $0xffff, v42;
	v21 =	vadd.s32 v17, v41;
	v17 =	vld [tilespmem:$0x1FD70]  }
0x195: {  	[tilespmem:v46+s21+$0x0] =	vst.idx.msk $0xffff, v36  }
0x196: {  	[tilespmem:v16+s21+$0x0] =	vst.idx.msk $0xffff, v8;
	v8 =	vld [tilespmem:$0x1FD80];
	_ =	sdelay $0x1  }
0x197: {  	v28 =	vmul.f32 v28, v0  }
0x198: {  	v19 =	vmul.f32 v19, v0;
	v47 =	vadd.s32 v17, v41;
	v17 =	vld [tilespmem:$0x1FDA0]  }
0x199: {  	v22 =	vmul.f32 v22, v0;
	v9 =	vmul.f32 v9, v0;
	v28 =	vadd.f32 v28, v38  }
0x19a: {  	v19 =	vadd.f32 v19, v32;
	v34 =	vmul.f32 v34, v0;
	v8 =	vadd.s32 v8, v41  }
0x19b: {  	v22 =	vadd.f32 v22, v33;
	v9 =	vadd.f32 v9, v11;
	v11 =	vld [tilespmem:$0x1FD90];
	[tilespmem:v20+s21+$0x0] =	vst.idx.msk $0xffff, v28  }
0x19c: {  	v10 =	vmul.f32 v10, v0;
	v45 =	vadd.f32 v34, v35;
	[tilespmem:v18+s21+$0x0] =	vst.idx.msk $0xffff, v19  }
0x19d: {  	[tilespmem:v21+s21+$0x0] =	vst.idx.msk $0xffff, v22;
	v18 =	vadd.s32 v17, v41;
	v17 =	vld [tilespmem:$0x1FDB0]  }
0x19e: {  	v10 =	vadd.f32 v10, v12;
	v12 =	vld [tilespmem:$0x1FDC0];
	[tilespmem:v47+s21+$0x0] =	vst.idx.msk $0xffff, v45  }
0x19f: {  	[tilespmem:v8+s21+$0x0] =	vst.idx.msk $0xffff, v13;
	v8 =	vld [tilespmem:$0x1FDD0]  }
0x1a0: {  	v11 =	vadd.s32 v11, v41;
	_ =	sdelay $0x1  }
0x1a1: {  	v20 =	vadd.s32 v17, v41  }
0x1a2: {  	v12 =	vadd.s32 v12, v41  }
0x1a3: {  	v26 =	vmul.f32 v26, v0;
	v8 =	vadd.s32 v8, v41  }
0x1a4: {  	v24 =	vmul.f32 v24, v0;
	[tilespmem:v11+s21+$0x0] =	vst.idx.msk $0xffff, v14;
	v11 =	vld [tilespmem:$0x1FDE0]  }
0x1a5: {  	v7 =	vadd.f32 v26, v7;
	[tilespmem:v18+s21+$0x0] =	vst.idx.msk $0xffff, v9;
	v9 =	vld [tilespmem:$0x1FDF0]  }
0x1a6: {  	v5 =	vadd.f32 v24, v5;
	[tilespmem:v20+s21+$0x0] =	vst.idx.msk $0xffff, v10;
	v10 =	vld [tilespmem:$0x1FE00]  }
0x1a7: {  	[tilespmem:v12+s21+$0x0] =	vst.idx.msk $0xffff, v7;
	v7 =	vld [tilespmem:$0x1FE10]  }
0x1a8: {  	[tilespmem:v8+s21+$0x0] =	vst.idx.msk $0xffff, v5;
	v5 =	vld [tilespmem:$0x1FE30]  }
0x1a9: {  	v11 =	vadd.s32 v11, v41  }
0x1aa: {  	v16 =	vmul.f32 v53, v0;
	v9 =	vadd.s32 v9, v41  }
0x1ab: {  	v19 =	vmul.f32 v55, v0;
	v10 =	vadd.s32 v10, v41  }
0x1ac: {  	v3 =	vadd.f32 v16, v3;
	v21 =	vmul.f32 v57, v0;
	v7 =	vadd.s32 v7, v41  }
0x1ad: {  	v4 =	vadd.f32 v19, v4;
	v13 =	vmul.f32 v15, v0;
	v5 =	vadd.s32 v5, v41  }
0x1ae: {  	v2 =	vadd.f32 v21, v2;
	v0 =	vmul.f32 v6, v0;
	[tilespmem:v11+s21+$0x0] =	vst.idx.msk $0xffff, v3  }
0x1af: {  	v1 =	vadd.f32 v13, v1;
	[tilespmem:v9+s21+$0x0] =	vst.idx.msk $0xffff, v4  }
0x1b0: {  	p0 =	seq.s32 s25, $0x7;
	v0 =	vadd.f32 v0, v31;
	[tilespmem:v10+s21+$0x0] =	vst.idx.msk $0xffff, v2  }
0x1b1: {  	s12 =	sadd.s32 @!p0 $0x2, s23;
	[tilespmem:v7+s21+$0x0] =	vst.idx.msk $0xffff, v1  }
0x1b2: {  	s5 =	simm.s32 @!p0 $0x2C00;
	s23 =	simm.s32 @!p0 $0x20;
	s13 =	sshll.u32 @!p0 s12, $0x5;
	[tilespmem:v5+s21+$0x0] =	vst.idx.msk $0xffff, v0  }
0x1b3: {  	[tilespmem:s5], [sflag:$0x1] =	stream.indirect.gather @!p0 [hbm4b:s3+s23], $0x40, s13, s23, $0xb8;
	[tilespmem:$0x1B600] =	vst v63  }
0x1b4: {  	s12 =	smul.u32 @!p0 $0xA00, s12;
	s5 =	sadd.s32 @!p0 $0x200, s13;
	s13 =	simm.s32 @!p0 $0x3400  }
0x1b5: {  	[tilespmem:s13], [sflag:$0x1] =	stream.indirect.gather @!p0 [hbm4b:s4+s23], $0x40, s5, s23, $0xb8;
	[tilespmem:$0x1B600] =	vst v63  }
0x1b6: {  	s5 =	sshra.s32 @!p0 s12, $0x2  }
0x1b7: {  	s13 =	simm.s32 @!p0 $0x80;
	s23 =	simm.s32 @!p0 $0x3C00;
	s12 =	sadd.s32 @!p0 $0x400, s5  }
0x1b8: {  	[tilespmem:s23], [sflag:$0x1] =	stream.indirect.gather @!p0 [hbm4b:s4+s13], $0x40, s12, s13, $0xb8;
	[tilespmem:$0x1B600] =	vst v63  }
0x1b9: {  	s12 =	sadd.s32 @!p0 $0x480, s5;
	s23 =	simm.s32 @!p0 $0x5C00  }
0x1ba: {  	[tilespmem:s23], [sflag:$0x1] =	stream.indirect.gather @!p0 [hbm4b:s4+s13], $0x40, s12, s13, $0xb8;
	[tilespmem:$0x1B600] =	vst v63  }
0x1bb: {  	s12 =	sadd.s32 @!p0 $0x500, s5;
	s23 =	simm.s32 @!p0 $0x7C00  }
0x1bc: {  	[tilespmem:s23], [sflag:$0x1] =	stream.indirect.gather @!p0 [hbm4b:s4+s13], $0x40, s12, s13, $0xb8;
	[tilespmem:$0x1B600] =	vst v63  }
0x1bd: {  	s12 =	sadd.s32 @!p0 $0x580, s5;
	s23 =	simm.s32 @!p0 $0x9C00  }
0x1be: {  	[tilespmem:s23], [sflag:$0x1] =	stream.indirect.gather @!p0 [hbm4b:s4+s13], $0x40, s12, s13, $0xb8;
	[tilespmem:$0x1B600] =	vst v63  }
0x1bf: {  	s5 =	sadd.s32 @!p0 $0x600, s5;
	s12 =	simm.s32 @!p0 $0xBC00  }
0x1c0: {  	[tilespmem:s12], [sflag:$0x1] =	stream.indirect.gather @!p0 [hbm4b:s4+s13], $0x40, s5, s13, $0xb8;
	[tilespmem:$0x1B600] =	vst v63  }
0x1c1: {  	_ =	swait.ge [sflag:s22], $0x800  }
0x1c2: {  	[sflag:s22] =	ssyncset.done $0x0  }
0x1c3: {  	[sflag:s22] =	ssyncadd.s32 $0xFFFFF800  }
0x1c4: {  	_ =	swait.ge [sflag:s22], $0x800  }
0x1c5: {  	[sflag:s22] =	ssyncset.done $0x0  }
0x1c6: {  	[sflag:s22] =	ssyncadd.s32 $0xFFFFF800  }
0x1c7: {  	_ =	swait.ge [sflag:s22], $0x2000  }
0x1c8: {  	[sflag:s22] =	ssyncset.done $0x0  }
0x1c9: {  	[sflag:s22] =	ssyncadd.s32 $0xFFFFE000  }
0x1ca: {  	_ =	swait.ge [sflag:s22], $0x2000  }
0x1cb: {  	[sflag:s22] =	ssyncset.done $0x0  }
0x1cc: {  	[sflag:s22] =	ssyncadd.s32 $0xFFFFE000  }
0x1cd: {  	_ =	swait.ge [sflag:s22], $0x2000  }
0x1ce: {  	[sflag:s22] =	ssyncset.done $0x0  }
0x1cf: {  	[sflag:s22] =	ssyncadd.s32 $0xFFFFE000  }
0x1d0: {  	_ =	swait.ge [sflag:s22], $0x2000  }
0x1d1: {  	[sflag:s22] =	ssyncset.done $0x0  }
0x1d2: {  	v25 =	vld [tilespmem:$0x1FEC0];
	[sflag:s22] =	ssyncadd.s32 $0xFFFFE000  }
0x1d3: {  	v56 =	vld [tilespmem:$0x1FFF0];
	_ =	swait.ge [sflag:s22], $0x2000  }
0x1d4: {  	v27 =	vld [tilespmem:$0x1FEB0]  }
0x1d5: {  	v23 =	vld [tilespmem:$0x1FED0]  }
0x1d6: {  	v48 =	vld [tilespmem:$0x1FEE0]  }
0x1d7: {  	v49 =	vld [tilespmem:$0x1FEF0]  }
0x1d8: {  	v50 =	vld [tilespmem:$0x1FF00]  }
0x1d9: {  	s12 =	simm.s32 $0x0;
	v17 =	vld [tilespmem:$0x1FF50]  }
0x1da: {  	v0 =	vmov s12;
	v44 =	vld [tilespmem:$0x1FF60]  }
0x1db: {  	v0 =	vand.u32 $0x3F, v0;
	v43 =	vld [tilespmem:$0x1FF70]  }
0x1dc: {  	v0 =	vbroadcast v0, $0x0;
	v34 =	vld [tilespmem:$0x1FF80]  }
0x1dd: {  	v46 =	vld [tilespmem:$0x1FF90]  }
0x1de: {  	v9 =	vor.u32 v59, v0;
	v45 =	vld [tilespmem:$0x1FFA0]  }
0x1df: {  	v10 =	vor.u32 v60, v0;
	v53 =	vld [tilespmem:$0x1FFB0]  }
0x1e0: {  	v11 =	vor.u32 v61, v0;
	v58 =	vld [tilespmem:$0x1FFC0]  }
0x1e1: {  	v12 =	vor.u32 v62, v0;
	[sflag:s22] =	ssyncset.done $0x0;
	v42 =	vld [tilespmem:$0x1FFD0]  }
0x1e2: {  	v57 =	vld [tilespmem:$0x1FFE0];
	[sflag:s22] =	ssyncadd.s32 $0xFFFFE000;
	v1 =	vor.u32 v25, v0  }
0x1e3: {  	v2 =	vor.u32 v56, v0;
	v9 =	vld.idx.msk [tilespmem:v9+s30+$0x0], $0xffff  }
0x1e4: {  	v10 =	vld.idx.msk [tilespmem:v10+s30+$0x0], $0xffff  }
0x1e5: {  	v11 =	vld.idx.msk [tilespmem:v11+s30+$0x0], $0xffff;
	v3 =	vor.u32 v27, v0  }
0x1e6: {  	v12 =	vld.idx.msk [tilespmem:v12+s30+$0x0], $0xffff;
	v4 =	vor.u32 v23, v0  }
0x1e7: {  	v5 =	vor.u32 v48, v0;
	v6 =	vld.idx.msk [tilespmem:v1+s28+$0x0], $0xffff  }
0x1e8: {  	v7 =	vor.u32 v49, v0;
	v2 =	vld.idx.msk [tilespmem:v2+s30+$0x0], $0xffff  }
0x1e9: {  	s13 =	simm.s32 $0x1;
	v8 =	vor.u32 v50, v0;
	v1 =	vld.idx.msk [tilespmem:v1+s29+$0x0], $0xffff  }
0x1ea: {  	v24 =	vmov s13;
	v13 =	vor.u32 v17, v0;
	v3 =	vld.idx.msk [tilespmem:v3+s30+$0x0], $0xffff  }
0x1eb: {  	v24 =	vand.u32 $0x3F, v24;
	v14 =	vor.u32 v44, v0;
	v4 =	vld.idx.msk [tilespmem:v4+s30+$0x0], $0xffff  }
0x1ec: {  	v24 =	vbroadcast v24, $0x0;
	v15 =	vor.u32 v43, v0;
	v5 =	vld.idx.msk [tilespmem:v5+s30+$0x0], $0xffff  }
0x1ed: {  	v16 =	vor.u32 v34, v0;
	v7 =	vld.idx.msk [tilespmem:v7+s30+$0x0], $0xffff  }
0x1ee: {  	v39 =	vor.u32 v59, v24;
	v31 =	vor.u32 v25, v24;
	v8 =	vld.idx.msk [tilespmem:v8+s30+$0x0], $0xffff  }
0x1ef: {  	v40 =	vor.u32 v60, v24;
	v47 =	vor.u32 v61, v24;
	v55 =	vor.u32 v56, v24;
	v13 =	vld.idx.msk [tilespmem:v13+s30+$0x0], $0xffff  }
0x1f0: {  	v18 =	vor.u32 v46, v0;
	v19 =	vor.u32 v45, v0;
	v20 =	vor.u32 v53, v0;
	v14 =	vld.idx.msk [tilespmem:v14+s30+$0x0], $0xffff  }
0x1f1: {  	v21 =	vor.u32 v58, v0;
	v22 =	vor.u32 v42, v0;
	v0 =	vor.u32 v57, v0;
	v15 =	vld.idx.msk [tilespmem:v15+s30+$0x0], $0xffff  }
0x1f2: {  	v32 =	vimm.f32 $0.0e+00;
	v25 =	vmovc v27;
	v29 =	vmovc v48;
	v16 =	vld.idx.msk [tilespmem:v16+s30+$0x0], $0xffff;
	v2 =	vmul.f32 v2, v6;
	v1 =	vmul.f32 v1, v6  }
0x1f3: {  	v35 =	vor.u32 v49, v24;
	v36 =	vld.idx.msk [tilespmem:v31+s28+$0x0], $0xffff;
	v12 =	vmul.f32 v12, v6;
	v3 =	vmul.f32 v3, v6  }
0x1f4: {  	v38 =	vor.u32 v50, v24;
	v33 =	vld.idx.msk [tilespmem:v55+s30+$0x0], $0xffff;
	v4 =	vmul.f32 v4, v6;
	v5 =	vmul.f32 v5, v6  }
0x1f5: {  	v52 =	vor.u32 v44, v24;
	v18 =	vld.idx.msk [tilespmem:v18+s30+$0x0], $0xffff;
	v7 =	vmul.f32 v7, v6;
	v8 =	vmul.f32 v8, v6  }
0x1f6: {  	v19 =	vld.idx.msk [tilespmem:v19+s30+$0x0], $0xffff;
	v2 =	vadd.f32 v2, v32;
	v13 =	vmul.f32 v13, v6;
	v14 =	vmul.f32 v14, v6  }
0x1f7: {  	v20 =	vld.idx.msk [tilespmem:v20+s30+$0x0], $0xffff;
	v1 =	vadd.f32 v1, v32;
	v15 =	vmul.f32 v15, v6;
	v16 =	vmul.f32 v16, v6  }
0x1f8: {  	v37 =	vadd.f32 v5, v32;
	v5 =	vmul.f32 v9, v6;
	v9 =	vld.idx.msk [tilespmem:v21+s30+$0x0], $0xffff;
	v21 =	vadd.f32 v7, v32  }
0x1f9: {  	v31 =	vld.idx.msk [tilespmem:v31+s29+$0x0], $0xffff;
	v7 =	vmul.f32 v10, v6;
	v10 =	vmul.f32 v11, v6;
	v11 =	vor.u32 v23, v24  }
0x1fa: {  	v18 =	vmul.f32 v18, v6;
	v26 =	vadd.f32 v8, v32;
	v8 =	vld.idx.msk [tilespmem:v22+s30+$0x0], $0xffff;
	v22 =	vor.u32 v48, v24  }
0x1fb: {  	v0 =	vld.idx.msk [tilespmem:v0+s30+$0x0], $0xffff;
	v19 =	vmul.f32 v19, v6;
	v28 =	vadd.f32 v5, v32;
	v5 =	vor.u32 v27, v24  }
0x1fc: {  	v55 =	vld.idx.msk [tilespmem:v38+s30+$0x0], $0xffff;
	v50 =	vmul.f32 v20, v6;
	v3 =	vadd.f32 v3, v32;
	v4 =	vadd.f32 v4, v32  }
0x1fd: {  	v48 =	vor.u32 v62, v24;
	v44 =	vadd.f32 v13, v32;
	v13 =	vld.idx.msk [tilespmem:v39+s30+$0x0], $0xffff;
	v39 =	vadd.f32 v18, v32  }
0x1fe: {  	v38 =	vadd.f32 v50, v32;
	v27 =	vmovc v23;
	v23 =	vmov v49;
	v49 =	vor.u32 v17, v24;
	v11 =	vld.idx.msk [tilespmem:v11+s30+$0x0], $0xffff  }
0x1ff: {  	v17 =	vor.u32 v43, v24;
	v51 =	vmul.f32 v9, v6;
	v20 =	vld.idx.msk [tilespmem:v22+s30+$0x0], $0xffff;
	v22 =	vmul.f32 v8, v6  }
0x200: {  	v43 =	vadd.f32 v10, v32;
	v9 =	vmul.f32 v0, v6;
	v6 =	vmul.f32 v31, v36;
	v41 =	vld.idx.msk [tilespmem:v5+s30+$0x0], $0xffff  }
0x201: {  	v54 =	vld.idx.msk [tilespmem:v35+s30+$0x0], $0xffff;
	v0 =	vor.u32 v34, v24;
	v8 =	vor.u32 v46, v24;
	v5 =	vmul.f32 v33, v36  }
0x202: {  	v46 =	vadd.f32 v7, v32;
	v7 =	vor.u32 v53, v24;
	v10 =	vld.idx.msk [tilespmem:v48+s30+$0x0], $0xffff;
	v48 =	vmul.f32 v13, v36  }
0x203: {  	v34 =	vadd.f32 v6, v1;
	v31 =	vadd.f32 v5, v2;
	v5 =	vor.u32 v45, v24  }
0x204: {  	s23 =	simm.s32 $0x2;
	v2 =	vadd.f32 v12, v32;
	v45 =	vadd.f32 v14, v32;
	v6 =	vmul.f32 v11, v36  }
0x205: {  	v1 =	vmul.f32 v41, v36;
	v41 =	vadd.f32 v16, v32;
	v16 =	vmov s23  }
0x206: {  	v14 =	vld.idx.msk [tilespmem:v40+s30+$0x0], $0xffff;
	v40 =	vadd.f32 v19, v32;
	v12 =	vmul.f32 v54, v36;
	v16 =	vand.u32 $0x3F, v16  }
0x207: {  	v13 =	vld.idx.msk [tilespmem:v17+s30+$0x0], $0xffff;
	v35 =	vadd.f32 v1, v3;
	v1 =	vmul.f32 v20, v36;
	v20 =	vadd.f32 v6, v4  }
0x208: {  	v11 =	vld.idx.msk [tilespmem:v49+s30+$0x0], $0xffff;
	v6 =	vor.u32 v58, v24;
	v3 =	vor.u32 v42, v24;
	v42 =	vadd.f32 v15, v32  }
0x209: {  	v15 =	vld.idx.msk [tilespmem:v47+s30+$0x0], $0xffff;
	v4 =	vor.u32 v57, v24;
	v24 =	vadd.f32 v12, v21;
	v33 =	vadd.f32 v1, v37  }
0x20a: {  	s12 =	simm.s32 $0x3;
	v12 =	vld.idx.msk [tilespmem:v52+s30+$0x0], $0xffff;
	v47 =	vmul.f32 v55, v36;
	v37 =	vadd.f32 v51, v32;
	v1 =	vadd.f32 v22, v32  }
.LBB2_7:
0x20b: {  	v18 =	vld.idx.msk [tilespmem:v0+s30+$0x0], $0xffff  }
0x20c: {  	v0 =	vld [tilespmem:$0x1FEC0];
	_ =	sdelay $0x2  }
0x20d: {  	v16 =	vbroadcast v16, $0x0;
	v17 =	vld.idx.msk [tilespmem:v3+s30+$0x0], $0xffff  }
0x20e: {  	v3 =	vld [tilespmem:$0x1FF90]  }
0x20f: {  	v32 =	vadd.f32 v9, v32;
	v9 =	vor.u32 v0, v16;
	v0 =	vld [tilespmem:$0x1FF00];
	_ =	sdelay $0x2  }
0x210: {  	v19 =	vld.idx.msk [tilespmem:v8+s30+$0x0], $0xffff  }
0x211: {  	v8 =	vor.u32 v3, v16;
	v3 =	vld [tilespmem:$0x1FFA0]  }
0x212: {  	v52 =	vor.u32 v0, v16;
	v0 =	vld [tilespmem:$0x1FF50];
	_ =	sdelay $0x2  }
0x213: {  	v26 =	vadd.f32 v47, v26;
	v47 =	vld.idx.msk [tilespmem:v5+s30+$0x0], $0xffff  }
0x214: {  	v5 =	vor.u32 v3, v16;
	v3 =	vld [tilespmem:$0x1FFB0]  }
0x215: {  	v58 =	vor.u32 v0, v16;
	v0 =	vld [tilespmem:$0x1FF60]  }
0x216: {  	v51 =	vld.idx.msk [tilespmem:v7+s30+$0x0], $0xffff  }
0x217: {  	v55 =	vld.idx.msk [tilespmem:v6+s30+$0x0], $0xffff;
	v28 =	vadd.f32 v48, v28;
	v22 =	vor.u32 v27, v16  }
0x218: {  	v48 =	vor.u32 v29, v16;
	v50 =	vor.u32 v56, v16;
	v56 =	vor.u32 v61, v16;
	v61 =	vld.idx.msk [tilespmem:v4+s30+$0x0], $0xffff  }
0x219: {  	v7 =	vor.u32 v3, v16;
	v3 =	vld [tilespmem:$0x1FFC0]  }
0x21a: {  	v15 =	vmul.f32 v15, v36;
	v53 =	vor.u32 v59, v16;
	v59 =	vor.u32 v0, v16;
	v0 =	vld [tilespmem:$0x1FF70]  }
0x21b: {  	v49 =	vor.u32 v23, v16;
	v14 =	vmul.f32 v14, v36;
	v4 =	vld [tilespmem:$0x1FFE0]  }
0x21c: {  	v54 =	vor.u32 v60, v16;
	v43 =	vadd.f32 v15, v43;
	v15 =	vld.idx.msk [tilespmem:v22+s30+$0x0], $0xffff  }
0x21d: {  	v46 =	vadd.f32 v14, v46;
	v14 =	vmul.f32 v18, v36;
	v18 =	vmul.f32 v19, v36;
	v19 =	vld.idx.msk [tilespmem:v48+s30+$0x0], $0xffff  }
0x21e: {  	v6 =	vor.u32 v3, v16;
	v3 =	vld [tilespmem:$0x1FFD0]  }
0x21f: {  	v60 =	vor.u32 v0, v16;
	v0 =	vld [tilespmem:$0x1FF80]  }
0x220: {  	v22 =	vld.idx.msk [tilespmem:v49+s30+$0x0], $0xffff  }
0x221: {  	v53 =	vld.idx.msk [tilespmem:v53+s30+$0x0], $0xffff  }
0x222: {  	v21 =	vor.u32 v25, v16;
	v41 =	vadd.f32 v14, v41;
	v14 =	vld.idx.msk [tilespmem:v54+s30+$0x0], $0xffff  }
0x223: {  	v57 =	vor.u32 v62, v16;
	v12 =	vmul.f32 v12, v36;
	v62 =	vld.idx.msk [tilespmem:v9+s28+$0x0], $0xffff  }
0x224: {  	v4 =	vor.u32 v4, v16;
	v3 =	vor.u32 v3, v16;
	v0 =	vor.u32 v0, v16;
	v16 =	vld.idx.msk [tilespmem:v50+s30+$0x0], $0xffff  }
0x225: {  	v50 =	vld.idx.msk [tilespmem:v9+s29+$0x0], $0xffff  }
0x226: {  	v13 =	vmul.f32 v13, v36;
	v45 =	vadd.f32 v12, v45;
	v12 =	vmul.f32 v55, v36;
	v52 =	vld.idx.msk [tilespmem:v52+s30+$0x0], $0xffff  }
0x227: {  	v9 =	vmul.f32 v10, v36;
	v10 =	vmul.f32 v11, v36;
	v11 =	vld.idx.msk [tilespmem:v21+s30+$0x0], $0xffff  }
0x228: {  	v17 =	vmul.f32 v17, v36;
	v37 =	vadd.f32 v12, v37;
	v12 =	vld.idx.msk [tilespmem:v59+s30+$0x0], $0xffff  }
0x229: {  	v42 =	vadd.f32 v13, v42;
	v59 =	vld [tilespmem:$0x1FF10];
	v44 =	vadd.f32 v10, v44;
	v10 =	vmul.f32 v47, v36  }
0x22a: {  	v2 =	vadd.f32 v9, v2;
	v9 =	vmul.f32 v61, v36;
	v61 =	vld [tilespmem:$0x1FF30];
	v13 =	vmul.f32 v50, v62  }
0x22b: {  	v1 =	vadd.f32 v17, v1;
	v40 =	vadd.f32 v10, v40;
	v10 =	vld.idx.msk [tilespmem:v57+s30+$0x0], $0xffff  }
0x22c: {  	p0 =	sne.s32 s12, $0x3F;
	v11 =	vmul.f32 v11, v62;
	v34 =	vadd.f32 v13, v34;
	v13 =	vmul.f32 v15, v62;
	v15 =	vld.idx.msk [tilespmem:v56+s30+$0x0], $0xffff  }
.Ltmp2:
0x22d: {  	v39 =	vadd.f32 v18, v39;
	v21 =	vmul.f32 v51, v36;
	v16 =	vmul.f32 v16, v62;
	v56 =	vld [tilespmem:$0x1FFF0];
	(pc) =	sbr.rel @p0 .LBB2_7-.Ltmp2, $4  }
0x22e: {  	v35 =	vadd.f32 v11, v35;
	v11 =	vld.idx.msk [tilespmem:v58+s30+$0x0], $0xffff;
	v20 =	vadd.f32 v13, v20;
	v13 =	vmul.f32 v22, v62  }
0x22f: {  	v47 =	vmul.f32 v52, v62;
	v36 =	vmovc v62;
	v31 =	vadd.f32 v16, v31;
	v16 =	vmul.f32 v19, v62;
	v62 =	vld [tilespmem:$0x1FF40]  }
0x230: {  	v17 =	vmov s12;
	v38 =	vadd.f32 v21, v38;
	v24 =	vadd.f32 v13, v24;
	v13 =	vld.idx.msk [tilespmem:v60+s30+$0x0], $0xffff  }
0x231: {  	s12 =	sadd.s32 $0x1, s12;
	v48 =	vmul.f32 v53, v36;
	v33 =	vadd.f32 v16, v33;
	v16 =	vand.u32 $0x3F, v17;
	v60 =	vld [tilespmem:$0x1FF20]  }
0x232: {  	_ =	sdelay $0x3  }
0x233: {  	v0 =	vld.idx.msk [tilespmem:v0+s30+$0x0], $0xffff  }
0x234: {  	v8 =	vld.idx.msk [tilespmem:v8+s30+$0x0], $0xffff  }
0x235: {  	v17 =	vld [tilespmem:$0x1FEC0]  }
0x236: {  	v5 =	vld.idx.msk [tilespmem:v5+s30+$0x0], $0xffff  }
0x237: {  	v7 =	vld.idx.msk [tilespmem:v7+s30+$0x0], $0xffff  }
0x238: {  	v16 =	vbroadcast v16, $0x0;
	v6 =	vld.idx.msk [tilespmem:v6+s30+$0x0], $0xffff  }
0x239: {  	v3 =	vld.idx.msk [tilespmem:v3+s30+$0x0], $0xffff  }
0x23a: {  	v4 =	vld.idx.msk [tilespmem:v4+s30+$0x0], $0xffff;
	v10 =	vmul.f32 v10, v36;
	v17 =	vor.u32 v17, v16  }
0x23b: {  	v54 =	vor.u32 v23, v16;
	v23 =	vld [tilespmem:$0x1FF00]  }
0x23c: {  	v2 =	vadd.f32 v10, v2;
	v10 =	vor.u32 v59, v16;
	v59 =	vld [tilespmem:$0x1FF50];
	v0 =	vmul.f32 v0, v36  }
0x23d: {  	v14 =	vmul.f32 v14, v36;
	v22 =	vor.u32 v25, v16;
	v25 =	vld [tilespmem:$0x1FFB0]  }
0x23e: {  	v41 =	vadd.f32 v0, v41;
	v0 =	vld [tilespmem:$0x1FF60]  }
0x23f: {  	v14 =	vadd.f32 v14, v46;
	v46 =	vld.idx.msk [tilespmem:v17+s28+$0x0], $0xffff  }
0x240: {  	v19 =	vadd.f32 v47, v26;
	v26 =	vor.u32 v27, v16;
	v17 =	vld.idx.msk [tilespmem:v17+s29+$0x0], $0xffff  }
0x241: {  	v12 =	vmul.f32 v12, v36;
	v27 =	vld [tilespmem:$0x1FCC0]  }
0x242: {  	v21 =	vadd.f32 v48, v28;
	v28 =	vor.u32 v29, v16;
	v29 =	vld [tilespmem:$0x1FCF0]  }
0x243: {  	v12 =	vadd.f32 v12, v45;
	v45 =	vld [tilespmem:$0x1FD00]  }
0x244: {  	v22 =	vld.idx.msk [tilespmem:v22+s30+$0x0], $0xffff  }
0x245: {  	v55 =	vor.u32 v23, v16;
	v26 =	vld.idx.msk [tilespmem:v26+s30+$0x0], $0xffff;
	v52 =	vor.u32 v0, v16;
	v0 =	vmul.f32 v17, v46  }
0x246: {  	v9 =	vadd.f32 v9, v32;
	v3 =	vmul.f32 v3, v36;
	v32 =	vld.idx.msk [tilespmem:v54+s30+$0x0], $0xffff  }
0x247: {  	v34 =	vadd.f32 v0, v34;
	v0 =	vld [tilespmem:$0x1FF80]  }
0x248: {  	v15 =	vmul.f32 v15, v36;
	v1 =	vadd.f32 v3, v1;
	v3 =	vld [tilespmem:$0x1FFC0]  }
0x249: {  	v23 =	vld [tilespmem:$0x1FFE0]  }
0x24a: {  	v18 =	vor.u32 v56, v16;
	v15 =	vadd.f32 v15, v43;
	v43 =	vld.idx.msk [tilespmem:v55+s30+$0x0], $0xffff  }
0x24b: {  	v55 =	vld [tilespmem:$0x1FF90];
	v26 =	vmul.f32 v26, v46  }
0x24c: {  	v6 =	vmul.f32 v6, v36;
	v17 =	vld [tilespmem:$0x1FF70];
	v54 =	vor.u32 v0, v16;
	v0 =	vmul.f32 v22, v46  }
0x24d: {  	v20 =	vadd.f32 v26, v20;
	v26 =	vor.u32 v25, v16;
	v25 =	vld [tilespmem:$0x1FFD0]  }
0x24e: {  	v49 =	vor.u32 v61, v16;
	v35 =	vadd.f32 v0, v35;
	v0 =	vadd.f32 v6, v37;
	v6 =	vld [tilespmem:$0x1FFA0]  }
0x24f: {  	v50 =	vor.u32 v62, v16;
	v7 =	vmul.f32 v7, v36;
	v4 =	vmul.f32 v4, v36;
	v18 =	vld.idx.msk [tilespmem:v18+s30+$0x0], $0xffff  }
0x250: {  	v13 =	vmul.f32 v13, v36;
	v48 =	vor.u32 v60, v16;
	v28 =	vld.idx.msk [tilespmem:v28+s30+$0x0], $0xffff;
	v51 =	vor.u32 v59, v16  }
0x251: {  	v10 =	vld.idx.msk [tilespmem:v10+s30+$0x0], $0xffff;
	v7 =	vadd.f32 v7, v38;
	v4 =	vadd.f32 v4, v9;
	v3 =	vor.u32 v3, v16  }
0x252: {  	v38 =	vor.u32 v55, v16;
	v17 =	vor.u32 v17, v16;
	v57 =	vor.u32 v25, v16;
	v9 =	vld.idx.msk [tilespmem:v26+s30+$0x0], $0xffff  }
0x253: {  	v26 =	vmov s26;
	v6 =	vor.u32 v6, v16;
	v16 =	vor.u32 v23, v16;
	v23 =	vld [tilespmem:$0x1FE20]  }
0x254: {  	v13 =	vadd.f32 v13, v42;
	v42 =	vld.idx.msk [tilespmem:v50+s30+$0x0], $0xffff;
	v26 =	vmul.u32 $0x14, v26  }
0x255: {  	v53 =	vld.idx.msk [tilespmem:v48+s30+$0x0], $0xffff  }
0x256: {  	v22 =	vld.idx.msk [tilespmem:v49+s30+$0x0], $0xffff;
	v26 =	vbroadcast v26, $0x0  }
0x257: {  	v5 =	vmul.f32 v5, v36;
	v25 =	vld [tilespmem:$0x1FCA0]  }
0x258: {  	v61 =	vadd.s32 v23, v26;
	v23 =	vld [tilespmem:$0x1FC80]  }
0x259: {  	v11 =	vmul.f32 v11, v36;
	v5 =	vadd.f32 v5, v40;
	v40 =	vld.idx.msk [tilespmem:v54+s30+$0x0], $0xffff  }
0x25a: {  	v8 =	vmul.f32 v8, v36;
	v36 =	vld.idx.msk [tilespmem:v51+s30+$0x0], $0xffff;
	v10 =	vmul.f32 v10, v46  }
0x25b: {  	v11 =	vadd.f32 v11, v44;
	v28 =	vmul.f32 v28, v46;
	v56 =	vld.idx.msk [tilespmem:v52+s30+$0x0], $0xffff  }
0x25c: {  	v32 =	vmul.f32 v32, v46;
	v10 =	vadd.f32 v10, v21;
	v17 =	vld.idx.msk [tilespmem:v17+s30+$0x0], $0xffff;
	v21 =	vmul.f32 v22, v46  }
0x25d: {  	v28 =	vadd.f32 v28, v33;
	v43 =	vmul.f32 v43, v46;
	v62 =	vadd.s32 v23, v26;
	v23 =	vld [tilespmem:$0x1FCD0]  }
0x25e: {  	v15 =	vadd.f32 v21, v15;
	v21 =	vmul.f32 v40, v46;
	v40 =	vadd.s32 v25, v26;
	v25 =	vld [tilespmem:$0x1FC90]  }
0x25f: {  	v36 =	vmul.f32 v36, v46;
	v22 =	vmul.f32 v42, v46;
	v42 =	vadd.s32 v27, v26;
	v27 =	vld [tilespmem:$0x1FCB0]  }
0x260: {  	v19 =	vadd.f32 v43, v19;
	v37 =	vmul.f32 v56, v46;
	v43 =	vadd.s32 v29, v26;
	v29 =	vld [tilespmem:$0x1FCE0]  }
0x261: {  	v24 =	vadd.f32 v32, v24;
	v3 =	vld.idx.msk [tilespmem:v3+s30+$0x0], $0xffff;
	v11 =	vadd.f32 v36, v11;
	v32 =	vand.u32 $0xFFFFFFF8, v61  }
0x262: {  	v58 =	vld.idx.msk [tilespmem:v38+s30+$0x0], $0xffff;
	v12 =	vadd.f32 v37, v12;
	v36 =	vand.u32 $0xFFFFFFF8, v62;
	v32 =	vor.u32 v23, v32  }
0x263: {  	v33 =	vld.idx.msk [tilespmem:v57+s30+$0x0], $0xffff;
	v17 =	vmul.f32 v17, v46;
	v37 =	vand.u32 $0xFFFFFFF8, v40;
	v36 =	vor.u32 v25, v36  }
0x264: {  	v38 =	vand.u32 $0xFFFFFFF8, v42;
	v6 =	vld.idx.msk [tilespmem:v6+s30+$0x0], $0xffff;
	v37 =	vor.u32 v27, v37  }
0x265: {  	v13 =	vadd.f32 v17, v13;
	v17 =	vor.u32 v29, v38;
	v16 =	vld.idx.msk [tilespmem:v16+s30+$0x0], $0xffff  }
0x266: {  	v18 =	vmul.f32 v18, v46;
	v60 =	vmul.f32 v53, v46;
	[tilespmem:s26+$0x18C00] =	vst v34  }
0x267: {  	v3 =	vmul.f32 v3, v46;
	v9 =	vmul.f32 v9, v46;
	[tilespmem:v32+s21+$0x0] =	vst.idx.msk $0xffff, v35  }
0x268: {  	v2 =	vadd.f32 v22, v2;
	v22 =	vmul.f32 v58, v46;
	[tilespmem:v36+s21+$0x0] =	vst.idx.msk $0xffff, v20  }
0x269: {  	v47 =	vld [tilespmem:$0x1FD10];
	v44 =	vand.u32 $0xFFFFFFF8, v43;
	v33 =	vmul.f32 v33, v46;
	v6 =	vmul.f32 v6, v46;
	[tilespmem:v37+s21+$0x0] =	vst.idx.msk $0xffff, v28  }
0x26a: {  	v16 =	vmul.f32 v16, v46;
	v46 =	vor.u32 v45, v44;
	[tilespmem:v17+s21+$0x0] =	vst.idx.msk $0xffff, v24;
	v17 =	vld [tilespmem:$0x1FD70];
	_ =	sdelay $0x1  }
0x26b: {  	v50 =	vld [tilespmem:$0x1FD20];
	_ =	sdelay $0x1  }
0x26c: {  	v49 =	vld [tilespmem:$0x1FD30]  }
0x26d: {  	v38 =	vadd.s32 v47, v26;
	[tilespmem:v46+s21+$0x0] =	vst.idx.msk $0xffff, v19;
	v19 =	vld [tilespmem:$0x1FD90];
	v17 =	vadd.s32 v17, v26  }
0x26e: {  	v7 =	vadd.f32 v9, v7;
	v48 =	vand.u32 $0xFFFFFFF8, v38;
	v9 =	vand.u32 $0xFFFFFFF8, v17;
	v17 =	vld [tilespmem:$0x1FD80]  }
0x26f: {  	v20 =	vor.u32 v50, v48  }
0x270: {  	v8 =	vadd.f32 v8, v39;
	v51 =	vld [tilespmem:$0x1FD40];
	_ =	sdelay $0x1  }
0x271: {  	v8 =	vadd.f32 v22, v8  }
0x272: {  	v35 =	vadd.s32 v49, v26;
	v28 =	vld [tilespmem:$0x1FD50];
	v19 =	vadd.s32 v19, v26;
	v17 =	vadd.s32 v17, v26  }
0x273: {  	v22 =	vand.u32 $0xFFFFFFF8, v35;
	[tilespmem:v20+s21+$0x0] =	vst.idx.msk $0xffff, v10;
	v10 =	vand.u32 $0xFFFFFFF8, v17;
	v17 =	vand.u32 $0xFFFFFFF8, v19;
	v19 =	vld [tilespmem:$0x1FDA0]  }
0x274: {  	v22 =	vor.u32 v51, v22;
	v24 =	vld [tilespmem:$0x1FD60];
	_ =	sdelay $0x2  }
0x275: {  	v14 =	vadd.f32 v60, v14;
	v28 =	vadd.s32 v28, v26  }
0x276: {  	v5 =	vadd.f32 v6, v5;
	v20 =	vld [tilespmem:$0x1FDC0];
	v6 =	vand.u32 $0xFFFFFFF8, v28;
	v19 =	vadd.s32 v19, v26  }
0x277: {  	[tilespmem:v22+s21+$0x0] =	vst.idx.msk $0xffff, v14;
	v6 =	vor.u32 v24, v6;
	v14 =	vor.u32 v27, v17;
	v17 =	vand.u32 $0xFFFFFFF8, v19;
	v19 =	vld [tilespmem:$0x1FDB0]  }
0x278: {  	v9 =	vor.u32 v23, v9  }
0x279: {  	v10 =	vor.u32 v25, v10  }
0x27a: {  	v53 =	vld [tilespmem:$0x1FE90]  }
0x27b: {  	v52 =	vld [tilespmem:$0x1FE80];
	v17 =	vor.u32 v29, v17  }
0x27c: {  	v55 =	vld [tilespmem:$0x1FC10];
	v20 =	vadd.s32 v20, v26;
	[tilespmem:v6+s21+$0x0] =	vst.idx.msk $0xffff, v15;
	v19 =	vadd.s32 v19, v26  }
0x27d: {  	v15 =	vand.u32 $0xFFFFFFF8, v20;
	[tilespmem:v9+s21+$0x0] =	vst.idx.msk $0xffff, v2;
	v6 =	vand.u32 $0xFFFFFFF8, v19;
	v19 =	vld [tilespmem:$0x1FDD0]  }
0x27e: {  	[tilespmem:v10+s21+$0x0] =	vst.idx.msk $0xffff, v11;
	v2 =	vor.u32 v45, v6;
	v6 =	vor.u32 v50, v15;
	v15 =	vld [tilespmem:$0x1FDE0]  }
0x27f: {  	v60 =	vld [tilespmem:$0x1FBD0];
	[tilespmem:v14+s21+$0x0] =	vst.idx.msk $0xffff, v12  }
0x280: {  	[tilespmem:v17+s21+$0x0] =	vst.idx.msk $0xffff, v13;
	v13 =	vld [tilespmem:$0x1FE10]  }
0x281: {  	v56 =	vld [tilespmem:$0x1FBF0]  }
0x282: {  	v54 =	vld [tilespmem:$0x1FEA0];
	v19 =	vadd.s32 v19, v26  }
0x283: {  	v9 =	vand.u32 $0xFFFFFFF8, v19;
	v15 =	vadd.s32 v15, v26;
	v19 =	vld [tilespmem:$0x1FDF0]  }
0x284: {  	v21 =	vadd.f32 v21, v41;
	v10 =	vand.u32 $0xFFFFFFF8, v15;
	v15 =	vld [tilespmem:$0x1FE00]  }
0x285: {  	v57 =	vld [tilespmem:$0x1FBE0];
	v13 =	vadd.s32 v13, v26  }
0x286: {  	[tilespmem:v2+s21+$0x0] =	vst.idx.msk $0xffff, v21;
	v2 =	vand.u32 $0xFFFFFFF8, v13;
	v13 =	vld [tilespmem:$0x1FE30]  }
0x287: {  	v58 =	vld [tilespmem:$0x1FC40]  }
0x288: {  	v1 =	vadd.f32 v33, v1;
	v33 =	vld [tilespmem:$0x1FE60];
	v9 =	vor.u32 v51, v9;
	v19 =	vadd.s32 v19, v26  }
0x289: {  	s5 =	simm.s32 $0x0;
	v10 =	vor.u32 v24, v10;
	v24 =	vld [tilespmem:$0x1FE40];
	v11 =	vand.u32 $0xFFFFFFF8, v19;
	v15 =	vadd.s32 v15, v26  }
0x28a: {  	v41 =	vld [tilespmem:$0x1FBC0];
	v14 =	vmov s5;
	v11 =	vor.u32 v23, v11;
	v12 =	vand.u32 $0xFFFFFFF8, v15  }
0x28b: {  	v44 =	vld [tilespmem:$0x1FC00];
	v14 =	vand.u32 $0x3F, v14;
	v13 =	vadd.s32 v13, v26;
	v12 =	vor.u32 v25, v12  }
0x28c: {  	v46 =	vld [tilespmem:$0x1FC20];
	[tilespmem:v6+s21+$0x0] =	vst.idx.msk $0xffff, v8;
	v2 =	vor.u32 v27, v2;
	v8 =	vbroadcast v14, $0x0;
	v6 =	vand.u32 $0xFFFFFFF8, v13  }
0x28d: {  	v0 =	vadd.f32 v3, v0;
	v28 =	vld [tilespmem:$0x1FE50];
	[tilespmem:v9+s21+$0x0] =	vst.idx.msk $0xffff, v5;
	v3 =	vor.u32 v29, v6  }
0x28e: {  	v45 =	vld [tilespmem:$0x1FC60];
	[tilespmem:v10+s21+$0x0] =	vst.idx.msk $0xffff, v7;
	v5 =	vor.u32 v24, v8  }
0x28f: {  	v4 =	vadd.f32 v16, v4;
	v26 =	vld [tilespmem:$0x1FC70];
	[tilespmem:v11+s21+$0x0] =	vst.idx.msk $0xffff, v0  }
0x290: {  	v6 =	vadd.f32 v18, v31;
	v23 =	vld [tilespmem:$0x1FE70];
	v7 =	vor.u32 v53, v8;
	[tilespmem:v12+s21+$0x0] =	vst.idx.msk $0xffff, v1  }
0x291: {  	v9 =	vor.u32 v54, v8;
	v29 =	vld [tilespmem:$0x1FC30];
	[tilespmem:v2+s21+$0x0] =	vst.idx.msk $0xffff, v4  }
0x292: {  	v10 =	vor.u32 v57, v8;
	v25 =	vld [tilespmem:$0x1FC50];
	[tilespmem:v3+s21+$0x0] =	vst.idx.msk $0xffff, v6  }
0x293: {  	v13 =	vor.u32 v58, v8;
	v4 =	vld.idx.msk [tilespmem:v5+s28+$0x0], $0xffff  }
0x294: {  	v14 =	vor.u32 v56, v8;
	v5 =	vld.idx.msk [tilespmem:v5+s29+$0x0], $0xffff  }
0x295: {  	v16 =	vor.u32 v44, v8;
	v7 =	vld.idx.msk [tilespmem:v7+s30+$0x0], $0xffff  }
0x296: {  	v17 =	vor.u32 v45, v8;
	v9 =	vld.idx.msk [tilespmem:v9+s30+$0x0], $0xffff  }
0x297: {  	v18 =	vor.u32 v46, v8;
	v10 =	vld.idx.msk [tilespmem:v10+s30+$0x0], $0xffff  }
0x298: {  	s13 =	simm.s32 $0x1;
	v19 =	vor.u32 v63, v8;
	v13 =	vld.idx.msk [tilespmem:v13+s30+$0x0], $0xffff  }
0x299: {  	v22 =	vmov s13;
	v0 =	vor.u32 v26, v8;
	v14 =	vld.idx.msk [tilespmem:v14+s30+$0x0], $0xffff  }
0x29a: {  	v22 =	vand.u32 $0x3F, v22;
	v11 =	vor.u32 v30, v8;
	v16 =	vld.idx.msk [tilespmem:v16+s30+$0x0], $0xffff  }
0x29b: {  	v22 =	vbroadcast v22, $0x0;
	v20 =	vor.u32 v29, v8;
	v17 =	vld.idx.msk [tilespmem:v17+s30+$0x0], $0xffff  }
0x29c: {  	v1 =	vor.u32 v28, v8;
	v18 =	vld.idx.msk [tilespmem:v18+s30+$0x0], $0xffff  }
0x29d: {  	[tilespmem:$0x1FBA0] =	vst v30;
	v34 =	vor.u32 v53, v22;
	v6 =	vor.u32 v52, v8;
	v19 =	vld.idx.msk [tilespmem:v19+s30+$0x0], $0xffff  }
0x29e: {  	v35 =	vor.u32 v54, v22;
	v39 =	vor.u32 v57, v22;
	v12 =	vor.u32 v55, v8;
	v0 =	vld.idx.msk [tilespmem:v0+s30+$0x0], $0xffff  }
0x29f: {  	v61 =	vor.u32 v30, v22;
	v50 =	vor.u32 v55, v22;
	v15 =	vor.u32 v25, v8;
	v11 =	vld.idx.msk [tilespmem:v11+s30+$0x0], $0xffff  }
0x2a0: {  	v51 =	vor.u32 v58, v22;
	v21 =	vor.u32 v41, v8;
	v2 =	vor.u32 v33, v8;
	v20 =	vld.idx.msk [tilespmem:v20+s30+$0x0], $0xffff  }
0x2a1: {  	v24 =	vor.u32 v24, v22;
	v3 =	vor.u32 v23, v8;
	v1 =	vld.idx.msk [tilespmem:v1+s30+$0x0], $0xffff;
	v5 =	vmul.f32 v5, v4  }
0x2a2: {  	v8 =	vor.u32 v60, v8;
	v6 =	vld.idx.msk [tilespmem:v6+s30+$0x0], $0xffff;
	v7 =	vmul.f32 v7, v4;
	v9 =	vmul.f32 v9, v4  }
0x2a3: {  	v53 =	vor.u32 v56, v22;
	v12 =	vld.idx.msk [tilespmem:v12+s30+$0x0], $0xffff;
	v13 =	vmul.f32 v13, v4;
	v14 =	vmul.f32 v14, v4  }
0x2a4: {  	v26 =	vor.u32 v26, v22;
	v15 =	vld.idx.msk [tilespmem:v15+s30+$0x0], $0xffff;
	v16 =	vmul.f32 v16, v4;
	v17 =	vmul.f32 v17, v4  }
0x2a5: {  	v55 =	vor.u32 v25, v22;
	v2 =	vld.idx.msk [tilespmem:v2+s30+$0x0], $0xffff;
	v18 =	vmul.f32 v18, v4;
	v19 =	vmul.f32 v19, v4  }
0x2a6: {  	v27 =	vmovc v28;
	v31 =	vimm.f32 $0.0e+00;
	v25 =	vmovc v44;
	v3 =	vld.idx.msk [tilespmem:v3+s30+$0x0], $0xffff;
	v0 =	vmul.f32 v0, v4;
	v1 =	vmul.f32 v1, v4  }
0x2a7: {  	v8 =	vld.idx.msk [tilespmem:v8+s30+$0x0], $0xffff;
	v5 =	vadd.f32 v5, v31;
	v38 =	vadd.f32 v7, v31;
	v6 =	vmul.f32 v6, v4  }
0x2a8: {  	v7 =	vld.idx.msk [tilespmem:v21+s30+$0x0], $0xffff;
	v37 =	vadd.f32 v9, v31;
	v9 =	vor.u32 v28, v22;
	v21 =	vor.u32 v23, v22  }
0x2a9: {  	v26 =	vld.idx.msk [tilespmem:v26+s30+$0x0], $0xffff;
	v62 =	vmul.f32 v12, v4;
	v15 =	vmul.f32 v15, v4;
	v49 =	vadd.f32 v6, v31  }
0x2aa: {  	v12 =	vld.idx.msk [tilespmem:v24+s29+$0x0], $0xffff;
	v6 =	vmul.f32 v10, v4;
	v10 =	vmul.f32 v11, v4;
	v11 =	vor.u32 v33, v22  }
0x2ab: {  	v40 =	vadd.f32 v17, v31;
	v0 =	vadd.f32 v0, v31;
	v2 =	vmul.f32 v2, v4;
	v33 =	vld.idx.msk [tilespmem:v24+s28+$0x0], $0xffff  }
0x2ac: {  	v1 =	vadd.f32 v1, v31;
	v3 =	vmul.f32 v3, v4;
	v47 =	vmul.f32 v8, v4;
	v8 =	vld.idx.msk [tilespmem:v39+s30+$0x0], $0xffff  }
0x2ad: {  	v28 =	vor.u32 v52, v22;
	v42 =	vadd.f32 v15, v31;
	v39 =	vadd.f32 v18, v31;
	v24 =	vld.idx.msk [tilespmem:v9+s30+$0x0], $0xffff  }
0x2ae: {  	v52 =	vmul.f32 v20, v4;
	v2 =	vadd.f32 v2, v31;
	v3 =	vadd.f32 v3, v31;
	v21 =	vld.idx.msk [tilespmem:v21+s30+$0x0], $0xffff  }
0x2af: {  	v54 =	vmul.f32 v7, v4;
	v9 =	vor.u32 v44, v22;
	v44 =	vadd.f32 v62, v31;
	v11 =	vld.idx.msk [tilespmem:v11+s30+$0x0], $0xffff  }
0x2b0: {  	v62 =	vld.idx.msk [tilespmem:v34+s30+$0x0], $0xffff;
	v34 =	vadd.f32 v19, v31;
	v7 =	vmul.f32 v26, v33;
	v4 =	vmul.f32 v12, v33  }
0x2b1: {  	[tilespmem:$0x1FBB0] =	vst v63;
	v48 =	vadd.f32 v6, v31;
	v43 =	vadd.f32 v10, v31;
	v10 =	vor.u32 v63, v22  }
0x2b2: {  	v32 =	vadd.f32 v7, v0;
	v20 =	vadd.f32 v4, v5;
	v0 =	vmul.f32 v24, v33;
	v4 =	vld.idx.msk [tilespmem:v28+s30+$0x0], $0xffff  }
0x2b3: {  	v30 =	vmovc v60;
	v36 =	vadd.f32 v54, v31;
	v12 =	vor.u32 v45, v22;
	v45 =	vadd.f32 v14, v31  }
0x2b4: {  	v24 =	vadd.f32 v0, v1;
	v0 =	vmul.f32 v21, v33;
	v21 =	vld.idx.msk [tilespmem:v35+s30+$0x0], $0xffff;
	v5 =	vmul.f32 v11, v33  }
0x2b5: {  	v6 =	vld.idx.msk [tilespmem:v61+s30+$0x0], $0xffff;
	v14 =	vmul.f32 v62, v33;
	v7 =	vor.u32 v46, v22;
	v46 =	vadd.f32 v13, v31  }
0x2b6: {  	v13 =	vor.u32 v60, v22;
	v35 =	vadd.f32 v52, v31;
	v26 =	vadd.f32 v5, v2;
	v2 =	vld.idx.msk [tilespmem:v50+s30+$0x0], $0xffff  }
0x2b7: {  	s23 =	simm.s32 $0x2;
	v11 =	vor.u32 v29, v22;
	v28 =	vadd.f32 v0, v3;
	v1 =	vmul.f32 v4, v33;
	v4 =	vld.idx.msk [tilespmem:v51+s30+$0x0], $0xffff  }
0x2b8: {  	v23 =	vmovc v29;
	v29 =	vmovc v41;
	v0 =	vor.u32 v41, v22;
	v41 =	vadd.f32 v16, v31;
	v3 =	vmov s23;
	v5 =	vld.idx.msk [tilespmem:v53+s30+$0x0], $0xffff  }
0x2b9: {  	s12 =	simm.s32 $0x3;
	v63 =	vmovc v59;
	v16 =	vand.u32 $0x3F, v3;
	v3 =	vld.idx.msk [tilespmem:v55+s30+$0x0], $0xffff;
	v1 =	vadd.f32 v1, v49;
	v15 =	vmul.f32 v21, v33  }
.LBB2_9:
0x2ba: {  	v21 =	vld.idx.msk [tilespmem:v7+s30+$0x0], $0xffff  }
0x2bb: {  	v7 =	vld [tilespmem:$0x1FE70];
	_ =	sdelay $0x2  }
0x2bc: {  	v16 =	vbroadcast v16, $0x0;
	_ =	sdelay $0x1  }
0x2bd: {  	v22 =	vor.u32 v7, v16;
	v7 =	vld [tilespmem:$0x1FE80];
	_ =	sdelay $0x4  }
0x2be: {  	v31 =	vadd.f32 v47, v31;
	v47 =	vor.u32 v7, v16;
	v7 =	vld [tilespmem:$0x1FC70];
	_ =	sdelay $0x2  }
0x2bf: {  	v53 =	vor.u32 v57, v16;
	v57 =	vor.u32 v58, v16;
	v58 =	vld.idx.msk [tilespmem:v0+s30+$0x0], $0xffff  }
0x2c0: {  	v0 =	vld [tilespmem:$0x1FBF0]  }
0x2c1: {  	v49 =	vor.u32 v7, v16;
	v7 =	vld [tilespmem:$0x1FE90];
	_ =	sdelay $0x1  }
0x2c2: {  	v50 =	vld.idx.msk [tilespmem:v10+s30+$0x0], $0xffff  }
0x2c3: {  	v38 =	vadd.f32 v14, v38;
	v14 =	vld.idx.msk [tilespmem:v9+s30+$0x0], $0xffff  }
0x2c4: {  	v59 =	vor.u32 v0, v16;
	v0 =	vld [tilespmem:$0x1FC50]  }
0x2c5: {  	v51 =	vor.u32 v7, v16;
	v7 =	vld [tilespmem:$0x1FEA0]  }
0x2c6: {  	v9 =	vld [tilespmem:$0x1FE40]  }
0x2c7: {  	v54 =	vld.idx.msk [tilespmem:v11+s30+$0x0], $0xffff  }
0x2c8: {  	v61 =	vld.idx.msk [tilespmem:v13+s30+$0x0], $0xffff;
	v18 =	vor.u32 v27, v16  }
0x2c9: {  	v60 =	vor.u32 v0, v16;
	v0 =	vld [tilespmem:$0x1FC60]  }
0x2ca: {  	v52 =	vor.u32 v7, v16;
	v7 =	vld [tilespmem:$0x1FBA0]  }
0x2cb: {  	v8 =	vmul.f32 v8, v33;
	v17 =	vor.u32 v9, v16;
	v9 =	vld [tilespmem:$0x1FE60]  }
0x2cc: {  	v37 =	vadd.f32 v15, v37;
	v15 =	vld.idx.msk [tilespmem:v12+s30+$0x0], $0xffff  }
0x2cd: {  	v4 =	vmul.f32 v4, v33;
	v48 =	vadd.f32 v8, v48;
	v8 =	vld.idx.msk [tilespmem:v18+s30+$0x0], $0xffff  }
0x2ce: {  	v12 =	vor.u32 v0, v16;
	v0 =	vld [tilespmem:$0x1FC20]  }
0x2cf: {  	v46 =	vadd.f32 v4, v46;
	v4 =	vmul.f32 v21, v33;
	v55 =	vor.u32 v7, v16;
	v7 =	vld [tilespmem:$0x1FC10]  }
0x2d0: {  	v21 =	vmul.f32 v58, v33;
	v58 =	vld [tilespmem:$0x1FC40];
	v19 =	vor.u32 v9, v16  }
0x2d1: {  	v39 =	vadd.f32 v4, v39;
	v4 =	vld.idx.msk [tilespmem:v57+s30+$0x0], $0xffff  }
0x2d2: {  	v62 =	vld.idx.msk [tilespmem:v17+s28+$0x0], $0xffff  }
0x2d3: {  	v11 =	vor.u32 v23, v16;
	v13 =	vor.u32 v30, v16;
	v6 =	vmul.f32 v6, v33;
	v17 =	vld.idx.msk [tilespmem:v17+s29+$0x0], $0xffff  }
0x2d4: {  	v2 =	vmul.f32 v2, v33;
	v56 =	vor.u32 v7, v16;
	v7 =	vor.u32 v0, v16;
	v0 =	vld [tilespmem:$0x1FBB0]  }
0x2d5: {  	v5 =	vmul.f32 v5, v33;
	v3 =	vmul.f32 v3, v33;
	v43 =	vadd.f32 v6, v43;
	v6 =	vld.idx.msk [tilespmem:v19+s30+$0x0], $0xffff  }
0x2d6: {  	v44 =	vadd.f32 v2, v44;
	v2 =	vmul.f32 v14, v33;
	v14 =	vmul.f32 v15, v33;
	v57 =	vld [tilespmem:$0x1FBE0]  }
0x2d7: {  	v45 =	vadd.f32 v5, v45;
	v5 =	vmul.f32 v54, v33;
	v42 =	vadd.f32 v3, v42;
	v19 =	vld.idx.msk [tilespmem:v47+s30+$0x0], $0xffff  }
0x2d8: {  	v18 =	vmul.f32 v50, v33;
	v41 =	vadd.f32 v2, v41;
	v15 =	vld.idx.msk [tilespmem:v22+s30+$0x0], $0xffff;
	v3 =	vmul.f32 v17, v62  }
0x2d9: {  	v9 =	vor.u32 v25, v16;
	v10 =	vor.u32 v0, v16;
	v0 =	vor.u32 v29, v16;
	v16 =	vld.idx.msk [tilespmem:v49+s30+$0x0], $0xffff  }
0x2da: {  	v40 =	vadd.f32 v14, v40;
	v20 =	vadd.f32 v3, v20;
	v3 =	vmul.f32 v6, v62;
	v22 =	vld.idx.msk [tilespmem:v51+s30+$0x0], $0xffff  }
0x2db: {  	p0 =	sne.s32 s12, $0x3F;
	v35 =	vadd.f32 v5, v35;
	v34 =	vadd.f32 v18, v34;
	v17 =	vld.idx.msk [tilespmem:v52+s30+$0x0], $0xffff  }
.Ltmp3:
0x2dc: {  	v5 =	vld.idx.msk [tilespmem:v59+s30+$0x0], $0xffff;
	v47 =	vmul.f32 v61, v33;
	v26 =	vadd.f32 v3, v26;
	v3 =	vmul.f32 v19, v62;
	(pc) =	sbr.rel @p0 .LBB2_9-.Ltmp3, $4  }
0x2dd: {  	v36 =	vadd.f32 v21, v36;
	v2 =	vmul.f32 v8, v62;
	v8 =	vld.idx.msk [tilespmem:v53+s30+$0x0], $0xffff;
	v14 =	vmul.f32 v15, v62  }
0x2de: {  	v15 =	vmov s12;
	v33 =	vmovc v62;
	v1 =	vadd.f32 v3, v1;
	v3 =	vld.idx.msk [tilespmem:v60+s30+$0x0], $0xffff;
	v16 =	vmul.f32 v16, v62  }
0x2df: {  	v24 =	vadd.f32 v2, v24;
	v28 =	vadd.f32 v14, v28;
	v14 =	vmul.f32 v22, v62;
	v6 =	vld.idx.msk [tilespmem:v55+s30+$0x0], $0xffff  }
0x2e0: {  	s12 =	sadd.s32 $0x1, s12;
	v2 =	vld.idx.msk [tilespmem:v56+s30+$0x0], $0xffff;
	v32 =	vadd.f32 v16, v32;
	v16 =	vand.u32 $0x3F, v15;
	v15 =	vmul.f32 v17, v33  }
0x2e1: {  	_ =	sdelay $0x2  }
0x2e2: {  	v16 =	vbroadcast v16, $0x0  }
0x2e3: {  	v17 =	vld.idx.msk [tilespmem:v9+s30+$0x0], $0xffff  }
0x2e4: {  	v62 =	vor.u32 v27, v16;
	v27 =	vld [tilespmem:$0x1FE80]  }
0x2e5: {  	v12 =	vld.idx.msk [tilespmem:v12+s30+$0x0], $0xffff  }
0x2e6: {  	v60 =	vld [tilespmem:$0x1FE40]  }
0x2e7: {  	v19 =	vld.idx.msk [tilespmem:v7+s30+$0x0], $0xffff  }
0x2e8: {  	v61 =	vld [tilespmem:$0x1FC70]  }
0x2e9: {  	v49 =	vor.u32 v27, v16;
	v27 =	vld [tilespmem:$0x1FEA0]  }
0x2ea: {  	v7 =	vld.idx.msk [tilespmem:v10+s30+$0x0], $0xffff  }
0x2eb: {  	v9 =	vld.idx.msk [tilespmem:v11+s30+$0x0], $0xffff  }
0x2ec: {  	v0 =	vld.idx.msk [tilespmem:v0+s30+$0x0], $0xffff  }
0x2ed: {  	v55 =	vld [tilespmem:$0x1FE60]  }
0x2ee: {  	v50 =	vor.u32 v27, v16;
	v27 =	vld [tilespmem:$0x1FBA0]  }
0x2ef: {  	v10 =	vld.idx.msk [tilespmem:v13+s30+$0x0], $0xffff  }
0x2f0: {  	v56 =	vld [tilespmem:$0x1FE70]  }
0x2f1: {  	v59 =	vld [tilespmem:$0x1FE90]  }
0x2f2: {  	v51 =	vor.u32 v57, v16;
	v18 =	vor.u32 v60, v16;
	v60 =	vor.u32 v25, v16;
	v25 =	vld [tilespmem:$0x1FC60]  }
0x2f3: {  	v22 =	vor.u32 v55, v16;
	v55 =	vor.u32 v27, v16;
	v27 =	vld [tilespmem:$0x1FC10]  }
0x2f4: {  	v53 =	vld [tilespmem:$0x1FBF0];
	v21 =	vor.u32 v61, v16  }
0x2f5: {  	v13 =	vor.u32 v56, v16;
	v56 =	vld [tilespmem:$0x1FC50]  }
0x2f6: {  	v11 =	vld.idx.msk [tilespmem:v62+s30+$0x0], $0xffff  }
0x2f7: {  	v51 =	vld.idx.msk [tilespmem:v51+s30+$0x0], $0xffff  }
0x2f8: {  	v61 =	vor.u32 v25, v16;
	v25 =	vld [tilespmem:$0x1FC20];
	v52 =	vor.u32 v27, v16;
	v27 =	vor.u32 v58, v16  }
0x2f9: {  	v21 =	vld.idx.msk [tilespmem:v21+s30+$0x0], $0xffff  }
0x2fa: {  	v54 =	vld.idx.msk [tilespmem:v18+s28+$0x0], $0xffff  }
0x2fb: {  	v18 =	vld.idx.msk [tilespmem:v18+s29+$0x0], $0xffff  }
0x2fc: {  	v53 =	vor.u32 v53, v16;
	v62 =	vld.idx.msk [tilespmem:v55+s30+$0x0], $0xffff  }
0x2fd: {  	v55 =	vor.u32 v25, v16;
	v25 =	vld.idx.msk [tilespmem:v27+s30+$0x0], $0xffff  }
0x2fe: {  	[tilespmem:$0x1FB90] =	vst v21;
	v21 =	vor.u32 v59, v16;
	v59 =	vor.u32 v56, v16;
	v27 =	vld [tilespmem:$0x1FBB0]  }
0x2ff: {  	v22 =	vld.idx.msk [tilespmem:v22+s30+$0x0], $0xffff  }
0x300: {  	v13 =	vld.idx.msk [tilespmem:v13+s30+$0x0], $0xffff  }
0x301: {  	v53 =	vld.idx.msk [tilespmem:v53+s30+$0x0], $0xffff  }
0x302: {  	v49 =	vld.idx.msk [tilespmem:v49+s30+$0x0], $0xffff  }
0x303: {  	v56 =	vor.u32 v27, v16;
	v27 =	vld.idx.msk [tilespmem:v59+s30+$0x0], $0xffff;
	v59 =	vor.u32 v29, v16  }
0x304: {  	v58 =	vor.u32 v23, v16;
	v23 =	vld.idx.msk [tilespmem:v60+s30+$0x0], $0xffff  }
0x305: {  	v60 =	vld [tilespmem:$0x1FE20]  }
0x306: {  	s5 =	sor.u32 $0x10, s26;
	v18 =	vmul.f32 v18, v54;
	v29 =	vld.idx.msk [tilespmem:v61+s30+$0x0], $0xffff  }
0x307: {  	v57 =	vmov s5;
	v61 =	vld [tilespmem:$0x1FC80]  }
0x308: {  	v57 =	vmul.u32 $0x14, v57;
	v18 =	vadd.f32 v18, v20;
	v20 =	vmul.f32 v22, v54;
	v22 =	vld.idx.msk [tilespmem:v59+s30+$0x0], $0xffff  }
0x309: {  	v59 =	vld [tilespmem:$0x1FCA0]  }
0x30a: {  	v57 =	vbroadcast v57, $0x0;
	v50 =	vld.idx.msk [tilespmem:v50+s30+$0x0], $0xffff  }
0x30b: {  	v21 =	vld.idx.msk [tilespmem:v21+s30+$0x0], $0xffff;
	v16 =	vor.u32 v30, v16  }
0x30c: {  	v52 =	vld.idx.msk [tilespmem:v52+s30+$0x0], $0xffff;
	v60 =	vadd.s32 v60, v57  }
0x30d: {  	v11 =	vmul.f32 v11, v54;
	v55 =	vld.idx.msk [tilespmem:v55+s30+$0x0], $0xffff;
	v61 =	vadd.s32 v61, v57  }
0x30e: {  	v58 =	vld.idx.msk [tilespmem:v58+s30+$0x0], $0xffff;
	v59 =	vadd.s32 v59, v57  }
0x30f: {  	v13 =	vmul.f32 v13, v54;
	v11 =	vadd.f32 v11, v24;
	v56 =	vld.idx.msk [tilespmem:v56+s30+$0x0], $0xffff  }
0x310: {  	v20 =	vadd.f32 v20, v26;
	v16 =	vld.idx.msk [tilespmem:v16+s30+$0x0], $0xffff;
	[tilespmem:s26+$0x18C10] =	vst v18  }
0x311: {  	[tilespmem:v60+s21+$0x0] =	vst.idx.msk $0xffff, v11;
	v60 =	vadd.f32 v13, v28;
	v13 =	vadd.f32 v14, v38;
	v38 =	vld [tilespmem:$0x1FCC0]  }
0x312: {  	v18 =	vld [tilespmem:$0x1FCF0];
	[tilespmem:v61+s21+$0x0] =	vst.idx.msk $0xffff, v20  }
0x313: {  	[tilespmem:v59+s21+$0x0] =	vst.idx.msk $0xffff, v60;
	v60 =	vld [tilespmem:$0x1FD10]  }
0x314: {  	v8 =	vmul.f32 v8, v33  }
0x315: {  	v2 =	vmul.f32 v2, v33  }
0x316: {  	v8 =	vadd.f32 v8, v48;
	v48 =	vld [tilespmem:$0x1FD90];
	v0 =	vmul.f32 v0, v33;
	v11 =	vadd.s32 v38, v57  }
0x317: {  	v2 =	vadd.f32 v2, v44;
	v44 =	vld [tilespmem:$0x1FD80];
	v18 =	vadd.s32 v18, v57;
	v59 =	vmul.f32 v49, v54  }
0x318: {  	v0 =	vadd.f32 v0, v36;
	v36 =	vld [tilespmem:$0x1FED0];
	v20 =	vmul.f32 v21, v54;
	v21 =	vadd.s32 v60, v57  }
0x319: {  	v15 =	vadd.f32 v15, v37;
	v24 =	vld [tilespmem:$0x1FD30];
	v61 =	vmul.f32 v50, v54;
	v1 =	vadd.f32 v59, v1  }
0x31a: {  	v26 =	vld [tilespmem:$0x1FFD0];
	v13 =	vadd.f32 v20, v13  }
0x31b: {  	v5 =	vmul.f32 v5, v33;
	v38 =	vld [tilespmem:$0x1FD70];
	v14 =	vadd.f32 v61, v15;
	[tilespmem:v11+s21+$0x0] =	vst.idx.msk $0xffff, v1  }
0x31c: {  	v28 =	vld [tilespmem:$0x1FFE0];
	[tilespmem:v18+s21+$0x0] =	vst.idx.msk $0xffff, v13  }
0x31d: {  	v5 =	vadd.f32 v5, v45;
	v49 =	vmul.f32 v53, v54;
	[tilespmem:v21+s21+$0x0] =	vst.idx.msk $0xffff, v14;
	v21 =	vld [tilespmem:$0x1FD50]  }
0x31e: {  	v4 =	vmul.f32 v4, v33;
	v47 =	vadd.f32 v47, v31;
	v15 =	vmul.f32 v6, v33;
	v61 =	vld [tilespmem:$0x1FDA0]  }
0x31f: {  	v20 =	vmul.f32 v51, v54;
	v51 =	vadd.f32 v49, v5;
	v59 =	vmul.f32 v12, v33;
	v49 =	vld [tilespmem:$0x1FDE0]  }
0x320: {  	v24 =	vadd.s32 v24, v57;
	v1 =	vadd.f32 v15, v43;
	v11 =	vadd.s32 v38, v57;
	v38 =	vld [tilespmem:$0x1FDC0]  }
0x321: {  	v43 =	vmul.f32 v52, v54;
	v52 =	vmul.f32 v3, v33;
	v3 =	vadd.f32 v59, v40;
	v59 =	vld [tilespmem:$0x1FE30]  }
0x322: {  	v37 =	vmul.f32 v62, v54;
	v40 =	vmul.f32 v29, v54;
	v29 =	vld [tilespmem:$0x1FEC0];
	v6 =	vadd.s32 v21, v57  }
0x323: {  	v4 =	vadd.f32 v4, v46;
	v45 =	vmul.f32 v7, v33;
	v46 =	vmul.f32 v25, v54;
	v18 =	vld [tilespmem:$0x1FF70]  }
0x324: {  	v8 =	vadd.f32 v20, v8;
	v60 =	vmul.f32 v19, v33;
	v19 =	vld [tilespmem:$0x1FF80];
	v1 =	vadd.f32 v37, v1  }
0x325: {  	v2 =	vadd.f32 v43, v2;
	v43 =	vadd.f32 v40, v3;
	v40 =	vld [tilespmem:$0x1FFC0];
	v14 =	vadd.s32 v44, v57  }
0x326: {  	v53 =	vmul.f32 v17, v33;
	[tilespmem:v24+s21+$0x0] =	vst.idx.msk $0xffff, v8;
	v8 =	vadd.s32 v48, v57;
	v21 =	vld [tilespmem:$0x1FDB0]  }
0x327: {  	v50 =	vadd.f32 v46, v4;
	v4 =	vadd.f32 v60, v39;
	v60 =	vld [tilespmem:$0x1FB90];
	[tilespmem:v6+s21+$0x0] =	vst.idx.msk $0xffff, v1  }
0x328: {  	v62 =	vmul.f32 v27, v54;
	[tilespmem:v11+s21+$0x0] =	vst.idx.msk $0xffff, v2;
	v2 =	vadd.f32 v53, v41;
	v41 =	vld [tilespmem:$0x1FDD0]  }
0x329: {  	v46 =	vmul.f32 v9, v33;
	v5 =	vadd.s32 v61, v57;
	v37 =	vmul.f32 v23, v54;
	v39 =	vld [tilespmem:$0x1FFB0]  }
0x32a: {  	v48 =	vmul.f32 v10, v33;
	v10 =	vadd.s32 v59, v57;
	v59 =	vld [tilespmem:$0x1FF10];
	[tilespmem:v14+s21+$0x0] =	vst.idx.msk $0xffff, v50  }
0x32b: {  	v1 =	vadd.f32 v52, v42;
	[tilespmem:v8+s21+$0x0] =	vst.idx.msk $0xffff, v51;
	v8 =	vadd.s32 v21, v57;
	v51 =	vld [tilespmem:$0x1FDF0]  }
0x32c: {  	v12 =	vadd.s32 v38, v57;
	v42 =	vmul.f32 v55, v54;
	v55 =	vmul.f32 v22, v54;
	v53 =	vld [tilespmem:$0x1FE00]  }
0x32d: {  	v1 =	vadd.f32 v62, v1;
	v50 =	vmul.f32 v56, v54;
	v56 =	vld [tilespmem:$0x1FE10];
	v6 =	vadd.s32 v41, v57  }
0x32e: {  	v52 =	vmul.f32 v58, v54;
	v0 =	vadd.f32 v55, v0;
	v55 =	vld [tilespmem:$0x1FFF0];
	v2 =	vadd.f32 v37, v2  }
0x32f: {  	v44 =	vadd.f32 v42, v4;
	v37 =	vld [tilespmem:$0x1FEE0];
	[tilespmem:v5+s21+$0x0] =	vst.idx.msk $0xffff, v1;
	v5 =	vadd.s32 v49, v57  }
0x330: {  	v1 =	vadd.f32 v45, v34;
	v49 =	vld [tilespmem:$0x1FF60];
	[tilespmem:v8+s21+$0x0] =	vst.idx.msk $0xffff, v2;
	v7 =	vadd.s32 v51, v57  }
0x331: {  	v2 =	vadd.f32 v46, v35;
	v8 =	vadd.s32 v53, v57;
	v35 =	vld [tilespmem:$0x1FEB0];
	[tilespmem:v12+s21+$0x0] =	vst.idx.msk $0xffff, v43  }
0x332: {  	s25 =	sadd.s32 $0x1, s25;
	v1 =	vadd.f32 v50, v1;
	v51 =	vld [tilespmem:$0x1FEF0];
	[tilespmem:v6+s21+$0x0] =	vst.idx.msk $0xffff, v44;
	v6 =	vadd.s32 v56, v57  }
0x333: {  	p0 =	sne.s32 s25, $0x8;
	v3 =	vadd.f32 v48, v47;
	v58 =	vmul.f32 v16, v54;
	v53 =	vld [tilespmem:$0x1FF90];
	v2 =	vadd.f32 v52, v2  }
.Ltmp4:
0x334: {  	v43 =	vld [tilespmem:$0x1FF00];
	[tilespmem:v5+s21+$0x0] =	vst.idx.msk $0xffff, v1;
	v1 =	vmul.f32 v60, v54;
	(pc) =	sbr.rel @p0 .LBB2_2-.Ltmp4, $4  }
0x335: {  	v61 =	vadd.f32 v58, v3;
	v60 =	vld [tilespmem:$0x1FF20];
	[tilespmem:v7+s21+$0x0] =	vst.idx.msk $0xffff, v2  }
0x336: {  	v54 =	vld [tilespmem:$0x1FFA0];
	[tilespmem:v8+s21+$0x0] =	vst.idx.msk $0xffff, v0;
	v62 =	vadd.f32 v1, v32  }
0x337: {  	[tilespmem:v6+s21+$0x0] =	vst.idx.msk $0xffff, v61;
	v61 =	vld [tilespmem:$0x1FF30]  }
0x338: {  	[tilespmem:v10+s21+$0x0] =	vst.idx.msk $0xffff, v62;
	v62 =	vld [tilespmem:$0x1FF40]  }
0x339: {  	s5 =	simm.s32 $0x18C00  }
0x33a: {  	[hbm4b:s8+s2] =	stream.linear.scatter [tilespmem:s5], [sflag:$0x3], $0x200, $0x38;
	[tilespmem:$0x1B600] =	vst v63  }
0x33b: {  	s24 =	sadd.s32 $0x1, s24;
	_ =	swait.ge [sflag:s11], $0x200  }
0x33c: {  	p0 =	sne.s32 s24, s10;
	[sflag:s11] =	ssyncset.done $0x0  }
.Ltmp5:
0x33d: {  	[sflag:s11] =	ssyncadd.s32 $0xFFFFFE00;
	(pc) =	sbr.rel @p0 .LBB2_1-.Ltmp5, $4  }
0x33e: {  	[hbm4b:s9+s2] =	stream.linear.scatter [tilespmem:s21], [sflag:$0x3], $0x2800, $0x38;
	[tilespmem:$0x1B600] =	vst v63  }
0x33f: {  	_ =	swait.ge [sflag:s11], $0x2800  }
0x340: {  	[sflag:s11] =	ssyncset.done $0x0  }
0x341: {  	[sflag:s11] =	ssyncadd.s32 $0xFFFFD800  }
0x342: {  	_ =	sfence.sel $0x180000  }
0x343: {  	[bflag:$0x0] =	sbarrier.arrive $0xFFFF  }
0x344: {  	_ =	strace $0x90000047  }
0x345: {  	s0 =	stileid.u32;
	[bflag:$0x2] =	sbarrier.arrive $0xFFFF  }
0x346: {  	p0 =	sne.s32 s0, $0x0;
	s0 =	rddreg [dreg:$0x5]  }
0x347: {  	s0 =	sadd.s32 @!p0 $0x100000, s0  }
0x348: {  	[sflag:s0] =	ssyncadd.tile.s32 @!p0 $0x1;
	_ =	shalt  }
.Lfunc_end2:
_tile_overlayer_lowered:
.L_overlay_start_2:
0x349: {  	(tag) =	ssettag $0x2  }
0x34a: {  	s0 =	rddreg [dreg:$0x0];
	s2 =	stileid.u32  }
0x34b: {  	s1 =	rddreg [dreg:$0x1];
	p0 =	sne.s32 s2, $0x0  }
0x34c: {  	s3 =	rddreg [dreg:$0x2];
	[bflag:$0x3] =	sbarrier.arrive $0xFFFF;
	s2 =	simm.s32 @!p0 $0x1C03  }
0x34d: {  	[timem:s3], [sflag:s2] =	dma.local @!p0 [hbm:s0], s1  }
0x34e: {  	s0 =	simm.s32 @!p0 $0x3  }
0x34f: {  	_ =	swait.ge @!p0 [sflag:s0], s1  }
0x350: {  	s1 =	ssub.s32 @!p0 $0x0, s1;
	[sflag:s0] =	ssyncset.done @!p0 $0x0  }
0x351: {  	[sflag:s0] =	ssyncadd.s32 @!p0 s1  }
0x352: {  	[bflag:$0x3] =	sbarrier.arrive $0xFFFF  }
0x353: {  	_ =	shalt  }

</sc_bundles>
